<compile_context>
chip_gen: v7x
topology: tpu7x:2x2x1
jax: 0.10.2.dev20260603
libtpu: 0.0.44.dev20260713+nightly
codegen_flags: <defaults>
</compile_context>

<pallas_src>
import functools

import jax
import jax.numpy as jnp
from jax.experimental import pallas as pl
from jax.experimental.pallas import tpu as pltpu
from jax.experimental.pallas import tpu_sc as plsc

H = 20
OUT = 3

_SC_CORES = 2
_SC_SUBCORES = 16
_NW = _SC_CORES * _SC_SUBCORES
_CHUNK = 128
_NBUF = 6


def _sc_mesh():
    return plsc.VectorSubcoreMesh(core_axis_name="c", subcore_axis_name="s")


def _gather_rows(table, idx3):
    per_w = idx3.shape[1]
    n_chunks = _NW * per_w
    d = table.shape[1]

    @functools.partial(
        pl.kernel,
        out_type=jax.ShapeDtypeStruct((n_chunks * _CHUNK, d), jnp.float32),
        mesh=_sc_mesh(),
        scratch_types=[pltpu.VMEM((per_w, _CHUNK), jnp.int32)]
        + [pltpu.VMEM((_CHUNK, d), jnp.float32) for _ in range(_NBUF)]
        + [pltpu.SemaphoreType.DMA for _ in range(2 * _NBUF)],
    )
    def k(table_hbm, idx_hbm, out_hbm, idx_v, *bufs_and_sems):
        bufs = bufs_and_sems[:_NBUF]
        gsem = bufs_and_sems[_NBUF:2 * _NBUF]
        wsem = bufs_and_sems[2 * _NBUF:]
        cid = jax.lax.axis_index("c")
        sid = jax.lax.axis_index("s")
        wid = cid * _SC_SUBCORES + sid
        base = wid * per_w

        pltpu.sync_copy(idx_hbm.at[wid], idx_v)

        n_rounds = -(-per_w // _NBUF)

        @pl.loop(0, n_rounds * _NBUF, step=_NBUF)
        def _(j):
            for b in range(_NBUF):
                c = j + b

                @pl.when(c < per_w)
                def _():
                    @pl.when(j > 0)
                    def _():
                        pltpu.make_async_copy(
                            bufs[b], out_hbm.at[pl.ds(0, _CHUNK)],
                            wsem[b]).wait()

                    pltpu.async_copy(
                        table_hbm.at[idx_v.at[c]], bufs[b], gsem[b])

            for b in range(_NBUF):
                c = j + b

                @pl.when(c < per_w)
                def _():
                    pltpu.make_async_copy(
                        table_hbm.at[pl.ds(0, _CHUNK)], bufs[b],
                        gsem[b]).wait()
                    pltpu.async_copy(
                        bufs[b], out_hbm.at[pl.ds((base + c) * _CHUNK,
                                                  _CHUNK)], wsem[b])

        last = (n_rounds - 1) * _NBUF
        for b in range(_NBUF):
            @pl.when(last + b < per_w)
            def _():
                pltpu.make_async_copy(
                    bufs[b], out_hbm.at[pl.ds(0, _CHUNK)], wsem[b]).wait()

    return k(table, idx3)


def _edge_messages(eat, xj, umatt, smatt, w1t, b1c, w2t, b2c, w3t, b3c,
                   col_off, nblk):
    be = 2560
    grid = (nblk,)
    e = nblk * be

    def body(ea_ref, xj_ref, u_ref, s_ref, w1_ref, b1_ref, w2_ref, b2_ref,
             w3_ref, b3_ref, out_ref):
        at = ea_ref[...]
        ht = jnp.maximum(
            jnp.dot(w1_ref[...], at, preferred_element_type=jnp.float32)
            + b1_ref[...], 0.0)
        ht = jnp.maximum(
            jnp.dot(w2_ref[...], ht, preferred_element_type=jnp.float32)
            + b2_ref[...], 0.0)
        ht = jnp.maximum(
            jnp.dot(w3_ref[...], ht, preferred_element_type=jnp.float32)
            + b3_ref[...], 0.0)
        gt = jax.lax.dot_general(
            u_ref[...], xj_ref[...], (((1,), (1,)), ((), ())),
            preferred_element_type=jnp.float32)
        hgt = jnp.concatenate(
            [jnp.concatenate([ht, ht, ht], axis=0) * gt[0:3 * H, :],
             gt[3 * H:3 * H + OUT, :],
             jnp.ones((1, be), jnp.float32)], axis=0)
        out_ref[...] = jnp.dot(s_ref[...], hgt,
                               preferred_element_type=jnp.float32)

    full = lambda arr: pl.BlockSpec(arr.shape, lambda i: (0,) * arr.ndim)
    return pl.pallas_call(
        body,
        grid=grid,
        in_specs=[
            pl.BlockSpec((eat.shape[0], be), lambda i: (0, i + col_off)),
            pl.BlockSpec((be, xj.shape[1]), lambda i: (i, 0)),
            full(umatt), full(smatt),
            full(w1t), full(b1c), full(w2t), full(b2c), full(w3t), full(b3c),
        ],
        out_specs=pl.BlockSpec((4, be), lambda i: (0, i)),
        out_shape=jax.ShapeDtypeStruct((4, e), jnp.float32),
    )(eat, xj, umatt, smatt, w1t, b1c, w2t, b2c, w3t, b3c)


def _scatter_messages(msgt4, dst3, zeros_n):
    per_w = dst3.shape[1]
    n = zeros_n.shape[0]

    @functools.partial(
        pl.kernel,
        out_type=jax.ShapeDtypeStruct((_SC_CORES, 4, n), jnp.float32),
        mesh=_sc_mesh(),
        scratch_types=[
            pltpu.VMEM((per_w, _CHUNK), jnp.int32),
            pltpu.VMEM((4, per_w, _CHUNK), jnp.float32),
            pltpu.VMEM_SHARED((n,), jnp.float32),
            pltpu.VMEM_SHARED((n,), jnp.float32),
            pltpu.VMEM_SHARED((n,), jnp.float32),
            pltpu.VMEM_SHARED((n,), jnp.float32),
        ] + [pltpu.SemaphoreType.DMA for _ in range(4)],
    )
    def k(msgt_hbm, dst_hbm, z_hbm, out_hbm, idx_v, val_v,
          acc0, acc1, acc2, acc3, s0, s1, s2, s3):
        cid = jax.lax.axis_index("c")
        sid = jax.lax.axis_index("s")
        wid = cid * _SC_SUBCORES + sid
        base = wid * per_w
        accs = [acc0, acc1, acc2, acc3]
        sems = [s0, s1, s2, s3]

        @pl.when(sid == 0)
        def _():
            for o in range(4):
                pltpu.sync_copy(z_hbm, accs[o])

        pltpu.sync_copy(dst_hbm.at[wid], idx_v)
        for o in range(4):
            pltpu.sync_copy(msgt_hbm.at[o, wid], val_v.at[o])
        plsc.subcore_barrier()

        @pl.loop(0, per_w)
        def _(j):
            @pl.when(j > 0)
            def _():
                for o in range(4):
                    pltpu.make_async_copy(
                        val_v.at[o, 0], accs[o].at[idx_v.at[0]],
                        sems[o]).wait()
            for o in range(4):
                pltpu.async_copy(
                    val_v.at[o, j], accs[o].at[idx_v.at[j]], sems[o],
                    add=True)

        for o in range(4):
            pltpu.make_async_copy(
                val_v.at[o, 0], accs[o].at[idx_v.at[0]], sems[o]).wait()

        plsc.subcore_barrier()

        @pl.when(sid == 0)
        def _():
            for o in range(4):
                pltpu.sync_copy(accs[o], out_hbm.at[cid, o])

    return k(msgt4, dst3, zeros_n)


def _finalize(parts, x, roott4, biasc):
    n = x.shape[0]

    def body(p_ref, x_ref, r_ref, b_ref, o_ref):
        s = p_ref[0] + p_ref[1]
        cnt = jnp.maximum(s[3:4, :], 1.0)
        rt = jax.lax.dot_general(
            r_ref[...], x_ref[...], (((1,), (1,)), ((), ())),
            preferred_element_type=jnp.float32)
        o_ref[...] = s[0:OUT, :] / cnt + rt[0:OUT, :] + b_ref[0:OUT, :]

    return pl.pallas_call(
        body,
        out_shape=jax.ShapeDtypeStruct((OUT, n), jnp.float32),
    )(parts, x, roott4, biasc)


def kernel(x, edge_index, edge_attr, W1, b1, W2, b2, W3, b3, W4, b4, root,
           bias):
    n, d = x.shape
    e = edge_attr.shape[0]
    src = edge_index[0].astype(jnp.int32)
    dst = edge_index[1].astype(jnp.int32)

    n_chunks = 2 * (-(-e // (2 * _CHUNK * _NW)) * _NW)
    per_w = n_chunks // _NW
    pad = n_chunks * _CHUNK - e
    half = n_chunks * _CHUNK // 2
    spread = jnp.arange(pad, dtype=jnp.int32) % n
    srcp = jnp.concatenate([src, spread])
    src3a = srcp[:half].reshape(_NW, per_w // 2, _CHUNK)
    src3b = srcp[half:].reshape(_NW, per_w // 2, _CHUNK)
    dst3 = jnp.concatenate([dst, spread]).reshape(_NW, per_w, _CHUNK)

    u2 = W4.reshape(H, d, OUT).transpose(1, 2, 0).reshape(d, H * OUT)
    b4mat = b4.reshape(d, OUT)
    umat = jnp.concatenate(
        [u2, b4mat, jnp.zeros((d, 64 - 3 * H - OUT), jnp.float32)], axis=1)
    sm = jnp.zeros((64, 4), jnp.float32)
    for o in range(OUT):
        sm = sm.at[o * H:(o + 1) * H, o].set(1.0)
        sm = sm.at[3 * H + o, o].set(1.0)
    smatt = sm.at[63, 3].set(1.0).T
    roott4 = jnp.pad(root, ((0, 0), (0, 1))).T
    biasc = jnp.pad(bias, (0, 1)).reshape(4, 1)

    be = 2560
    nblk_a = half // be
    nblk_b = (e - half) // be
    weights = (umat.T, smatt, W1.T, b1.reshape(H, 1), W2.T,
               b2.reshape(H, 1), W3.T, b3.reshape(H, 1))

    xj_a = _gather_rows(x, src3a)
    xj_b = _gather_rows(x, src3b)
    msgt_a = _edge_messages(edge_attr.T, xj_a, *weights, 0, nblk_a)
    msgt_b = _edge_messages(edge_attr.T, xj_b, *weights, nblk_a, nblk_b)
    msgt = jnp.concatenate([msgt_a, msgt_b], axis=1)
    msgt4 = jnp.pad(msgt, ((0, 0), (0, pad))).reshape(
        4, _NW, per_w, _CHUNK)
    parts = _scatter_messages(msgt4, dst3, jnp.zeros((n,), jnp.float32))
    return _finalize(parts, x, roott4, biasc).T

# --- scband reference (transcript-rebuilt; emitter-appended) ---
"""Pipeline reference for scband-gnodec-69140383531670 (READ-ONLY COPY).

The authoritative reference and input builder live on the scoring server;
editing this copy changes nothing except your own understanding.
"""

import jax, jax.numpy as jnp
import numpy as np

N = 10000
E = 320000
D = 128
OUT = 3
EDIM = 6 + D  # 134
H = 20


def setup_inputs(seed: int = 0) -> dict:
    key = jax.random.key(seed)
    ks = jax.random.split(key, 13)
    x = jax.random.normal(ks[0], (N, D), dtype=jnp.float32)
    edge_index = jax.random.randint(ks[1], (2, E), 0, N)
    edge_attr = jax.random.normal(ks[2], (E, EDIM), dtype=jnp.float32)
    # edge MLP params: Linear(134,20) -> ReLU -> Linear(20,20) -> ReLU -> Linear(20,20) -> ReLU -> Linear(20, D*OUT)
    W1 = jax.random.normal(ks[3], (EDIM, H), dtype=jnp.float32) * 0.08
    b1 = jnp.zeros((H,), dtype=jnp.float32)
    W2 = jax.random.normal(ks[4], (H, H), dtype=jnp.float32) * 0.2
    b2 = jnp.zeros((H,), dtype=jnp.float32)
    W3 = jax.random.normal(ks[5], (H, H), dtype=jnp.float32) * 0.2
    b3 = jnp.zeros((H,), dtype=jnp.float32)
    W4 = jax.random.normal(ks[6], (H, D * OUT), dtype=jnp.float32) * 0.2
    b4 = jnp.zeros((D * OUT,), dtype=jnp.float32)
    # NNConv root weight and bias
    root = jax.random.normal(ks[7], (D, OUT), dtype=jnp.float32) * 0.08
    bias = jnp.zeros((OUT,), dtype=jnp.float32)
    return {
        'x': x, 'edge_index': edge_index, 'edge_attr': edge_attr,
        'W1': W1, 'b1': b1, 'W2': W2, 'b2': b2, 'W3': W3, 'b3': b3,
        'W4': W4, 'b4': b4, 'root': root, 'bias': bias,
    }


def _edge_mlp(edge_attr, W1, b1, W2, b2, W3, b3, W4, b4):
    h = jax.nn.relu(edge_attr @ W1 + b1)
    h = jax.nn.relu(h @ W2 + b2)
    h = jax.nn.relu(h @ W3 + b3)
    return h @ W4 + b4


def reference(x, edge_index, edge_attr, W1, b1, W2, b2, W3, b3, W4, b4, root, bias):
    src = edge_index[0]
    dst = edge_index[1]
    # per-edge weight matrices from edge MLP
    w = _edge_mlp(edge_attr, W1, b1, W2, b2, W3, b3, W4, b4).reshape(E, D, OUT)
    # gather source node features
    x_j = jnp.take(x, src, axis=0)  # [E, D]
    # message: x_j (1xD) @ w (DxOUT) per edge
    msg = jnp.einsum('ed,edo->eo', x_j, w)  # [E, OUT]
    # mean aggregation over destination nodes
    summed = jax.ops.segment_sum(msg, dst, num_segments=N)  # [N, OUT]
    cnt = jax.ops.segment_sum(jnp.ones((E,), dtype=msg.dtype), dst, num_segments=N)
    out = summed / jnp.clip(cnt, 1.0, None)[:, None]
    # root weight + bias (PyG NNConv: root_weight=True, bias=True)
    out = out + x @ root + bias
    return out

if __name__ == "__main__":
    import jax
    _d = setup_inputs()
    print(jax.jit(kernel)(*tuple(_d.values())))

</pallas_src>

<mosaic_0001>
#map = affine_map<(d0, d1) -> (0, 0)>
#map1 = affine_map<(d0, d1) -> (0, 0, 0)>
module attributes {stable_mosaic.version = 14 : i64} {
  func.func @k(%arg0: i32, %arg1: i32, %arg2: memref<10000x128xf32, #tpu.memory_space<hbm>>, %arg3: memref<32x40x128xi32, #tpu.memory_space<hbm>>, %arg4: memref<163840x128xf32, #tpu.memory_space<hbm>>, %arg5: memref<40x128xi32, #tpu.memory_space<vmem>>, %arg6: memref<128x128xf32, #tpu.memory_space<vmem>>, %arg7: memref<128x128xf32, #tpu.memory_space<vmem>>, %arg8: memref<128x128xf32, #tpu.memory_space<vmem>>, %arg9: memref<128x128xf32, #tpu.memory_space<vmem>>, %arg10: memref<128x128xf32, #tpu.memory_space<vmem>>, %arg11: memref<128x128xf32, #tpu.memory_space<vmem>>, %arg12: memref<!tpu.dma_semaphore, #tpu.memory_space<semaphore_mem>>, %arg13: memref<!tpu.dma_semaphore, #tpu.memory_space<semaphore_mem>>, %arg14: memref<!tpu.dma_semaphore, #tpu.memory_space<semaphore_mem>>, %arg15: memref<!tpu.dma_semaphore, #tpu.memory_space<semaphore_mem>>, %arg16: memref<!tpu.dma_semaphore, #tpu.memory_space<semaphore_mem>>, %arg17: memref<!tpu.dma_semaphore, #tpu.memory_space<semaphore_mem>>, %arg18: memref<!tpu.dma_semaphore, #tpu.memory_space<semaphore_mem>>, %arg19: memref<!tpu.dma_semaphore, #tpu.memory_space<semaphore_mem>>, %arg20: memref<!tpu.dma_semaphore, #tpu.memory_space<semaphore_mem>>, %arg21: memref<!tpu.dma_semaphore, #tpu.memory_space<semaphore_mem>>, %arg22: memref<!tpu.dma_semaphore, #tpu.memory_space<semaphore_mem>>, %arg23: memref<!tpu.dma_semaphore, #tpu.memory_space<semaphore_mem>>) attributes {dimension_semantics = [#tpu.dimension_semantics<core_parallel>, #tpu.dimension_semantics<subcore_parallel>], iteration_bounds = array<i64: 2, 16>, scalar_prefetch = 0 : i64, scratch_operands = 19 : i64, tpu.core_type = #tpu.core_type<sc_vector_subcore>, window_params = [{transform_indices = #map}, {transform_indices = #map1}, {transform_indices = #map}]} {
    %mul3A = arith.constant 16 : i32
    %mul3A_0 = arith.muli %arg0, %mul3A : i32
    %add3A = arith.addi %mul3A_0, %arg1 : i32
    %mul3A_1 = arith.constant 40 : i32
    %mul3A_2 = arith.muli %add3A, %mul3A_1 : i32
    "tpu.region"() ({
      %run_scoped3A = tpu.sem_alloc : memref<!tpu.dma_semaphore, #tpu.memory_space<semaphore_mem>>
      %dma_start3A = arith.constant 0 : i32
      %dma_start3A_30 = arith.constant 0 : i32
      %dma_start3A_31 = tpu.memref_slice %arg3[%add3A, %dma_start3A, %dma_start3A_30] : memref<32x40x128xi32, #tpu.memory_space<hbm>> -> memref<1x40x128xi32, #tpu.memory_space<hbm>>
      %dma_start3A_32 = tpu.memref_squeeze %dma_start3A_31 : memref<1x40x128xi32, #tpu.memory_space<hbm>> -> memref<40x128xi32, #tpu.memory_space<hbm>>
      %dma_start3A_33 = arith.constant 0 : i32
      %dma_start3A_34 = arith.constant 0 : i32
      %dma_start3A_35 = tpu.memref_slice %arg3[%add3A, %dma_start3A_33, %dma_start3A_34] : memref<32x40x128xi32, #tpu.memory_space<hbm>> -> memref<1x40x128xi32, #tpu.memory_space<hbm>>
      %dma_start3A_36 = tpu.memref_squeeze %dma_start3A_35 : memref<1x40x128xi32, #tpu.memory_space<hbm>> -> memref<40x128xi32, #tpu.memory_space<hbm>>
      tpu.enqueue_dma source(%dma_start3A_36 : memref<40x128xi32, #tpu.memory_space<hbm>>) target(%arg5 : memref<40x128xi32, #tpu.memory_space<vmem>>) target_semaphore(%run_scoped3A : memref<!tpu.dma_semaphore, #tpu.memory_space<semaphore_mem>>)
      %dma_wait3A_37 = arith.constant 0 : i32
      %dma_wait3A_38 = arith.constant 0 : i32
      %dma_wait3A_39 = tpu.memref_slice %arg3[%add3A, %dma_wait3A_37, %dma_wait3A_38] : memref<32x40x128xi32, #tpu.memory_space<hbm>> -> memref<1x40x128xi32, #tpu.memory_space<hbm>>
      %dma_wait3A_40 = tpu.memref_squeeze %dma_wait3A_39 : memref<1x40x128xi32, #tpu.memory_space<hbm>> -> memref<40x128xi32, #tpu.memory_space<hbm>>
      %dma_wait3A_41 = arith.constant 0 : i32
      %dma_wait3A_42 = arith.constant 0 : i32
      %dma_wait3A_43 = tpu.memref_slice %arg3[%add3A, %dma_wait3A_41, %dma_wait3A_42] : memref<32x40x128xi32, #tpu.memory_space<hbm>> -> memref<1x40x128xi32, #tpu.memory_space<hbm>>
      %dma_wait3A_44 = tpu.memref_squeeze %dma_wait3A_43 : memref<1x40x128xi32, #tpu.memory_space<hbm>> -> memref<40x128xi32, #tpu.memory_space<hbm>>
      tpu.wait_dma2 semaphore(%run_scoped3A : memref<!tpu.dma_semaphore, #tpu.memory_space<semaphore_mem>>) src(%dma_wait3A_44 : memref<40x128xi32, #tpu.memory_space<hbm>>) dst(%arg5 : memref<40x128xi32, #tpu.memory_space<vmem>>)
      tpu.yield
    }) : () -> ()
    %scan3A = arith.constant 0 : i32
    %scan3A_3 = arith.constant 7 : i32
    %scan3A_4 = arith.addi %scan3A, %scan3A_3 : i32
    %scan3A_5 = arith.constant 1 : i32
    scf.for %scan3A_30 = %scan3A to %scan3A_4 step %scan3A_5  : i32 {
      %mul3A_31 = arith.constant 6 : i32
      %mul3A_32 = arith.muli %scan3A_30, %mul3A_31 : i32
      %add3A_33 = arith.constant 0 : i32
      %add3A_34 = arith.addi %add3A_33, %mul3A_32 : i32
      %add3A_35 = arith.constant 0 : i32
      %add3A_36 = arith.addi %add3A_34, %add3A_35 : i32
      %lt3A = arith.constant 40 : i32
      %lt3A_37 = arith.cmpi slt, %add3A_36, %lt3A : i32
      %convert_element_type3A = arith.extui %lt3A_37 : i1 to i32
      %cond3A = arith.constant 0 : i32
      %cond3A_38 = arith.cmpi ne, %convert_element_type3A, %cond3A : i32
      scf.if %cond3A_38 {
        %gt3A = arith.constant 0 : i32
        %gt3A_116 = arith.cmpi sgt, %add3A_34, %gt3A : i32
        %convert_element_type3A_117 = arith.extui %gt3A_116 : i1 to i32
        %cond3A_118 = arith.constant 0 : i32
        %cond3A_119 = arith.cmpi ne, %convert_element_type3A_117, %cond3A_118 : i32
        scf.if %cond3A_119 {
          %dma_wait3A_125 = arith.constant 0 : i32
          %dma_wait3A_126 = arith.constant 0 : i32
          %dma_wait3A_127 = tpu.memref_slice %arg4[%dma_wait3A_125, %dma_wait3A_126] : memref<163840x128xf32, #tpu.memory_space<hbm>> -> memref<128x128xf32, #tpu.memory_space<hbm>>
          %dma_wait3A_128 = arith.constant 0 : i32
          %dma_wait3A_129 = arith.constant 0 : i32
          %dma_wait3A_130 = tpu.memref_slice %arg4[%dma_wait3A_128, %dma_wait3A_129] : memref<163840x128xf32, #tpu.memory_space<hbm>> -> memref<128x128xf32, #tpu.memory_space<hbm>>
          tpu.wait_dma2 semaphore(%arg18 : memref<!tpu.dma_semaphore, #tpu.memory_space<semaphore_mem>>) src(%arg6 : memref<128x128xf32, #tpu.memory_space<vmem>>) dst(%dma_wait3A_130 : memref<128x128xf32, #tpu.memory_space<hbm>>)
        } else {
        }
        %dma_start3A = arith.constant 0 : i32
        %dma_start3A_120 = tpu.memref_slice %arg5[%add3A_36, %dma_start3A] : memref<40x128xi32, #tpu.memory_space<vmem>> -> memref<1x128xi32, #tpu.memory_space<vmem>>
        %dma_start3A_121 = tpu.memref_squeeze %dma_start3A_120 : memref<1x128xi32, #tpu.memory_space<vmem>> -> memref<128xi32, #tpu.memory_space<vmem>>
        %dma_start3A_122 = arith.constant 0 : i32
        %dma_start3A_123 = arith.constant 0 : i32
        %dma_start3A_124 = tpu.memref_slice %arg2[%dma_start3A_122, %dma_start3A_123] : memref<10000x128xf32, #tpu.memory_space<hbm>> -> memref<10000x128xf32, #tpu.memory_space<hbm>>
        tpu.enqueue_indirect_dma source(%dma_start3A_124 : memref<10000x128xf32, #tpu.memory_space<hbm>>) target(%arg6 : memref<128x128xf32, #tpu.memory_space<vmem>>) offsets(%dma_start3A_121 : memref<128xi32, #tpu.memory_space<vmem>>) semaphore(%arg12 : memref<!tpu.dma_semaphore, #tpu.memory_space<semaphore_mem>>)
      } else {
      }
      %add3A_39 = arith.constant 1 : i32
      %add3A_40 = arith.addi %add3A_34, %add3A_39 : i32
      %lt3A_41 = arith.constant 40 : i32
      %lt3A_42 = arith.cmpi slt, %add3A_40, %lt3A_41 : i32
      %convert_element_type3A_43 = arith.extui %lt3A_42 : i1 to i32
      %cond3A_44 = arith.constant 0 : i32
      %cond3A_45 = arith.cmpi ne, %convert_element_type3A_43, %cond3A_44 : i32
      scf.if %cond3A_45 {
        %gt3A = arith.constant 0 : i32
        %gt3A_116 = arith.cmpi sgt, %add3A_34, %gt3A : i32
        %convert_element_type3A_117 = arith.extui %gt3A_116 : i1 to i32
        %cond3A_118 = arith.constant 0 : i32
        %cond3A_119 = arith.cmpi ne, %convert_element_type3A_117, %cond3A_118 : i32
        scf.if %cond3A_119 {
          %dma_wait3A_125 = arith.constant 0 : i32
          %dma_wait3A_126 = arith.constant 0 : i32
          %dma_wait3A_127 = tpu.memref_slice %arg4[%dma_wait3A_125, %dma_wait3A_126] : memref<163840x128xf32, #tpu.memory_space<hbm>> -> memref<128x128xf32, #tpu.memory_space<hbm>>
          %dma_wait3A_128 = arith.constant 0 : i32
          %dma_wait3A_129 = arith.constant 0 : i32
          %dma_wait3A_130 = tpu.memref_slice %arg4[%dma_wait3A_128, %dma_wait3A_129] : memref<163840x128xf32, #tpu.memory_space<hbm>> -> memref<128x128xf32, #tpu.memory_space<hbm>>
          tpu.wait_dma2 semaphore(%arg19 : memref<!tpu.dma_semaphore, #tpu.memory_space<semaphore_mem>>) src(%arg7 : memref<128x128xf32, #tpu.memory_space<vmem>>) dst(%dma_wait3A_130 : memref<128x128xf32, #tpu.memory_space<hbm>>)
        } else {
        }
        %dma_start3A = arith.constant 0 : i32
        %dma_start3A_120 = tpu.memref_slice %arg5[%add3A_40, %dma_start3A] : memref<40x128xi32, #tpu.memory_space<vmem>> -> memref<1x128xi32, #tpu.memory_space<vmem>>
        %dma_start3A_121 = tpu.memref_squeeze %dma_start3A_120 : memref<1x128xi32, #tpu.memory_space<vmem>> -> memref<128xi32, #tpu.memory_space<vmem>>
        %dma_start3A_122 = arith.constant 0 : i32
        %dma_start3A_123 = arith.constant 0 : i32
        %dma_start3A_124 = tpu.memref_slice %arg2[%dma_start3A_122, %dma_start3A_123] : memref<10000x128xf32, #tpu.memory_space<hbm>> -> memref<10000x128xf32, #tpu.memory_space<hbm>>
        tpu.enqueue_indirect_dma source(%dma_start3A_124 : memref<10000x128xf32, #tpu.memory_space<hbm>>) target(%arg7 : memref<128x128xf32, #tpu.memory_space<vmem>>) offsets(%dma_start3A_121 : memref<128xi32, #tpu.memory_space<vmem>>) semaphore(%arg13 : memref<!tpu.dma_semaphore, #tpu.memory_space<semaphore_mem>>)
      } else {
      }
      %add3A_46 = arith.constant 2 : i32
      %add3A_47 = arith.addi %add3A_34, %add3A_46 : i32
      %lt3A_48 = arith.constant 40 : i32
      %lt3A_49 = arith.cmpi slt, %add3A_47, %lt3A_48 : i32
      %convert_element_type3A_50 = arith.extui %lt3A_49 : i1 to i32
      %cond3A_51 = arith.constant 0 : i32
      %cond3A_52 = arith.cmpi ne, %convert_element_type3A_50, %cond3A_51 : i32
      scf.if %cond3A_52 {
        %gt3A = arith.constant 0 : i32
        %gt3A_116 = arith.cmpi sgt, %add3A_34, %gt3A : i32
        %convert_element_type3A_117 = arith.extui %gt3A_116 : i1 to i32
        %cond3A_118 = arith.constant 0 : i32
        %cond3A_119 = arith.cmpi ne, %convert_element_type3A_117, %cond3A_118 : i32
        scf.if %cond3A_119 {
          %dma_wait3A_125 = arith.constant 0 : i32
          %dma_wait3A_126 = arith.constant 0 : i32
          %dma_wait3A_127 = tpu.memref_slice %arg4[%dma_wait3A_125, %dma_wait3A_126] : memref<163840x128xf32, #tpu.memory_space<hbm>> -> memref<128x128xf32, #tpu.memory_space<hbm>>
          %dma_wait3A_128 = arith.constant 0 : i32
          %dma_wait3A_129 = arith.constant 0 : i32
          %dma_wait3A_130 = tpu.memref_slice %arg4[%dma_wait3A_128, %dma_wait3A_129] : memref<163840x128xf32, #tpu.memory_space<hbm>> -> memref<128x128xf32, #tpu.memory_space<hbm>>
          tpu.wait_dma2 semaphore(%arg20 : memref<!tpu.dma_semaphore, #tpu.memory_space<semaphore_mem>>) src(%arg8 : memref<128x128xf32, #tpu.memory_space<vmem>>) dst(%dma_wait3A_130 : memref<128x128xf32, #tpu.memory_space<hbm>>)
        } else {
        }
        %dma_start3A = arith.constant 0 : i32
        %dma_start3A_120 = tpu.memref_slice %arg5[%add3A_47, %dma_start3A] : memref<40x128xi32, #tpu.memory_space<vmem>> -> memref<1x128xi32, #tpu.memory_space<vmem>>
        %dma_start3A_121 = tpu.memref_squeeze %dma_start3A_120 : memref<1x128xi32, #tpu.memory_space<vmem>> -> memref<128xi32, #tpu.memory_space<vmem>>
        %dma_start3A_122 = arith.constant 0 : i32
        %dma_start3A_123 = arith.constant 0 : i32
        %dma_start3A_124 = tpu.memref_slice %arg2[%dma_start3A_122, %dma_start3A_123] : memref<10000x128xf32, #tpu.memory_space<hbm>> -> memref<10000x128xf32, #tpu.memory_space<hbm>>
        tpu.enqueue_indirect_dma source(%dma_start3A_124 : memref<10000x128xf32, #tpu.memory_space<hbm>>) target(%arg8 : memref<128x128xf32, #tpu.memory_space<vmem>>) offsets(%dma_start3A_121 : memref<128xi32, #tpu.memory_space<vmem>>) semaphore(%arg14 : memref<!tpu.dma_semaphore, #tpu.memory_space<semaphore_mem>>)
      } else {
      }
      %add3A_53 = arith.constant 3 : i32
      %add3A_54 = arith.addi %add3A_34, %add3A_53 : i32
      %lt3A_55 = arith.constant 40 : i32
      %lt3A_56 = arith.cmpi slt, %add3A_54, %lt3A_55 : i32
      %convert_element_type3A_57 = arith.extui %lt3A_56 : i1 to i32
      %cond3A_58 = arith.constant 0 : i32
      %cond3A_59 = arith.cmpi ne, %convert_element_type3A_57, %cond3A_58 : i32
      scf.if %cond3A_59 {
        %gt3A = arith.constant 0 : i32
        %gt3A_116 = arith.cmpi sgt, %add3A_34, %gt3A : i32
        %convert_element_type3A_117 = arith.extui %gt3A_116 : i1 to i32
        %cond3A_118 = arith.constant 0 : i32
        %cond3A_119 = arith.cmpi ne, %convert_element_type3A_117, %cond3A_118 : i32
        scf.if %cond3A_119 {
          %dma_wait3A_125 = arith.constant 0 : i32
          %dma_wait3A_126 = arith.constant 0 : i32
          %dma_wait3A_127 = tpu.memref_slice %arg4[%dma_wait3A_125, %dma_wait3A_126] : memref<163840x128xf32, #tpu.memory_space<hbm>> -> memref<128x128xf32, #tpu.memory_space<hbm>>
          %dma_wait3A_128 = arith.constant 0 : i32
          %dma_wait3A_129 = arith.constant 0 : i32
          %dma_wait3A_130 = tpu.memref_slice %arg4[%dma_wait3A_128, %dma_wait3A_129] : memref<163840x128xf32, #tpu.memory_space<hbm>> -> memref<128x128xf32, #tpu.memory_space<hbm>>
          tpu.wait_dma2 semaphore(%arg21 : memref<!tpu.dma_semaphore, #tpu.memory_space<semaphore_mem>>) src(%arg9 : memref<128x128xf32, #tpu.memory_space<vmem>>) dst(%dma_wait3A_130 : memref<128x128xf32, #tpu.memory_space<hbm>>)
        } else {
        }
        %dma_start3A = arith.constant 0 : i32
        %dma_start3A_120 = tpu.memref_slice %arg5[%add3A_54, %dma_start3A] : memref<40x128xi32, #tpu.memory_space<vmem>> -> memref<1x128xi32, #tpu.memory_space<vmem>>
        %dma_start3A_121 = tpu.memref_squeeze %dma_start3A_120 : memref<1x128xi32, #tpu.memory_space<vmem>> -> memref<128xi32, #tpu.memory_space<vmem>>
        %dma_start3A_122 = arith.constant 0 : i32
        %dma_start3A_123 = arith.constant 0 : i32
        %dma_start3A_124 = tpu.memref_slice %arg2[%dma_start3A_122, %dma_start3A_123] : memref<10000x128xf32, #tpu.memory_space<hbm>> -> memref<10000x128xf32, #tpu.memory_space<hbm>>
        tpu.enqueue_indirect_dma source(%dma_start3A_124 : memref<10000x128xf32, #tpu.memory_space<hbm>>) target(%arg9 : memref<128x128xf32, #tpu.memory_space<vmem>>) offsets(%dma_start3A_121 : memref<128xi32, #tpu.memory_space<vmem>>) semaphore(%arg15 : memref<!tpu.dma_semaphore, #tpu.memory_space<semaphore_mem>>)
      } else {
      }
      %add3A_60 = arith.constant 4 : i32
      %add3A_61 = arith.addi %add3A_34, %add3A_60 : i32
      %lt3A_62 = arith.constant 40 : i32
      %lt3A_63 = arith.cmpi slt, %add3A_61, %lt3A_62 : i32
      %convert_element_type3A_64 = arith.extui %lt3A_63 : i1 to i32
      %cond3A_65 = arith.constant 0 : i32
      %cond3A_66 = arith.cmpi ne, %convert_element_type3A_64, %cond3A_65 : i32
      scf.if %cond3A_66 {
        %gt3A = arith.constant 0 : i32
        %gt3A_116 = arith.cmpi sgt, %add3A_34, %gt3A : i32
        %convert_element_type3A_117 = arith.extui %gt3A_116 : i1 to i32
        %cond3A_118 = arith.constant 0 : i32
        %cond3A_119 = arith.cmpi ne, %convert_element_type3A_117, %cond3A_118 : i32
        scf.if %cond3A_119 {
          %dma_wait3A_125 = arith.constant 0 : i32
          %dma_wait3A_126 = arith.constant 0 : i32
          %dma_wait3A_127 = tpu.memref_slice %arg4[%dma_wait3A_125, %dma_wait3A_126] : memref<163840x128xf32, #tpu.memory_space<hbm>> -> memref<128x128xf32, #tpu.memory_space<hbm>>
          %dma_wait3A_128 = arith.constant 0 : i32
          %dma_wait3A_129 = arith.constant 0 : i32
          %dma_wait3A_130 = tpu.memref_slice %arg4[%dma_wait3A_128, %dma_wait3A_129] : memref<163840x128xf32, #tpu.memory_space<hbm>> -> memref<128x128xf32, #tpu.memory_space<hbm>>
          tpu.wait_dma2 semaphore(%arg22 : memref<!tpu.dma_semaphore, #tpu.memory_space<semaphore_mem>>) src(%arg10 : memref<128x128xf32, #tpu.memory_space<vmem>>) dst(%dma_wait3A_130 : memref<128x128xf32, #tpu.memory_space<hbm>>)
        } else {
        }
        %dma_start3A = arith.constant 0 : i32
        %dma_start3A_120 = tpu.memref_slice %arg5[%add3A_61, %dma_start3A] : memref<40x128xi32, #tpu.memory_space<vmem>> -> memref<1x128xi32, #tpu.memory_space<vmem>>
        %dma_start3A_121 = tpu.memref_squeeze %dma_start3A_120 : memref<1x128xi32, #tpu.memory_space<vmem>> -> memref<128xi32, #tpu.memory_space<vmem>>
        %dma_start3A_122 = arith.constant 0 : i32
        %dma_start3A_123 = arith.constant 0 : i32
        %dma_start3A_124 = tpu.memref_slice %arg2[%dma_start3A_122, %dma_start3A_123] : memref<10000x128xf32, #tpu.memory_space<hbm>> -> memref<10000x128xf32, #tpu.memory_space<hbm>>
        tpu.enqueue_indirect_dma source(%dma_start3A_124 : memref<10000x128xf32, #tpu.memory_space<hbm>>) target(%arg10 : memref<128x128xf32, #tpu.memory_space<vmem>>) offsets(%dma_start3A_121 : memref<128xi32, #tpu.memory_space<vmem>>) semaphore(%arg16 : memref<!tpu.dma_semaphore, #tpu.memory_space<semaphore_mem>>)
      } else {
      }
      %add3A_67 = arith.constant 5 : i32
      %add3A_68 = arith.addi %add3A_34, %add3A_67 : i32
      %lt3A_69 = arith.constant 40 : i32
      %lt3A_70 = arith.cmpi slt, %add3A_68, %lt3A_69 : i32
      %convert_element_type3A_71 = arith.extui %lt3A_70 : i1 to i32
      %cond3A_72 = arith.constant 0 : i32
      %cond3A_73 = arith.cmpi ne, %convert_element_type3A_71, %cond3A_72 : i32
      scf.if %cond3A_73 {
        %gt3A = arith.constant 0 : i32
        %gt3A_116 = arith.cmpi sgt, %add3A_34, %gt3A : i32
        %convert_element_type3A_117 = arith.extui %gt3A_116 : i1 to i32
        %cond3A_118 = arith.constant 0 : i32
        %cond3A_119 = arith.cmpi ne, %convert_element_type3A_117, %cond3A_118 : i32
        scf.if %cond3A_119 {
          %dma_wait3A_125 = arith.constant 0 : i32
          %dma_wait3A_126 = arith.constant 0 : i32
          %dma_wait3A_127 = tpu.memref_slice %arg4[%dma_wait3A_125, %dma_wait3A_126] : memref<163840x128xf32, #tpu.memory_space<hbm>> -> memref<128x128xf32, #tpu.memory_space<hbm>>
          %dma_wait3A_128 = arith.constant 0 : i32
          %dma_wait3A_129 = arith.constant 0 : i32
          %dma_wait3A_130 = tpu.memref_slice %arg4[%dma_wait3A_128, %dma_wait3A_129] : memref<163840x128xf32, #tpu.memory_space<hbm>> -> memref<128x128xf32, #tpu.memory_space<hbm>>
          tpu.wait_dma2 semaphore(%arg23 : memref<!tpu.dma_semaphore, #tpu.memory_space<semaphore_mem>>) src(%arg11 : memref<128x128xf32, #tpu.memory_space<vmem>>) dst(%dma_wait3A_130 : memref<128x128xf32, #tpu.memory_space<hbm>>)
        } else {
        }
        %dma_start3A = arith.constant 0 : i32
        %dma_start3A_120 = tpu.memref_slice %arg5[%add3A_68, %dma_start3A] : memref<40x128xi32, #tpu.memory_space<vmem>> -> memref<1x128xi32, #tpu.memory_space<vmem>>
        %dma_start3A_121 = tpu.memref_squeeze %dma_start3A_120 : memref<1x128xi32, #tpu.memory_space<vmem>> -> memref<128xi32, #tpu.memory_space<vmem>>
        %dma_start3A_122 = arith.constant 0 : i32
        %dma_start3A_123 = arith.constant 0 : i32
        %dma_start3A_124 = tpu.memref_slice %arg2[%dma_start3A_122, %dma_start3A_123] : memref<10000x128xf32, #tpu.memory_space<hbm>> -> memref<10000x128xf32, #tpu.memory_space<hbm>>
        tpu.enqueue_indirect_dma source(%dma_start3A_124 : memref<10000x128xf32, #tpu.memory_space<hbm>>) target(%arg11 : memref<128x128xf32, #tpu.memory_space<vmem>>) offsets(%dma_start3A_121 : memref<128xi32, #tpu.memory_space<vmem>>) semaphore(%arg17 : memref<!tpu.dma_semaphore, #tpu.memory_space<semaphore_mem>>)
      } else {
      }
      %add3A_74 = arith.constant 0 : i32
      %add3A_75 = arith.addi %add3A_34, %add3A_74 : i32
      %lt3A_76 = arith.constant 40 : i32
      %lt3A_77 = arith.cmpi slt, %add3A_75, %lt3A_76 : i32
      %convert_element_type3A_78 = arith.extui %lt3A_77 : i1 to i32
      %cond3A_79 = arith.constant 0 : i32
      %cond3A_80 = arith.cmpi ne, %convert_element_type3A_78, %cond3A_79 : i32
      scf.if %cond3A_80 {
        %dma_wait3A_116 = arith.constant 0 : i32
        %dma_wait3A_117 = arith.constant 0 : i32
        %dma_wait3A_118 = tpu.memref_slice %arg2[%dma_wait3A_116, %dma_wait3A_117] : memref<10000x128xf32, #tpu.memory_space<hbm>> -> memref<128x128xf32, #tpu.memory_space<hbm>>
        %dma_wait3A_119 = arith.constant 0 : i32
        %dma_wait3A_120 = arith.constant 0 : i32
        %dma_wait3A_121 = tpu.memref_slice %arg2[%dma_wait3A_119, %dma_wait3A_120] : memref<10000x128xf32, #tpu.memory_space<hbm>> -> memref<128x128xf32, #tpu.memory_space<hbm>>
        tpu.wait_dma2 semaphore(%arg12 : memref<!tpu.dma_semaphore, #tpu.memory_space<semaphore_mem>>) src(%dma_wait3A_121 : memref<128x128xf32, #tpu.memory_space<hbm>>) dst(%arg6 : memref<128x128xf32, #tpu.memory_space<vmem>>)
        %add3A_122 = arith.addi %mul3A_2, %add3A_75 : i32
        %mul3A_123 = arith.constant 128 : i32
        %mul3A_124 = arith.muli %add3A_122, %mul3A_123 : i32
        %dma_start3A = arith.constant 0 : i32
        %dma_start3A_125 = tpu.memref_slice %arg4[%mul3A_124, %dma_start3A] : memref<163840x128xf32, #tpu.memory_space<hbm>> -> memref<128x128xf32, #tpu.memory_space<hbm>>
        %dma_start3A_126 = arith.constant 0 : i32
        %dma_start3A_127 = tpu.memref_slice %arg4[%mul3A_124, %dma_start3A_126] : memref<163840x128xf32, #tpu.memory_space<hbm>> -> memref<128x128xf32, #tpu.memory_space<hbm>>
        tpu.enqueue_dma source(%arg6 : memref<128x128xf32, #tpu.memory_space<vmem>>) target(%dma_start3A_127 : memref<128x128xf32, #tpu.memory_space<hbm>>) target_semaphore(%arg18 : memref<!tpu.dma_semaphore, #tpu.memory_space<semaphore_mem>>)
      } else {
      }
      %add3A_81 = arith.constant 1 : i32
      %add3A_82 = arith.addi %add3A_34, %add3A_81 : i32
      %lt3A_83 = arith.constant 40 : i32
      %lt3A_84 = arith.cmpi slt, %add3A_82, %lt3A_83 : i32
      %convert_element_type3A_85 = arith.extui %lt3A_84 : i1 to i32
      %cond3A_86 = arith.constant 0 : i32
      %cond3A_87 = arith.cmpi ne, %convert_element_type3A_85, %cond3A_86 : i32
      scf.if %cond3A_87 {
        %dma_wait3A_116 = arith.constant 0 : i32
        %dma_wait3A_117 = arith.constant 0 : i32
        %dma_wait3A_118 = tpu.memref_slice %arg2[%dma_wait3A_116, %dma_wait3A_117] : memref<10000x128xf32, #tpu.memory_space<hbm>> -> memref<128x128xf32, #tpu.memory_space<hbm>>
        %dma_wait3A_119 = arith.constant 0 : i32
        %dma_wait3A_120 = arith.constant 0 : i32
        %dma_wait3A_121 = tpu.memref_slice %arg2[%dma_wait3A_119, %dma_wait3A_120] : memref<10000x128xf32, #tpu.memory_space<hbm>> -> memref<128x128xf32, #tpu.memory_space<hbm>>
        tpu.wait_dma2 semaphore(%arg13 : memref<!tpu.dma_semaphore, #tpu.memory_space<semaphore_mem>>) src(%dma_wait3A_121 : memref<128x128xf32, #tpu.memory_space<hbm>>) dst(%arg7 : memref<128x128xf32, #tpu.memory_space<vmem>>)
        %add3A_122 = arith.addi %mul3A_2, %add3A_82 : i32
        %mul3A_123 = arith.constant 128 : i32
        %mul3A_124 = arith.muli %add3A_122, %mul3A_123 : i32
        %dma_start3A = arith.constant 0 : i32
        %dma_start3A_125 = tpu.memref_slice %arg4[%mul3A_124, %dma_start3A] : memref<163840x128xf32, #tpu.memory_space<hbm>> -> memref<128x128xf32, #tpu.memory_space<hbm>>
        %dma_start3A_126 = arith.constant 0 : i32
        %dma_start3A_127 = tpu.memref_slice %arg4[%mul3A_124, %dma_start3A_126] : memref<163840x128xf32, #tpu.memory_space<hbm>> -> memref<128x128xf32, #tpu.memory_space<hbm>>
        tpu.enqueue_dma source(%arg7 : memref<128x128xf32, #tpu.memory_space<vmem>>) target(%dma_start3A_127 : memref<128x128xf32, #tpu.memory_space<hbm>>) target_semaphore(%arg19 : memref<!tpu.dma_semaphore, #tpu.memory_space<semaphore_mem>>)
      } else {
      }
      %add3A_88 = arith.constant 2 : i32
      %add3A_89 = arith.addi %add3A_34, %add3A_88 : i32
      %lt3A_90 = arith.constant 40 : i32
      %lt3A_91 = arith.cmpi slt, %add3A_89, %lt3A_90 : i32
      %convert_element_type3A_92 = arith.extui %lt3A_91 : i1 to i32
      %cond3A_93 = arith.constant 0 : i32
      %cond3A_94 = arith.cmpi ne, %convert_element_type3A_92, %cond3A_93 : i32
      scf.if %cond3A_94 {
        %dma_wait3A_116 = arith.constant 0 : i32
        %dma_wait3A_117 = arith.constant 0 : i32
        %dma_wait3A_118 = tpu.memref_slice %arg2[%dma_wait3A_116, %dma_wait3A_117] : memref<10000x128xf32, #tpu.memory_space<hbm>> -> memref<128x128xf32, #tpu.memory_space<hbm>>
        %dma_wait3A_119 = arith.constant 0 : i32
        %dma_wait3A_120 = arith.constant 0 : i32
        %dma_wait3A_121 = tpu.memref_slice %arg2[%dma_wait3A_119, %dma_wait3A_120] : memref<10000x128xf32, #tpu.memory_space<hbm>> -> memref<128x128xf32, #tpu.memory_space<hbm>>
        tpu.wait_dma2 semaphore(%arg14 : memref<!tpu.dma_semaphore, #tpu.memory_space<semaphore_mem>>) src(%dma_wait3A_121 : memref<128x128xf32, #tpu.memory_space<hbm>>) dst(%arg8 : memref<128x128xf32, #tpu.memory_space<vmem>>)
        %add3A_122 = arith.addi %mul3A_2, %add3A_89 : i32
        %mul3A_123 = arith.constant 128 : i32
        %mul3A_124 = arith.muli %add3A_122, %mul3A_123 : i32
        %dma_start3A = arith.constant 0 : i32
        %dma_start3A_125 = tpu.memref_slice %arg4[%mul3A_124, %dma_start3A] : memref<163840x128xf32, #tpu.memory_space<hbm>> -> memref<128x128xf32, #tpu.memory_space<hbm>>
        %dma_start3A_126 = arith.constant 0 : i32
        %dma_start3A_127 = tpu.memref_slice %arg4[%mul3A_124, %dma_start3A_126] : memref<163840x128xf32, #tpu.memory_space<hbm>> -> memref<128x128xf32, #tpu.memory_space<hbm>>
        tpu.enqueue_dma source(%arg8 : memref<128x128xf32, #tpu.memory_space<vmem>>) target(%dma_start3A_127 : memref<128x128xf32, #tpu.memory_space<hbm>>) target_semaphore(%arg20 : memref<!tpu.dma_semaphore, #tpu.memory_space<semaphore_mem>>)
      } else {
      }
      %add3A_95 = arith.constant 3 : i32
      %add3A_96 = arith.addi %add3A_34, %add3A_95 : i32
      %lt3A_97 = arith.constant 40 : i32
      %lt3A_98 = arith.cmpi slt, %add3A_96, %lt3A_97 : i32
      %convert_element_type3A_99 = arith.extui %lt3A_98 : i1 to i32
      %cond3A_100 = arith.constant 0 : i32
      %cond3A_101 = arith.cmpi ne, %convert_element_type3A_99, %cond3A_100 : i32
      scf.if %cond3A_101 {
        %dma_wait3A_116 = arith.constant 0 : i32
        %dma_wait3A_117 = arith.constant 0 : i32
        %dma_wait3A_118 = tpu.memref_slice %arg2[%dma_wait3A_116, %dma_wait3A_117] : memref<10000x128xf32, #tpu.memory_space<hbm>> -> memref<128x128xf32, #tpu.memory_space<hbm>>
        %dma_wait3A_119 = arith.constant 0 : i32
        %dma_wait3A_120 = arith.constant 0 : i32
        %dma_wait3A_121 = tpu.memref_slice %arg2[%dma_wait3A_119, %dma_wait3A_120] : memref<10000x128xf32, #tpu.memory_space<hbm>> -> memref<128x128xf32, #tpu.memory_space<hbm>>
        tpu.wait_dma2 semaphore(%arg15 : memref<!tpu.dma_semaphore, #tpu.memory_space<semaphore_mem>>) src(%dma_wait3A_121 : memref<128x128xf32, #tpu.memory_space<hbm>>) dst(%arg9 : memref<128x128xf32, #tpu.memory_space<vmem>>)
        %add3A_122 = arith.addi %mul3A_2, %add3A_96 : i32
        %mul3A_123 = arith.constant 128 : i32
        %mul3A_124 = arith.muli %add3A_122, %mul3A_123 : i32
        %dma_start3A = arith.constant 0 : i32
        %dma_start3A_125 = tpu.memref_slice %arg4[%mul3A_124, %dma_start3A] : memref<163840x128xf32, #tpu.memory_space<hbm>> -> memref<128x128xf32, #tpu.memory_space<hbm>>
        %dma_start3A_126 = arith.constant 0 : i32
        %dma_start3A_127 = tpu.memref_slice %arg4[%mul3A_124, %dma_start3A_126] : memref<163840x128xf32, #tpu.memory_space<hbm>> -> memref<128x128xf32, #tpu.memory_space<hbm>>
        tpu.enqueue_dma source(%arg9 : memref<128x128xf32, #tpu.memory_space<vmem>>) target(%dma_start3A_127 : memref<128x128xf32, #tpu.memory_space<hbm>>) target_semaphore(%arg21 : memref<!tpu.dma_semaphore, #tpu.memory_space<semaphore_mem>>)
      } else {
      }
      %add3A_102 = arith.constant 4 : i32
      %add3A_103 = arith.addi %add3A_34, %add3A_102 : i32
      %lt3A_104 = arith.constant 40 : i32
      %lt3A_105 = arith.cmpi slt, %add3A_103, %lt3A_104 : i32
      %convert_element_type3A_106 = arith.extui %lt3A_105 : i1 to i32
      %cond3A_107 = arith.constant 0 : i32
      %cond3A_108 = arith.cmpi ne, %convert_element_type3A_106, %cond3A_107 : i32
      scf.if %cond3A_108 {
        %dma_wait3A_116 = arith.constant 0 : i32
        %dma_wait3A_117 = arith.constant 0 : i32
        %dma_wait3A_118 = tpu.memref_slice %arg2[%dma_wait3A_116, %dma_wait3A_117] : memref<10000x128xf32, #tpu.memory_space<hbm>> -> memref<128x128xf32, #tpu.memory_space<hbm>>
        %dma_wait3A_119 = arith.constant 0 : i32
        %dma_wait3A_120 = arith.constant 0 : i32
        %dma_wait3A_121 = tpu.memref_slice %arg2[%dma_wait3A_119, %dma_wait3A_120] : memref<10000x128xf32, #tpu.memory_space<hbm>> -> memref<128x128xf32, #tpu.memory_space<hbm>>
        tpu.wait_dma2 semaphore(%arg16 : memref<!tpu.dma_semaphore, #tpu.memory_space<semaphore_mem>>) src(%dma_wait3A_121 : memref<128x128xf32, #tpu.memory_space<hbm>>) dst(%arg10 : memref<128x128xf32, #tpu.memory_space<vmem>>)
        %add3A_122 = arith.addi %mul3A_2, %add3A_103 : i32
        %mul3A_123 = arith.constant 128 : i32
        %mul3A_124 = arith.muli %add3A_122, %mul3A_123 : i32
        %dma_start3A = arith.constant 0 : i32
        %dma_start3A_125 = tpu.memref_slice %arg4[%mul3A_124, %dma_start3A] : memref<163840x128xf32, #tpu.memory_space<hbm>> -> memref<128x128xf32, #tpu.memory_space<hbm>>
        %dma_start3A_126 = arith.constant 0 : i32
        %dma_start3A_127 = tpu.memref_slice %arg4[%mul3A_124, %dma_start3A_126] : memref<163840x128xf32, #tpu.memory_space<hbm>> -> memref<128x128xf32, #tpu.memory_space<hbm>>
        tpu.enqueue_dma source(%arg10 : memref<128x128xf32, #tpu.memory_space<vmem>>) target(%dma_start3A_127 : memref<128x128xf32, #tpu.memory_space<hbm>>) target_semaphore(%arg22 : memref<!tpu.dma_semaphore, #tpu.memory_space<semaphore_mem>>)
      } else {
      }
      %add3A_109 = arith.constant 5 : i32
      %add3A_110 = arith.addi %add3A_34, %add3A_109 : i32
      %lt3A_111 = arith.constant 40 : i32
      %lt3A_112 = arith.cmpi slt, %add3A_110, %lt3A_111 : i32
      %convert_element_type3A_113 = arith.extui %lt3A_112 : i1 to i32
      %cond3A_114 = arith.constant 0 : i32
      %cond3A_115 = arith.cmpi ne, %convert_element_type3A_113, %cond3A_114 : i32
      scf.if %cond3A_115 {
        %dma_wait3A_116 = arith.constant 0 : i32
        %dma_wait3A_117 = arith.constant 0 : i32
        %dma_wait3A_118 = tpu.memref_slice %arg2[%dma_wait3A_116, %dma_wait3A_117] : memref<10000x128xf32, #tpu.memory_space<hbm>> -> memref<128x128xf32, #tpu.memory_space<hbm>>
        %dma_wait3A_119 = arith.constant 0 : i32
        %dma_wait3A_120 = arith.constant 0 : i32
        %dma_wait3A_121 = tpu.memref_slice %arg2[%dma_wait3A_119, %dma_wait3A_120] : memref<10000x128xf32, #tpu.memory_space<hbm>> -> memref<128x128xf32, #tpu.memory_space<hbm>>
        tpu.wait_dma2 semaphore(%arg17 : memref<!tpu.dma_semaphore, #tpu.memory_space<semaphore_mem>>) src(%dma_wait3A_121 : memref<128x128xf32, #tpu.memory_space<hbm>>) dst(%arg11 : memref<128x128xf32, #tpu.memory_space<vmem>>)
        %add3A_122 = arith.addi %mul3A_2, %add3A_110 : i32
        %mul3A_123 = arith.constant 128 : i32
        %mul3A_124 = arith.muli %add3A_122, %mul3A_123 : i32
        %dma_start3A = arith.constant 0 : i32
        %dma_start3A_125 = tpu.memref_slice %arg4[%mul3A_124, %dma_start3A] : memref<163840x128xf32, #tpu.memory_space<hbm>> -> memref<128x128xf32, #tpu.memory_space<hbm>>
        %dma_start3A_126 = arith.constant 0 : i32
        %dma_start3A_127 = tpu.memref_slice %arg4[%mul3A_124, %dma_start3A_126] : memref<163840x128xf32, #tpu.memory_space<hbm>> -> memref<128x128xf32, #tpu.memory_space<hbm>>
        tpu.enqueue_dma source(%arg11 : memref<128x128xf32, #tpu.memory_space<vmem>>) target(%dma_start3A_127 : memref<128x128xf32, #tpu.memory_space<hbm>>) target_semaphore(%arg23 : memref<!tpu.dma_semaphore, #tpu.memory_space<semaphore_mem>>)
      } else {
      }
    }
    %scan3A_6 = arith.constant 7 : i32
    %dma_wait3A = arith.constant 0 : i32
    %dma_wait3A_7 = arith.constant 0 : i32
    %dma_wait3A_8 = tpu.memref_slice %arg4[%dma_wait3A, %dma_wait3A_7] : memref<163840x128xf32, #tpu.memory_space<hbm>> -> memref<128x128xf32, #tpu.memory_space<hbm>>
    %dma_wait3A_9 = arith.constant 0 : i32
    %dma_wait3A_10 = arith.constant 0 : i32
    %dma_wait3A_11 = tpu.memref_slice %arg4[%dma_wait3A_9, %dma_wait3A_10] : memref<163840x128xf32, #tpu.memory_space<hbm>> -> memref<128x128xf32, #tpu.memory_space<hbm>>
    tpu.wait_dma2 semaphore(%arg18 : memref<!tpu.dma_semaphore, #tpu.memory_space<semaphore_mem>>) src(%arg6 : memref<128x128xf32, #tpu.memory_space<vmem>>) dst(%dma_wait3A_11 : memref<128x128xf32, #tpu.memory_space<hbm>>)
    %dma_wait3A_12 = arith.constant 0 : i32
    %dma_wait3A_13 = arith.constant 0 : i32
    %dma_wait3A_14 = tpu.memref_slice %arg4[%dma_wait3A_12, %dma_wait3A_13] : memref<163840x128xf32, #tpu.memory_space<hbm>> -> memref<128x128xf32, #tpu.memory_space<hbm>>
    %dma_wait3A_15 = arith.constant 0 : i32
    %dma_wait3A_16 = arith.constant 0 : i32
    %dma_wait3A_17 = tpu.memref_slice %arg4[%dma_wait3A_15, %dma_wait3A_16] : memref<163840x128xf32, #tpu.memory_space<hbm>> -> memref<128x128xf32, #tpu.memory_space<hbm>>
    tpu.wait_dma2 semaphore(%arg19 : memref<!tpu.dma_semaphore, #tpu.memory_space<semaphore_mem>>) src(%arg7 : memref<128x128xf32, #tpu.memory_space<vmem>>) dst(%dma_wait3A_17 : memref<128x128xf32, #tpu.memory_space<hbm>>)
    %dma_wait3A_18 = arith.constant 0 : i32
    %dma_wait3A_19 = arith.constant 0 : i32
    %dma_wait3A_20 = tpu.memref_slice %arg4[%dma_wait3A_18, %dma_wait3A_19] : memref<163840x128xf32, #tpu.memory_space<hbm>> -> memref<128x128xf32, #tpu.memory_space<hbm>>
    %dma_wait3A_21 = arith.constant 0 : i32
    %dma_wait3A_22 = arith.constant 0 : i32
    %dma_wait3A_23 = tpu.memref_slice %arg4[%dma_wait3A_21, %dma_wait3A_22] : memref<163840x128xf32, #tpu.memory_space<hbm>> -> memref<128x128xf32, #tpu.memory_space<hbm>>
    tpu.wait_dma2 semaphore(%arg20 : memref<!tpu.dma_semaphore, #tpu.memory_space<semaphore_mem>>) src(%arg8 : memref<128x128xf32, #tpu.memory_space<vmem>>) dst(%dma_wait3A_23 : memref<128x128xf32, #tpu.memory_space<hbm>>)
    %dma_wait3A_24 = arith.constant 0 : i32
    %dma_wait3A_25 = arith.constant 0 : i32
    %dma_wait3A_26 = tpu.memref_slice %arg4[%dma_wait3A_24, %dma_wait3A_25] : memref<163840x128xf32, #tpu.memory_space<hbm>> -> memref<128x128xf32, #tpu.memory_space<hbm>>
    %dma_wait3A_27 = arith.constant 0 : i32
    %dma_wait3A_28 = arith.constant 0 : i32
    %dma_wait3A_29 = tpu.memref_slice %arg4[%dma_wait3A_27, %dma_wait3A_28] : memref<163840x128xf32, #tpu.memory_space<hbm>> -> memref<128x128xf32, #tpu.memory_space<hbm>>
    tpu.wait_dma2 semaphore(%arg21 : memref<!tpu.dma_semaphore, #tpu.memory_space<semaphore_mem>>) src(%arg9 : memref<128x128xf32, #tpu.memory_space<vmem>>) dst(%dma_wait3A_29 : memref<128x128xf32, #tpu.memory_space<hbm>>)
    return
  }
}

#map = affine_map<(d0, d1) -> (0, 0)>
#map1 = affine_map<(d0, d1) -> (0, 0, 0)>
module attributes {stable_mosaic.version = 14 : i64} {
  func.func @k(%arg0: i32, %arg1: i32, %arg2: memref<10000x128xf32, #tpu.memory_space<hbm>>, %arg3: memref<32x40x128xi32, #tpu.memory_space<hbm>>, %arg4: memref<163840x128xf32, #tpu.memory_space<hbm>>, %arg5: memref<40x128xi32, #tpu.memory_space<vmem>>, %arg6: memref<128x128xf32, #tpu.memory_space<vmem>>, %arg7: memref<128x128xf32, #tpu.memory_space<vmem>>, %arg8: memref<128x128xf32, #tpu.memory_space<vmem>>, %arg9: memref<128x128xf32, #tpu.memory_space<vmem>>, %arg10: memref<128x128xf32, #tpu.memory_space<vmem>>, %arg11: memref<128x128xf32, #tpu.memory_space<vmem>>, %arg12: memref<!tpu.dma_semaphore, #tpu.memory_space<semaphore_mem>>, %arg13: memref<!tpu.dma_semaphore, #tpu.memory_space<semaphore_mem>>, %arg14: memref<!tpu.dma_semaphore, #tpu.memory_space<semaphore_mem>>, %arg15: memref<!tpu.dma_semaphore, #tpu.memory_space<semaphore_mem>>, %arg16: memref<!tpu.dma_semaphore, #tpu.memory_space<semaphore_mem>>, %arg17: memref<!tpu.dma_semaphore, #tpu.memory_space<semaphore_mem>>, %arg18: memref<!tpu.dma_semaphore, #tpu.memory_space<semaphore_mem>>, %arg19: memref<!tpu.dma_semaphore, #tpu.memory_space<semaphore_mem>>, %arg20: memref<!tpu.dma_semaphore, #tpu.memory_space<semaphore_mem>>, %arg21: memref<!tpu.dma_semaphore, #tpu.memory_space<semaphore_mem>>, %arg22: memref<!tpu.dma_semaphore, #tpu.memory_space<semaphore_mem>>, %arg23: memref<!tpu.dma_semaphore, #tpu.memory_space<semaphore_mem>>) attributes {dimension_semantics = [#tpu.dimension_semantics<core_parallel>, #tpu.dimension_semantics<subcore_parallel>], iteration_bounds = array<i64: 2, 16>, scalar_prefetch = 0 : i64, scratch_operands = 19 : i64, tpu.core_type = #tpu.core_type<sc_vector_subcore>, window_params = [{transform_indices = #map}, {transform_indices = #map1}, {transform_indices = #map}]} {
    %mul3A = arith.constant 16 : i32
    %mul3A_0 = arith.muli %arg0, %mul3A : i32
    %add3A = arith.addi %mul3A_0, %arg1 : i32
    %mul3A_1 = arith.constant 40 : i32
    %mul3A_2 = arith.muli %add3A, %mul3A_1 : i32
    "tpu.region"() ({
      %run_scoped3A = tpu.sem_alloc : memref<!tpu.dma_semaphore, #tpu.memory_space<semaphore_mem>>
      %dma_start3A = arith.constant 0 : i32
      %dma_start3A_30 = arith.constant 0 : i32
      %dma_start3A_31 = tpu.memref_slice %arg3[%add3A, %dma_start3A, %dma_start3A_30] : memref<32x40x128xi32, #tpu.memory_space<hbm>> -> memref<1x40x128xi32, #tpu.memory_space<hbm>>
      %dma_start3A_32 = tpu.memref_squeeze %dma_start3A_31 : memref<1x40x128xi32, #tpu.memory_space<hbm>> -> memref<40x128xi32, #tpu.memory_space<hbm>>
      %dma_start3A_33 = arith.constant 0 : i32
      %dma_start3A_34 = arith.constant 0 : i32
      %dma_start3A_35 = tpu.memref_slice %arg3[%add3A, %dma_start3A_33, %dma_start3A_34] : memref<32x40x128xi32, #tpu.memory_space<hbm>> -> memref<1x40x128xi32, #tpu.memory_space<hbm>>
      %dma_start3A_36 = tpu.memref_squeeze %dma_start3A_35 : memref<1x40x128xi32, #tpu.memory_space<hbm>> -> memref<40x128xi32, #tpu.memory_space<hbm>>
      tpu.enqueue_dma source(%dma_start3A_36 : memref<40x128xi32, #tpu.memory_space<hbm>>) target(%arg5 : memref<40x128xi32, #tpu.memory_space<vmem>>) target_semaphore(%run_scoped3A : memref<!tpu.dma_semaphore, #tpu.memory_space<semaphore_mem>>)
      %dma_wait3A_37 = arith.constant 0 : i32
      %dma_wait3A_38 = arith.constant 0 : i32
      %dma_wait3A_39 = tpu.memref_slice %arg3[%add3A, %dma_wait3A_37, %dma_wait3A_38] : memref<32x40x128xi32, #tpu.memory_space<hbm>> -> memref<1x40x128xi32, #tpu.memory_space<hbm>>
      %dma_wait3A_40 = tpu.memref_squeeze %dma_wait3A_39 : memref<1x40x128xi32, #tpu.memory_space<hbm>> -> memref<40x128xi32, #tpu.memory_space<hbm>>
      %dma_wait3A_41 = arith.constant 0 : i32
      %dma_wait3A_42 = arith.constant 0 : i32
      %dma_wait3A_43 = tpu.memref_slice %arg3[%add3A, %dma_wait3A_41, %dma_wait3A_42] : memref<32x40x128xi32, #tpu.memory_space<hbm>> -> memref<1x40x128xi32, #tpu.memory_space<hbm>>
      %dma_wait3A_44 = tpu.memref_squeeze %dma_wait3A_43 : memref<1x40x128xi32, #tpu.memory_space<hbm>> -> memref<40x128xi32, #tpu.memory_space<hbm>>
      tpu.wait_dma2 semaphore(%run_scoped3A : memref<!tpu.dma_semaphore, #tpu.memory_space<semaphore_mem>>) src(%dma_wait3A_44 : memref<40x128xi32, #tpu.memory_space<hbm>>) dst(%arg5 : memref<40x128xi32, #tpu.memory_space<vmem>>)
      tpu.yield
    }) : () -> ()
    %scan3A = arith.constant 0 : i32
    %scan3A_3 = arith.constant 7 : i32
    %scan3A_4 = arith.addi %scan3A, %scan3A_3 : i32
    %scan3A_5 = arith.constant 1 : i32
    scf.for %scan3A_30 = %scan3A to %scan3A_4 step %scan3A_5  : i32 {
      %mul3A_31 = arith.constant 6 : i32
      %mul3A_32 = arith.muli %scan3A_30, %mul3A_31 : i32
      %add3A_33 = arith.constant 0 : i32
      %add3A_34 = arith.addi %add3A_33, %mul3A_32 : i32
      %add3A_35 = arith.constant 0 : i32
      %add3A_36 = arith.addi %add3A_34, %add3A_35 : i32
      %lt3A = arith.constant 40 : i32
      %lt3A_37 = arith.cmpi slt, %add3A_36, %lt3A : i32
      %convert_element_type3A = arith.extui %lt3A_37 : i1 to i32
      %cond3A = arith.constant 0 : i32
      %cond3A_38 = arith.cmpi ne, %convert_element_type3A, %cond3A : i32
      scf.if %cond3A_38 {
        %gt3A = arith.constant 0 : i32
        %gt3A_116 = arith.cmpi sgt, %add3A_34, %gt3A : i32
        %convert_element_type3A_117 = arith.extui %gt3A_116 : i1 to i32
        %cond3A_118 = arith.constant 0 : i32
        %cond3A_119 = arith.cmpi ne, %convert_element_type3A_117, %cond3A_118 : i32
        scf.if %cond3A_119 {
          %dma_wait3A_125 = arith.constant 0 : i32
          %dma_wait3A_126 = arith.constant 0 : i32
          %dma_wait3A_127 = tpu.memref_slice %arg4[%dma_wait3A_125, %dma_wait3A_126] : memref<163840x128xf32, #tpu.memory_space<hbm>> -> memref<128x128xf32, #tpu.memory_space<hbm>>
          %dma_wait3A_128 = arith.constant 0 : i32
          %dma_wait3A_129 = arith.constant 0 : i32
          %dma_wait3A_130 = tpu.memref_slice %arg4[%dma_wait3A_128, %dma_wait3A_129] : memref<163840x128xf32, #tpu.memory_space<hbm>> -> memref<128x128xf32, #tpu.memory_space<hbm>>
          tpu.wait_dma2 semaphore(%arg18 : memref<!tpu.dma_semaphore, #tpu.memory_space<semaphore_mem>>) src(%arg6 : memref<128x128xf32, #tpu.memory_space<vmem>>) dst(%dma_wait3A_130 : memref<128x128xf32, #tpu.memory_space<hbm>>)
        } else {
        }
        %dma_start3A = arith.constant 0 : i32
        %dma_start3A_120 = tpu.memref_slice %arg5[%add3A_36, %dma_start3A] : memref<40x128xi32, #tpu.memory_space<vmem>> -> memref<1x128xi32, #tpu.memory_space<vmem>>
        %dma_start3A_121 = tpu.memref_squeeze %dma_start3A_120 : memref<1x128xi32, #tpu.memory_space<vmem>> -> memref<128xi32, #tpu.memory_space<vmem>>
        %dma_start3A_122 = arith.constant 0 : i32
        %dma_start3A_123 = arith.constant 0 : i32
        %dma_start3A_124 = tpu.memref_slice %arg2[%dma_start3A_122, %dma_start3A_123] : memref<10000x128xf32, #tpu.memory_space<hbm>> -> memref<10000x128xf32, #tpu.memory_space<hbm>>
        tpu.enqueue_indirect_dma source(%dma_start3A_124 : memref<10000x128xf32, #tpu.memory_space<hbm>>) target(%arg6 : memref<128x128xf32, #tpu.memory_space<vmem>>) offsets(%dma_start3A_121 : memref<128xi32, #tpu.memory_space<vmem>>) semaphore(%arg12 : memref<!tpu.dma_semaphore, #tpu.memory_space<semaphore_mem>>)
      } else {
      }
      %add3A_39 = arith.constant 1 : i32
      %add3A_40 = arith.addi %add3A_34, %add3A_39 : i32
      %lt3A_41 = arith.constant 40 : i32
      %lt3A_42 = arith.cmpi slt, %add3A_40, %lt3A_41 : i32
      %convert_element_type3A_43 = arith.extui %lt3A_42 : i1 to i32
      %cond3A_44 = arith.constant 0 : i32
      %cond3A_45 = arith.cmpi ne, %convert_element_type3A_43, %cond3A_44 : i32
      scf.if %cond3A_45 {
        %gt3A = arith.constant 0 : i32
        %gt3A_116 = arith.cmpi sgt, %add3A_34, %gt3A : i32
        %convert_element_type3A_117 = arith.extui %gt3A_116 : i1 to i32
        %cond3A_118 = arith.constant 0 : i32
        %cond3A_119 = arith.cmpi ne, %convert_element_type3A_117, %cond3A_118 : i32
        scf.if %cond3A_119 {
          %dma_wait3A_125 = arith.constant 0 : i32
          %dma_wait3A_126 = arith.constant 0 : i32
          %dma_wait3A_127 = tpu.memref_slice %arg4[%dma_wait3A_125, %dma_wait3A_126] : memref<163840x128xf32, #tpu.memory_space<hbm>> -> memref<128x128xf32, #tpu.memory_space<hbm>>
          %dma_wait3A_128 = arith.constant 0 : i32
          %dma_wait3A_129 = arith.constant 0 : i32
          %dma_wait3A_130 = tpu.memref_slice %arg4[%dma_wait3A_128, %dma_wait3A_129] : memref<163840x128xf32, #tpu.memory_space<hbm>> -> memref<128x128xf32, #tpu.memory_space<hbm>>
          tpu.wait_dma2 semaphore(%arg19 : memref<!tpu.dma_semaphore, #tpu.memory_space<semaphore_mem>>) src(%arg7 : memref<128x128xf32, #tpu.memory_space<vmem>>) dst(%dma_wait3A_130 : memref<128x128xf32, #tpu.memory_space<hbm>>)
        } else {
        }
        %dma_start3A = arith.constant 0 : i32
        %dma_start3A_120 = tpu.memref_slice %arg5[%add3A_40, %dma_start3A] : memref<40x128xi32, #tpu.memory_space<vmem>> -> memref<1x128xi32, #tpu.memory_space<vmem>>
        %dma_start3A_121 = tpu.memref_squeeze %dma_start3A_120 : memref<1x128xi32, #tpu.memory_space<vmem>> -> memref<128xi32, #tpu.memory_space<vmem>>
        %dma_start3A_122 = arith.constant 0 : i32
        %dma_start3A_123 = arith.constant 0 : i32
        %dma_start3A_124 = tpu.memref_slice %arg2[%dma_start3A_122, %dma_start3A_123] : memref<10000x128xf32, #tpu.memory_space<hbm>> -> memref<10000x128xf32, #tpu.memory_space<hbm>>
        tpu.enqueue_indirect_dma source(%dma_start3A_124 : memref<10000x128xf32, #tpu.memory_space<hbm>>) target(%arg7 : memref<128x128xf32, #tpu.memory_space<vmem>>) offsets(%dma_start3A_121 : memref<128xi32, #tpu.memory_space<vmem>>) semaphore(%arg13 : memref<!tpu.dma_semaphore, #tpu.memory_space<semaphore_mem>>)
      } else {
      }
      %add3A_46 = arith.constant 2 : i32
      %add3A_47 = arith.addi %add3A_34, %add3A_46 : i32
      %lt3A_48 = arith.constant 40 : i32
      %lt3A_49 = arith.cmpi slt, %add3A_47, %lt3A_48 : i32
      %convert_element_type3A_50 = arith.extui %lt3A_49 : i1 to i32
      %cond3A_51 = arith.constant 0 : i32
      %cond3A_52 = arith.cmpi ne, %convert_element_type3A_50, %cond3A_51 : i32
      scf.if %cond3A_52 {
        %gt3A = arith.constant 0 : i32
        %gt3A_116 = arith.cmpi sgt, %add3A_34, %gt3A : i32
        %convert_element_type3A_117 = arith.extui %gt3A_116 : i1 to i32
        %cond3A_118 = arith.constant 0 : i32
        %cond3A_119 = arith.cmpi ne, %convert_element_type3A_117, %cond3A_118 : i32
        scf.if %cond3A_119 {
          %dma_wait3A_125 = arith.constant 0 : i32
          %dma_wait3A_126 = arith.constant 0 : i32
          %dma_wait3A_127 = tpu.memref_slice %arg4[%dma_wait3A_125, %dma_wait3A_126] : memref<163840x128xf32, #tpu.memory_space<hbm>> -> memref<128x128xf32, #tpu.memory_space<hbm>>
          %dma_wait3A_128 = arith.constant 0 : i32
          %dma_wait3A_129 = arith.constant 0 : i32
          %dma_wait3A_130 = tpu.memref_slice %arg4[%dma_wait3A_128, %dma_wait3A_129] : memref<163840x128xf32, #tpu.memory_space<hbm>> -> memref<128x128xf32, #tpu.memory_space<hbm>>
          tpu.wait_dma2 semaphore(%arg20 : memref<!tpu.dma_semaphore, #tpu.memory_space<semaphore_mem>>) src(%arg8 : memref<128x128xf32, #tpu.memory_space<vmem>>) dst(%dma_wait3A_130 : memref<128x128xf32, #tpu.memory_space<hbm>>)
        } else {
        }
        %dma_start3A = arith.constant 0 : i32
        %dma_start3A_120 = tpu.memref_slice %arg5[%add3A_47, %dma_start3A] : memref<40x128xi32, #tpu.memory_space<vmem>> -> memref<1x128xi32, #tpu.memory_space<vmem>>
        %dma_start3A_121 = tpu.memref_squeeze %dma_start3A_120 : memref<1x128xi32, #tpu.memory_space<vmem>> -> memref<128xi32, #tpu.memory_space<vmem>>
        %dma_start3A_122 = arith.constant 0 : i32
        %dma_start3A_123 = arith.constant 0 : i32
        %dma_start3A_124 = tpu.memref_slice %arg2[%dma_start3A_122, %dma_start3A_123] : memref<10000x128xf32, #tpu.memory_space<hbm>> -> memref<10000x128xf32, #tpu.memory_space<hbm>>
        tpu.enqueue_indirect_dma source(%dma_start3A_124 : memref<10000x128xf32, #tpu.memory_space<hbm>>) target(%arg8 : memref<128x128xf32, #tpu.memory_space<vmem>>) offsets(%dma_start3A_121 : memref<128xi32, #tpu.memory_space<vmem>>) semaphore(%arg14 : memref<!tpu.dma_semaphore, #tpu.memory_space<semaphore_mem>>)
      } else {
      }
      %add3A_53 = arith.constant 3 : i32
      %add3A_54 = arith.addi %add3A_34, %add3A_53 : i32
      %lt3A_55 = arith.constant 40 : i32
      %lt3A_56 = arith.cmpi slt, %add3A_54, %lt3A_55 : i32
      %convert_element_type3A_57 = arith.extui %lt3A_56 : i1 to i32
      %cond3A_58 = arith.constant 0 : i32
      %cond3A_59 = arith.cmpi ne, %convert_element_type3A_57, %cond3A_58 : i32
      scf.if %cond3A_59 {
        %gt3A = arith.constant 0 : i32
        %gt3A_116 = arith.cmpi sgt, %add3A_34, %gt3A : i32
        %convert_element_type3A_117 = arith.extui %gt3A_116 : i1 to i32
        %cond3A_118 = arith.constant 0 : i32
        %cond3A_119 = arith.cmpi ne, %convert_element_type3A_117, %cond3A_118 : i32
        scf.if %cond3A_119 {
          %dma_wait3A_125 = arith.constant 0 : i32
          %dma_wait3A_126 = arith.constant 0 : i32
          %dma_wait3A_127 = tpu.memref_slice %arg4[%dma_wait3A_125, %dma_wait3A_126] : memref<163840x128xf32, #tpu.memory_space<hbm>> -> memref<128x128xf32, #tpu.memory_space<hbm>>
          %dma_wait3A_128 = arith.constant 0 : i32
          %dma_wait3A_129 = arith.constant 0 : i32
          %dma_wait3A_130 = tpu.memref_slice %arg4[%dma_wait3A_128, %dma_wait3A_129] : memref<163840x128xf32, #tpu.memory_space<hbm>> -> memref<128x128xf32, #tpu.memory_space<hbm>>
          tpu.wait_dma2 semaphore(%arg21 : memref<!tpu.dma_semaphore, #tpu.memory_space<semaphore_mem>>) src(%arg9 : memref<128x128xf32, #tpu.memory_space<vmem>>) dst(%dma_wait3A_130 : memref<128x128xf32, #tpu.memory_space<hbm>>)
        } else {
        }
        %dma_start3A = arith.constant 0 : i32
        %dma_start3A_120 = tpu.memref_slice %arg5[%add3A_54, %dma_start3A] : memref<40x128xi32, #tpu.memory_space<vmem>> -> memref<1x128xi32, #tpu.memory_space<vmem>>
        %dma_start3A_121 = tpu.memref_squeeze %dma_start3A_120 : memref<1x128xi32, #tpu.memory_space<vmem>> -> memref<128xi32, #tpu.memory_space<vmem>>
        %dma_start3A_122 = arith.constant 0 : i32
        %dma_start3A_123 = arith.constant 0 : i32
        %dma_start3A_124 = tpu.memref_slice %arg2[%dma_start3A_122, %dma_start3A_123] : memref<10000x128xf32, #tpu.memory_space<hbm>> -> memref<10000x128xf32, #tpu.memory_space<hbm>>
        tpu.enqueue_indirect_dma source(%dma_start3A_124 : memref<10000x128xf32, #tpu.memory_space<hbm>>) target(%arg9 : memref<128x128xf32, #tpu.memory_space<vmem>>) offsets(%dma_start3A_121 : memref<128xi32, #tpu.memory_space<vmem>>) semaphore(%arg15 : memref<!tpu.dma_semaphore, #tpu.memory_space<semaphore_mem>>)
      } else {
      }
      %add3A_60 = arith.constant 4 : i32
      %add3A_61 = arith.addi %add3A_34, %add3A_60 : i32
      %lt3A_62 = arith.constant 40 : i32
      %lt3A_63 = arith.cmpi slt, %add3A_61, %lt3A_62 : i32
      %convert_element_type3A_64 = arith.extui %lt3A_63 : i1 to i32
      %cond3A_65 = arith.constant 0 : i32
      %cond3A_66 = arith.cmpi ne, %convert_element_type3A_64, %cond3A_65 : i32
      scf.if %cond3A_66 {
        %gt3A = arith.constant 0 : i32
        %gt3A_116 = arith.cmpi sgt, %add3A_34, %gt3A : i32
        %convert_element_type3A_117 = arith.extui %gt3A_116 : i1 to i32
        %cond3A_118 = arith.constant 0 : i32
        %cond3A_119 = arith.cmpi ne, %convert_element_type3A_117, %cond3A_118 : i32
        scf.if %cond3A_119 {
          %dma_wait3A_125 = arith.constant 0 : i32
          %dma_wait3A_126 = arith.constant 0 : i32
          %dma_wait3A_127 = tpu.memref_slice %arg4[%dma_wait3A_125, %dma_wait3A_126] : memref<163840x128xf32, #tpu.memory_space<hbm>> -> memref<128x128xf32, #tpu.memory_space<hbm>>
          %dma_wait3A_128 = arith.constant 0 : i32
          %dma_wait3A_129 = arith.constant 0 : i32
          %dma_wait3A_130 = tpu.memref_slice %arg4[%dma_wait3A_128, %dma_wait3A_129] : memref<163840x128xf32, #tpu.memory_space<hbm>> -> memref<128x128xf32, #tpu.memory_space<hbm>>
          tpu.wait_dma2 semaphore(%arg22 : memref<!tpu.dma_semaphore, #tpu.memory_space<semaphore_mem>>) src(%arg10 : memref<128x128xf32, #tpu.memory_space<vmem>>) dst(%dma_wait3A_130 : memref<128x128xf32, #tpu.memory_space<hbm>>)
        } else {
        }
        %dma_start3A = arith.constant 0 : i32
        %dma_start3A_120 = tpu.memref_slice %arg5[%add3A_61, %dma_start3A] : memref<40x128xi32, #tpu.memory_space<vmem>> -> memref<1x128xi32, #tpu.memory_space<vmem>>
        %dma_start3A_121 = tpu.memref_squeeze %dma_start3A_120 : memref<1x128xi32, #tpu.memory_space<vmem>> -> memref<128xi32, #tpu.memory_space<vmem>>
        %dma_start3A_122 = arith.constant 0 : i32
        %dma_start3A_123 = arith.constant 0 : i32
        %dma_start3A_124 = tpu.memref_slice %arg2[%dma_start3A_122, %dma_start3A_123] : memref<10000x128xf32, #tpu.memory_space<hbm>> -> memref<10000x128xf32, #tpu.memory_space<hbm>>
        tpu.enqueue_indirect_dma source(%dma_start3A_124 : memref<10000x128xf32, #tpu.memory_space<hbm>>) target(%arg10 : memref<128x128xf32, #tpu.memory_space<vmem>>) offsets(%dma_start3A_121 : memref<128xi32, #tpu.memory_space<vmem>>) semaphore(%arg16 : memref<!tpu.dma_semaphore, #tpu.memory_space<semaphore_mem>>)
      } else {
      }
      %add3A_67 = arith.constant 5 : i32
      %add3A_68 = arith.addi %add3A_34, %add3A_67 : i32
      %lt3A_69 = arith.constant 40 : i32
      %lt3A_70 = arith.cmpi slt, %add3A_68, %lt3A_69 : i32
      %convert_element_type3A_71 = arith.extui %lt3A_70 : i1 to i32
      %cond3A_72 = arith.constant 0 : i32
      %cond3A_73 = arith.cmpi ne, %convert_element_type3A_71, %cond3A_72 : i32
      scf.if %cond3A_73 {
        %gt3A = arith.constant 0 : i32
        %gt3A_116 = arith.cmpi sgt, %add3A_34, %gt3A : i32
        %convert_element_type3A_117 = arith.extui %gt3A_116 : i1 to i32
        %cond3A_118 = arith.constant 0 : i32
        %cond3A_119 = arith.cmpi ne, %convert_element_type3A_117, %cond3A_118 : i32
        scf.if %cond3A_119 {
          %dma_wait3A_125 = arith.constant 0 : i32
          %dma_wait3A_126 = arith.constant 0 : i32
          %dma_wait3A_127 = tpu.memref_slice %arg4[%dma_wait3A_125, %dma_wait3A_126] : memref<163840x128xf32, #tpu.memory_space<hbm>> -> memref<128x128xf32, #tpu.memory_space<hbm>>
          %dma_wait3A_128 = arith.constant 0 : i32
          %dma_wait3A_129 = arith.constant 0 : i32
          %dma_wait3A_130 = tpu.memref_slice %arg4[%dma_wait3A_128, %dma_wait3A_129] : memref<163840x128xf32, #tpu.memory_space<hbm>> -> memref<128x128xf32, #tpu.memory_space<hbm>>
          tpu.wait_dma2 semaphore(%arg23 : memref<!tpu.dma_semaphore, #tpu.memory_space<semaphore_mem>>) src(%arg11 : memref<128x128xf32, #tpu.memory_space<vmem>>) dst(%dma_wait3A_130 : memref<128x128xf32, #tpu.memory_space<hbm>>)
        } else {
        }
        %dma_start3A = arith.constant 0 : i32
        %dma_start3A_120 = tpu.memref_slice %arg5[%add3A_68, %dma_start3A] : memref<40x128xi32, #tpu.memory_space<vmem>> -> memref<1x128xi32, #tpu.memory_space<vmem>>
        %dma_start3A_121 = tpu.memref_squeeze %dma_start3A_120 : memref<1x128xi32, #tpu.memory_space<vmem>> -> memref<128xi32, #tpu.memory_space<vmem>>
        %dma_start3A_122 = arith.constant 0 : i32
        %dma_start3A_123 = arith.constant 0 : i32
        %dma_start3A_124 = tpu.memref_slice %arg2[%dma_start3A_122, %dma_start3A_123] : memref<10000x128xf32, #tpu.memory_space<hbm>> -> memref<10000x128xf32, #tpu.memory_space<hbm>>
        tpu.enqueue_indirect_dma source(%dma_start3A_124 : memref<10000x128xf32, #tpu.memory_space<hbm>>) target(%arg11 : memref<128x128xf32, #tpu.memory_space<vmem>>) offsets(%dma_start3A_121 : memref<128xi32, #tpu.memory_space<vmem>>) semaphore(%arg17 : memref<!tpu.dma_semaphore, #tpu.memory_space<semaphore_mem>>)
      } else {
      }
      %add3A_74 = arith.constant 0 : i32
      %add3A_75 = arith.addi %add3A_34, %add3A_74 : i32
      %lt3A_76 = arith.constant 40 : i32
      %lt3A_77 = arith.cmpi slt, %add3A_75, %lt3A_76 : i32
      %convert_element_type3A_78 = arith.extui %lt3A_77 : i1 to i32
      %cond3A_79 = arith.constant 0 : i32
      %cond3A_80 = arith.cmpi ne, %convert_element_type3A_78, %cond3A_79 : i32
      scf.if %cond3A_80 {
        %dma_wait3A_116 = arith.constant 0 : i32
        %dma_wait3A_117 = arith.constant 0 : i32
        %dma_wait3A_118 = tpu.memref_slice %arg2[%dma_wait3A_116, %dma_wait3A_117] : memref<10000x128xf32, #tpu.memory_space<hbm>> -> memref<128x128xf32, #tpu.memory_space<hbm>>
        %dma_wait3A_119 = arith.constant 0 : i32
        %dma_wait3A_120 = arith.constant 0 : i32
        %dma_wait3A_121 = tpu.memref_slice %arg2[%dma_wait3A_119, %dma_wait3A_120] : memref<10000x128xf32, #tpu.memory_space<hbm>> -> memref<128x128xf32, #tpu.memory_space<hbm>>
        tpu.wait_dma2 semaphore(%arg12 : memref<!tpu.dma_semaphore, #tpu.memory_space<semaphore_mem>>) src(%dma_wait3A_121 : memref<128x128xf32, #tpu.memory_space<hbm>>) dst(%arg6 : memref<128x128xf32, #tpu.memory_space<vmem>>)
        %add3A_122 = arith.addi %mul3A_2, %add3A_75 : i32
        %mul3A_123 = arith.constant 128 : i32
        %mul3A_124 = arith.muli %add3A_122, %mul3A_123 : i32
        %dma_start3A = arith.constant 0 : i32
        %dma_start3A_125 = tpu.memref_slice %arg4[%mul3A_124, %dma_start3A] : memref<163840x128xf32, #tpu.memory_space<hbm>> -> memref<128x128xf32, #tpu.memory_space<hbm>>
        %dma_start3A_126 = arith.constant 0 : i32
        %dma_start3A_127 = tpu.memref_slice %arg4[%mul3A_124, %dma_start3A_126] : memref<163840x128xf32, #tpu.memory_space<hbm>> -> memref<128x128xf32, #tpu.memory_space<hbm>>
        tpu.enqueue_dma source(%arg6 : memref<128x128xf32, #tpu.memory_space<vmem>>) target(%dma_start3A_127 : memref<128x128xf32, #tpu.memory_space<hbm>>) target_semaphore(%arg18 : memref<!tpu.dma_semaphore, #tpu.memory_space<semaphore_mem>>)
      } else {
      }
      %add3A_81 = arith.constant 1 : i32
      %add3A_82 = arith.addi %add3A_34, %add3A_81 : i32
      %lt3A_83 = arith.constant 40 : i32
      %lt3A_84 = arith.cmpi slt, %add3A_82, %lt3A_83 : i32
      %convert_element_type3A_85 = arith.extui %lt3A_84 : i1 to i32
      %cond3A_86 = arith.constant 0 : i32
      %cond3A_87 = arith.cmpi ne, %convert_element_type3A_85, %cond3A_86 : i32
      scf.if %cond3A_87 {
        %dma_wait3A_116 = arith.constant 0 : i32
        %dma_wait3A_117 = arith.constant 0 : i32
        %dma_wait3A_118 = tpu.memref_slice %arg2[%dma_wait3A_116, %dma_wait3A_117] : memref<10000x128xf32, #tpu.memory_space<hbm>> -> memref<128x128xf32, #tpu.memory_space<hbm>>
        %dma_wait3A_119 = arith.constant 0 : i32
        %dma_wait3A_120 = arith.constant 0 : i32
        %dma_wait3A_121 = tpu.memref_slice %arg2[%dma_wait3A_119, %dma_wait3A_120] : memref<10000x128xf32, #tpu.memory_space<hbm>> -> memref<128x128xf32, #tpu.memory_space<hbm>>
        tpu.wait_dma2 semaphore(%arg13 : memref<!tpu.dma_semaphore, #tpu.memory_space<semaphore_mem>>) src(%dma_wait3A_121 : memref<128x128xf32, #tpu.memory_space<hbm>>) dst(%arg7 : memref<128x128xf32, #tpu.memory_space<vmem>>)
        %add3A_122 = arith.addi %mul3A_2, %add3A_82 : i32
        %mul3A_123 = arith.constant 128 : i32
        %mul3A_124 = arith.muli %add3A_122, %mul3A_123 : i32
        %dma_start3A = arith.constant 0 : i32
        %dma_start3A_125 = tpu.memref_slice %arg4[%mul3A_124, %dma_start3A] : memref<163840x128xf32, #tpu.memory_space<hbm>> -> memref<128x128xf32, #tpu.memory_space<hbm>>
        %dma_start3A_126 = arith.constant 0 : i32
        %dma_start3A_127 = tpu.memref_slice %arg4[%mul3A_124, %dma_start3A_126] : memref<163840x128xf32, #tpu.memory_space<hbm>> -> memref<128x128xf32, #tpu.memory_space<hbm>>
        tpu.enqueue_dma source(%arg7 : memref<128x128xf32, #tpu.memory_space<vmem>>) target(%dma_start3A_127 : memref<128x128xf32, #tpu.memory_space<hbm>>) target_semaphore(%arg19 : memref<!tpu.dma_semaphore, #tpu.memory_space<semaphore_mem>>)
      } else {
      }
      %add3A_88 = arith.constant 2 : i32
      %add3A_89 = arith.addi %add3A_34, %add3A_88 : i32
      %lt3A_90 = arith.constant 40 : i32
      %lt3A_91 = arith.cmpi slt, %add3A_89, %lt3A_90 : i32
      %convert_element_type3A_92 = arith.extui %lt3A_91 : i1 to i32
      %cond3A_93 = arith.constant 0 : i32
      %cond3A_94 = arith.cmpi ne, %convert_element_type3A_92, %cond3A_93 : i32
      scf.if %cond3A_94 {
        %dma_wait3A_116 = arith.constant 0 : i32
        %dma_wait3A_117 = arith.constant 0 : i32
        %dma_wait3A_118 = tpu.memref_slice %arg2[%dma_wait3A_116, %dma_wait3A_117] : memref<10000x128xf32, #tpu.memory_space<hbm>> -> memref<128x128xf32, #tpu.memory_space<hbm>>
        %dma_wait3A_119 = arith.constant 0 : i32
        %dma_wait3A_120 = arith.constant 0 : i32
        %dma_wait3A_121 = tpu.memref_slice %arg2[%dma_wait3A_119, %dma_wait3A_120] : memref<10000x128xf32, #tpu.memory_space<hbm>> -> memref<128x128xf32, #tpu.memory_space<hbm>>
        tpu.wait_dma2 semaphore(%arg14 : memref<!tpu.dma_semaphore, #tpu.memory_space<semaphore_mem>>) src(%dma_wait3A_121 : memref<128x128xf32, #tpu.memory_space<hbm>>) dst(%arg8 : memref<128x128xf32, #tpu.memory_space<vmem>>)
        %add3A_122 = arith.addi %mul3A_2, %add3A_89 : i32
        %mul3A_123 = arith.constant 128 : i32
        %mul3A_124 = arith.muli %add3A_122, %mul3A_123 : i32
        %dma_start3A = arith.constant 0 : i32
        %dma_start3A_125 = tpu.memref_slice %arg4[%mul3A_124, %dma_start3A] : memref<163840x128xf32, #tpu.memory_space<hbm>> -> memref<128x128xf32, #tpu.memory_space<hbm>>
        %dma_start3A_126 = arith.constant 0 : i32
        %dma_start3A_127 = tpu.memref_slice %arg4[%mul3A_124, %dma_start3A_126] : memref<163840x128xf32, #tpu.memory_space<hbm>> -> memref<128x128xf32, #tpu.memory_space<hbm>>
        tpu.enqueue_dma source(%arg8 : memref<128x128xf32, #tpu.memory_space<vmem>>) target(%dma_start3A_127 : memref<128x128xf32, #tpu.memory_space<hbm>>) target_semaphore(%arg20 : memref<!tpu.dma_semaphore, #tpu.memory_space<semaphore_mem>>)
      } else {
      }
      %add3A_95 = arith.constant 3 : i32
      %add3A_96 = arith.addi %add3A_34, %add3A_95 : i32
      %lt3A_97 = arith.constant 40 : i32
      %lt3A_98 = arith.cmpi slt, %add3A_96, %lt3A_97 : i32
      %convert_element_type3A_99 = arith.extui %lt3A_98 : i1 to i32
      %cond3A_100 = arith.constant 0 : i32
      %cond3A_101 = arith.cmpi ne, %convert_element_type3A_99, %cond3A_100 : i32
      scf.if %cond3A_101 {
        %dma_wait3A_116 = arith.constant 0 : i32
        %dma_wait3A_117 = arith.constant 0 : i32
        %dma_wait3A_118 = tpu.memref_slice %arg2[%dma_wait3A_116, %dma_wait3A_117] : memref<10000x128xf32, #tpu.memory_space<hbm>> -> memref<128x128xf32, #tpu.memory_space<hbm>>
        %dma_wait3A_119 = arith.constant 0 : i32
        %dma_wait3A_120 = arith.constant 0 : i32
        %dma_wait3A_121 = tpu.memref_slice %arg2[%dma_wait3A_119, %dma_wait3A_120] : memref<10000x128xf32, #tpu.memory_space<hbm>> -> memref<128x128xf32, #tpu.memory_space<hbm>>
        tpu.wait_dma2 semaphore(%arg15 : memref<!tpu.dma_semaphore, #tpu.memory_space<semaphore_mem>>) src(%dma_wait3A_121 : memref<128x128xf32, #tpu.memory_space<hbm>>) dst(%arg9 : memref<128x128xf32, #tpu.memory_space<vmem>>)
        %add3A_122 = arith.addi %mul3A_2, %add3A_96 : i32
        %mul3A_123 = arith.constant 128 : i32
        %mul3A_124 = arith.muli %add3A_122, %mul3A_123 : i32
        %dma_start3A = arith.constant 0 : i32
        %dma_start3A_125 = tpu.memref_slice %arg4[%mul3A_124, %dma_start3A] : memref<163840x128xf32, #tpu.memory_space<hbm>> -> memref<128x128xf32, #tpu.memory_space<hbm>>
        %dma_start3A_126 = arith.constant 0 : i32
        %dma_start3A_127 = tpu.memref_slice %arg4[%mul3A_124, %dma_start3A_126] : memref<163840x128xf32, #tpu.memory_space<hbm>> -> memref<128x128xf32, #tpu.memory_space<hbm>>
        tpu.enqueue_dma source(%arg9 : memref<128x128xf32, #tpu.memory_space<vmem>>) target(%dma_start3A_127 : memref<128x128xf32, #tpu.memory_space<hbm>>) target_semaphore(%arg21 : memref<!tpu.dma_semaphore, #tpu.memory_space<semaphore_mem>>)
      } else {
      }
      %add3A_102 = arith.constant 4 : i32
      %add3A_103 = arith.addi %add3A_34, %add3A_102 : i32
      %lt3A_104 = arith.constant 40 : i32
      %lt3A_105 = arith.cmpi slt, %add3A_103, %lt3A_104 : i32
      %convert_element_type3A_106 = arith.extui %lt3A_105 : i1 to i32
      %cond3A_107 = arith.constant 0 : i32
      %cond3A_108 = arith.cmpi ne, %convert_element_type3A_106, %cond3A_107 : i32
      scf.if %cond3A_108 {
        %dma_wait3A_116 = arith.constant 0 : i32
        %dma_wait3A_117 = arith.constant 0 : i32
        %dma_wait3A_118 = tpu.memref_slice %arg2[%dma_wait3A_116, %dma_wait3A_117] : memref<10000x128xf32, #tpu.memory_space<hbm>> -> memref<128x128xf32, #tpu.memory_space<hbm>>
        %dma_wait3A_119 = arith.constant 0 : i32
        %dma_wait3A_120 = arith.constant 0 : i32
        %dma_wait3A_121 = tpu.memref_slice %arg2[%dma_wait3A_119, %dma_wait3A_120] : memref<10000x128xf32, #tpu.memory_space<hbm>> -> memref<128x128xf32, #tpu.memory_space<hbm>>
        tpu.wait_dma2 semaphore(%arg16 : memref<!tpu.dma_semaphore, #tpu.memory_space<semaphore_mem>>) src(%dma_wait3A_121 : memref<128x128xf32, #tpu.memory_space<hbm>>) dst(%arg10 : memref<128x128xf32, #tpu.memory_space<vmem>>)
        %add3A_122 = arith.addi %mul3A_2, %add3A_103 : i32
        %mul3A_123 = arith.constant 128 : i32
        %mul3A_124 = arith.muli %add3A_122, %mul3A_123 : i32
        %dma_start3A = arith.constant 0 : i32
        %dma_start3A_125 = tpu.memref_slice %arg4[%mul3A_124, %dma_start3A] : memref<163840x128xf32, #tpu.memory_space<hbm>> -> memref<128x128xf32, #tpu.memory_space<hbm>>
        %dma_start3A_126 = arith.constant 0 : i32
        %dma_start3A_127 = tpu.memref_slice %arg4[%mul3A_124, %dma_start3A_126] : memref<163840x128xf32, #tpu.memory_space<hbm>> -> memref<128x128xf32, #tpu.memory_space<hbm>>
        tpu.enqueue_dma source(%arg10 : memref<128x128xf32, #tpu.memory_space<vmem>>) target(%dma_start3A_127 : memref<128x128xf32, #tpu.memory_space<hbm>>) target_semaphore(%arg22 : memref<!tpu.dma_semaphore, #tpu.memory_space<semaphore_mem>>)
      } else {
      }
      %add3A_109 = arith.constant 5 : i32
      %add3A_110 = arith.addi %add3A_34, %add3A_109 : i32
      %lt3A_111 = arith.constant 40 : i32
      %lt3A_112 = arith.cmpi slt, %add3A_110, %lt3A_111 : i32
      %convert_element_type3A_113 = arith.extui %lt3A_112 : i1 to i32
      %cond3A_114 = arith.constant 0 : i32
      %cond3A_115 = arith.cmpi ne, %convert_element_type3A_113, %cond3A_114 : i32
      scf.if %cond3A_115 {
        %dma_wait3A_116 = arith.constant 0 : i32
        %dma_wait3A_117 = arith.constant 0 : i32
        %dma_wait3A_118 = tpu.memref_slice %arg2[%dma_wait3A_116, %dma_wait3A_117] : memref<10000x128xf32, #tpu.memory_space<hbm>> -> memref<128x128xf32, #tpu.memory_space<hbm>>
        %dma_wait3A_119 = arith.constant 0 : i32
        %dma_wait3A_120 = arith.constant 0 : i32
        %dma_wait3A_121 = tpu.memref_slice %arg2[%dma_wait3A_119, %dma_wait3A_120] : memref<10000x128xf32, #tpu.memory_space<hbm>> -> memref<128x128xf32, #tpu.memory_space<hbm>>
        tpu.wait_dma2 semaphore(%arg17 : memref<!tpu.dma_semaphore, #tpu.memory_space<semaphore_mem>>) src(%dma_wait3A_121 : memref<128x128xf32, #tpu.memory_space<hbm>>) dst(%arg11 : memref<128x128xf32, #tpu.memory_space<vmem>>)
        %add3A_122 = arith.addi %mul3A_2, %add3A_110 : i32
        %mul3A_123 = arith.constant 128 : i32
        %mul3A_124 = arith.muli %add3A_122, %mul3A_123 : i32
        %dma_start3A = arith.constant 0 : i32
        %dma_start3A_125 = tpu.memref_slice %arg4[%mul3A_124, %dma_start3A] : memref<163840x128xf32, #tpu.memory_space<hbm>> -> memref<128x128xf32, #tpu.memory_space<hbm>>
        %dma_start3A_126 = arith.constant 0 : i32
        %dma_start3A_127 = tpu.memref_slice %arg4[%mul3A_124, %dma_start3A_126] : memref<163840x128xf32, #tpu.memory_space<hbm>> -> memref<128x128xf32, #tpu.memory_space<hbm>>
        tpu.enqueue_dma source(%arg11 : memref<128x128xf32, #tpu.memory_space<vmem>>) target(%dma_start3A_127 : memref<128x128xf32, #tpu.memory_space<hbm>>) target_semaphore(%arg23 : memref<!tpu.dma_semaphore, #tpu.memory_space<semaphore_mem>>)
      } else {
      }
    }
    %scan3A_6 = arith.constant 7 : i32
    %dma_wait3A = arith.constant 0 : i32
    %dma_wait3A_7 = arith.constant 0 : i32
    %dma_wait3A_8 = tpu.memref_slice %arg4[%dma_wait3A, %dma_wait3A_7] : memref<163840x128xf32, #tpu.memory_space<hbm>> -> memref<128x128xf32, #tpu.memory_space<hbm>>
    %dma_wait3A_9 = arith.constant 0 : i32
    %dma_wait3A_10 = arith.constant 0 : i32
    %dma_wait3A_11 = tpu.memref_slice %arg4[%dma_wait3A_9, %dma_wait3A_10] : memref<163840x128xf32, #tpu.memory_space<hbm>> -> memref<128x128xf32, #tpu.memory_space<hbm>>
    tpu.wait_dma2 semaphore(%arg18 : memref<!tpu.dma_semaphore, #tpu.memory_space<semaphore_mem>>) src(%arg6 : memref<128x128xf32, #tpu.memory_space<vmem>>) dst(%dma_wait3A_11 : memref<128x128xf32, #tpu.memory_space<hbm>>)
    %dma_wait3A_12 = arith.constant 0 : i32
    %dma_wait3A_13 = arith.constant 0 : i32
    %dma_wait3A_14 = tpu.memref_slice %arg4[%dma_wait3A_12, %dma_wait3A_13] : memref<163840x128xf32, #tpu.memory_space<hbm>> -> memref<128x128xf32, #tpu.memory_space<hbm>>
    %dma_wait3A_15 = arith.constant 0 : i32
    %dma_wait3A_16 = arith.constant 0 : i32
    %dma_wait3A_17 = tpu.memref_slice %arg4[%dma_wait3A_15, %dma_wait3A_16] : memref<163840x128xf32, #tpu.memory_space<hbm>> -> memref<128x128xf32, #tpu.memory_space<hbm>>
    tpu.wait_dma2 semaphore(%arg19 : memref<!tpu.dma_semaphore, #tpu.memory_space<semaphore_mem>>) src(%arg7 : memref<128x128xf32, #tpu.memory_space<vmem>>) dst(%dma_wait3A_17 : memref<128x128xf32, #tpu.memory_space<hbm>>)
    %dma_wait3A_18 = arith.constant 0 : i32
    %dma_wait3A_19 = arith.constant 0 : i32
    %dma_wait3A_20 = tpu.memref_slice %arg4[%dma_wait3A_18, %dma_wait3A_19] : memref<163840x128xf32, #tpu.memory_space<hbm>> -> memref<128x128xf32, #tpu.memory_space<hbm>>
    %dma_wait3A_21 = arith.constant 0 : i32
    %dma_wait3A_22 = arith.constant 0 : i32
    %dma_wait3A_23 = tpu.memref_slice %arg4[%dma_wait3A_21, %dma_wait3A_22] : memref<163840x128xf32, #tpu.memory_space<hbm>> -> memref<128x128xf32, #tpu.memory_space<hbm>>
    tpu.wait_dma2 semaphore(%arg20 : memref<!tpu.dma_semaphore, #tpu.memory_space<semaphore_mem>>) src(%arg8 : memref<128x128xf32, #tpu.memory_space<vmem>>) dst(%dma_wait3A_23 : memref<128x128xf32, #tpu.memory_space<hbm>>)
    %dma_wait3A_24 = arith.constant 0 : i32
    %dma_wait3A_25 = arith.constant 0 : i32
    %dma_wait3A_26 = tpu.memref_slice %arg4[%dma_wait3A_24, %dma_wait3A_25] : memref<163840x128xf32, #tpu.memory_space<hbm>> -> memref<128x128xf32, #tpu.memory_space<hbm>>
    %dma_wait3A_27 = arith.constant 0 : i32
    %dma_wait3A_28 = arith.constant 0 : i32
    %dma_wait3A_29 = tpu.memref_slice %arg4[%dma_wait3A_27, %dma_wait3A_28] : memref<163840x128xf32, #tpu.memory_space<hbm>> -> memref<128x128xf32, #tpu.memory_space<hbm>>
    tpu.wait_dma2 semaphore(%arg21 : memref<!tpu.dma_semaphore, #tpu.memory_space<semaphore_mem>>) src(%arg9 : memref<128x128xf32, #tpu.memory_space<vmem>>) dst(%dma_wait3A_29 : memref<128x128xf32, #tpu.memory_space<hbm>>)
    return
  }
}

#map = affine_map<(d0, d1) -> (0, 0, 0, 0)>
#map1 = affine_map<(d0, d1) -> (0, 0, 0)>
#map2 = affine_map<(d0, d1) -> (0)>
module attributes {stable_mosaic.version = 14 : i64} {
  func.func @k(%arg0: i32, %arg1: i32, %arg2: memref<4x32x80x128xf32, #tpu.memory_space<hbm>>, %arg3: memref<32x80x128xi32, #tpu.memory_space<hbm>>, %arg4: memref<10000xf32, #tpu.memory_space<hbm>>, %arg5: memref<2x4x10000xf32, #tpu.memory_space<hbm>>, %arg6: memref<80x128xi32, #tpu.memory_space<vmem>>, %arg7: memref<4x80x128xf32, #tpu.memory_space<vmem>>, %arg8: memref<10000xf32, #tpu.memory_space<vmem_shared>>, %arg9: memref<10000xf32, #tpu.memory_space<vmem_shared>>, %arg10: memref<10000xf32, #tpu.memory_space<vmem_shared>>, %arg11: memref<10000xf32, #tpu.memory_space<vmem_shared>>, %arg12: memref<!tpu.dma_semaphore, #tpu.memory_space<semaphore_mem>>, %arg13: memref<!tpu.dma_semaphore, #tpu.memory_space<semaphore_mem>>, %arg14: memref<!tpu.dma_semaphore, #tpu.memory_space<semaphore_mem>>, %arg15: memref<!tpu.dma_semaphore, #tpu.memory_space<semaphore_mem>>) attributes {dimension_semantics = [#tpu.dimension_semantics<core_parallel>, #tpu.dimension_semantics<subcore_parallel>], iteration_bounds = array<i64: 2, 16>, scalar_prefetch = 0 : i64, scratch_operands = 10 : i64, tpu.core_type = #tpu.core_type<sc_vector_subcore>, window_params = [{transform_indices = #map}, {transform_indices = #map1}, {transform_indices = #map2}, {transform_indices = #map1}]} {
    %mul3A = arith.constant 16 : i32
    %mul3A_0 = arith.muli %arg0, %mul3A : i32
    %add3A = arith.addi %mul3A_0, %arg1 : i32
    %mul3A_1 = arith.constant 80 : i32
    %mul3A_2 = arith.muli %add3A, %mul3A_1 : i32
    %eq3A = arith.constant 0 : i32
    %eq3A_3 = arith.cmpi eq, %arg1, %eq3A : i32
    %convert_element_type3A = arith.extui %eq3A_3 : i1 to i32
    %cond3A = arith.constant 0 : i32
    %cond3A_4 = arith.cmpi ne, %convert_element_type3A, %cond3A : i32
    scf.if %cond3A_4 {
      "tpu.region"() ({
        %run_scoped3A_65 = tpu.sem_alloc : memref<!tpu.dma_semaphore, #tpu.memory_space<semaphore_mem>>
        tpu.enqueue_dma source(%arg4 : memref<10000xf32, #tpu.memory_space<hbm>>) target(%arg8 : memref<10000xf32, #tpu.memory_space<vmem_shared>>) target_semaphore(%run_scoped3A_65 : memref<!tpu.dma_semaphore, #tpu.memory_space<semaphore_mem>>)
        tpu.wait_dma2 semaphore(%run_scoped3A_65 : memref<!tpu.dma_semaphore, #tpu.memory_space<semaphore_mem>>) src(%arg4 : memref<10000xf32, #tpu.memory_space<hbm>>) dst(%arg8 : memref<10000xf32, #tpu.memory_space<vmem_shared>>)
        tpu.yield
      }) : () -> ()
      "tpu.region"() ({
        %run_scoped3A_65 = tpu.sem_alloc : memref<!tpu.dma_semaphore, #tpu.memory_space<semaphore_mem>>
        tpu.enqueue_dma source(%arg4 : memref<10000xf32, #tpu.memory_space<hbm>>) target(%arg9 : memref<10000xf32, #tpu.memory_space<vmem_shared>>) target_semaphore(%run_scoped3A_65 : memref<!tpu.dma_semaphore, #tpu.memory_space<semaphore_mem>>)
        tpu.wait_dma2 semaphore(%run_scoped3A_65 : memref<!tpu.dma_semaphore, #tpu.memory_space<semaphore_mem>>) src(%arg4 : memref<10000xf32, #tpu.memory_space<hbm>>) dst(%arg9 : memref<10000xf32, #tpu.memory_space<vmem_shared>>)
        tpu.yield
      }) : () -> ()
      "tpu.region"() ({
        %run_scoped3A_65 = tpu.sem_alloc : memref<!tpu.dma_semaphore, #tpu.memory_space<semaphore_mem>>
        tpu.enqueue_dma source(%arg4 : memref<10000xf32, #tpu.memory_space<hbm>>) target(%arg10 : memref<10000xf32, #tpu.memory_space<vmem_shared>>) target_semaphore(%run_scoped3A_65 : memref<!tpu.dma_semaphore, #tpu.memory_space<semaphore_mem>>)
        tpu.wait_dma2 semaphore(%run_scoped3A_65 : memref<!tpu.dma_semaphore, #tpu.memory_space<semaphore_mem>>) src(%arg4 : memref<10000xf32, #tpu.memory_space<hbm>>) dst(%arg10 : memref<10000xf32, #tpu.memory_space<vmem_shared>>)
        tpu.yield
      }) : () -> ()
      "tpu.region"() ({
        %run_scoped3A_65 = tpu.sem_alloc : memref<!tpu.dma_semaphore, #tpu.memory_space<semaphore_mem>>
        tpu.enqueue_dma source(%arg4 : memref<10000xf32, #tpu.memory_space<hbm>>) target(%arg11 : memref<10000xf32, #tpu.memory_space<vmem_shared>>) target_semaphore(%run_scoped3A_65 : memref<!tpu.dma_semaphore, #tpu.memory_space<semaphore_mem>>)
        tpu.wait_dma2 semaphore(%run_scoped3A_65 : memref<!tpu.dma_semaphore, #tpu.memory_space<semaphore_mem>>) src(%arg4 : memref<10000xf32, #tpu.memory_space<hbm>>) dst(%arg11 : memref<10000xf32, #tpu.memory_space<vmem_shared>>)
        tpu.yield
      }) : () -> ()
    } else {
    }
    "tpu.region"() ({
      %run_scoped3A_65 = tpu.sem_alloc : memref<!tpu.dma_semaphore, #tpu.memory_space<semaphore_mem>>
      %dma_start3A = arith.constant 0 : i32
      %dma_start3A_66 = arith.constant 0 : i32
      %dma_start3A_67 = tpu.memref_slice %arg3[%add3A, %dma_start3A, %dma_start3A_66] : memref<32x80x128xi32, #tpu.memory_space<hbm>> -> memref<1x80x128xi32, #tpu.memory_space<hbm>>
      %dma_start3A_68 = tpu.memref_squeeze %dma_start3A_67 : memref<1x80x128xi32, #tpu.memory_space<hbm>> -> memref<80x128xi32, #tpu.memory_space<hbm>>
      %dma_start3A_69 = arith.constant 0 : i32
      %dma_start3A_70 = arith.constant 0 : i32
      %dma_start3A_71 = tpu.memref_slice %arg3[%add3A, %dma_start3A_69, %dma_start3A_70] : memref<32x80x128xi32, #tpu.memory_space<hbm>> -> memref<1x80x128xi32, #tpu.memory_space<hbm>>
      %dma_start3A_72 = tpu.memref_squeeze %dma_start3A_71 : memref<1x80x128xi32, #tpu.memory_space<hbm>> -> memref<80x128xi32, #tpu.memory_space<hbm>>
      tpu.enqueue_dma source(%dma_start3A_72 : memref<80x128xi32, #tpu.memory_space<hbm>>) target(%arg6 : memref<80x128xi32, #tpu.memory_space<vmem>>) target_semaphore(%run_scoped3A_65 : memref<!tpu.dma_semaphore, #tpu.memory_space<semaphore_mem>>)
      %dma_wait3A_73 = arith.constant 0 : i32
      %dma_wait3A_74 = arith.constant 0 : i32
      %dma_wait3A_75 = tpu.memref_slice %arg3[%add3A, %dma_wait3A_73, %dma_wait3A_74] : memref<32x80x128xi32, #tpu.memory_space<hbm>> -> memref<1x80x128xi32, #tpu.memory_space<hbm>>
      %dma_wait3A_76 = tpu.memref_squeeze %dma_wait3A_75 : memref<1x80x128xi32, #tpu.memory_space<hbm>> -> memref<80x128xi32, #tpu.memory_space<hbm>>
      %dma_wait3A_77 = arith.constant 0 : i32
      %dma_wait3A_78 = arith.constant 0 : i32
      %dma_wait3A_79 = tpu.memref_slice %arg3[%add3A, %dma_wait3A_77, %dma_wait3A_78] : memref<32x80x128xi32, #tpu.memory_space<hbm>> -> memref<1x80x128xi32, #tpu.memory_space<hbm>>
      %dma_wait3A_80 = tpu.memref_squeeze %dma_wait3A_79 : memref<1x80x128xi32, #tpu.memory_space<hbm>> -> memref<80x128xi32, #tpu.memory_space<hbm>>
      tpu.wait_dma2 semaphore(%run_scoped3A_65 : memref<!tpu.dma_semaphore, #tpu.memory_space<semaphore_mem>>) src(%dma_wait3A_80 : memref<80x128xi32, #tpu.memory_space<hbm>>) dst(%arg6 : memref<80x128xi32, #tpu.memory_space<vmem>>)
      tpu.yield
    }) : () -> ()
    %run_scoped3A = arith.constant 0 : i32
    %run_scoped3A_5 = arith.constant 0 : i32
    "tpu.region"() ({
      %run_scoped3A_65 = tpu.sem_alloc : memref<!tpu.dma_semaphore, #tpu.memory_space<semaphore_mem>>
      %dma_start3A = arith.constant 0 : i32
      %dma_start3A_66 = arith.constant 0 : i32
      %dma_start3A_67 = tpu.memref_slice %arg7[%run_scoped3A_5, %dma_start3A, %dma_start3A_66] : memref<4x80x128xf32, #tpu.memory_space<vmem>> -> memref<1x80x128xf32, #tpu.memory_space<vmem>>
      %dma_start3A_68 = tpu.memref_squeeze %dma_start3A_67 : memref<1x80x128xf32, #tpu.memory_space<vmem>> -> memref<80x128xf32, #tpu.memory_space<vmem>>
      %dma_start3A_69 = arith.constant 0 : i32
      %dma_start3A_70 = arith.constant 0 : i32
      %dma_start3A_71 = tpu.memref_slice %arg2[%run_scoped3A, %add3A, %dma_start3A_69, %dma_start3A_70] : memref<4x32x80x128xf32, #tpu.memory_space<hbm>> -> memref<1x1x80x128xf32, #tpu.memory_space<hbm>>
      %dma_start3A_72 = tpu.memref_squeeze %dma_start3A_71 : memref<1x1x80x128xf32, #tpu.memory_space<hbm>> -> memref<80x128xf32, #tpu.memory_space<hbm>>
      %dma_start3A_73 = arith.constant 0 : i32
      %dma_start3A_74 = arith.constant 0 : i32
      %dma_start3A_75 = tpu.memref_slice %arg7[%run_scoped3A_5, %dma_start3A_73, %dma_start3A_74] : memref<4x80x128xf32, #tpu.memory_space<vmem>> -> memref<1x80x128xf32, #tpu.memory_space<vmem>>
      %dma_start3A_76 = tpu.memref_squeeze %dma_start3A_75 : memref<1x80x128xf32, #tpu.memory_space<vmem>> -> memref<80x128xf32, #tpu.memory_space<vmem>>
      %dma_start3A_77 = arith.constant 0 : i32
      %dma_start3A_78 = arith.constant 0 : i32
      %dma_start3A_79 = tpu.memref_slice %arg2[%run_scoped3A, %add3A, %dma_start3A_77, %dma_start3A_78] : memref<4x32x80x128xf32, #tpu.memory_space<hbm>> -> memref<1x1x80x128xf32, #tpu.memory_space<hbm>>
      %dma_start3A_80 = tpu.memref_squeeze %dma_start3A_79 : memref<1x1x80x128xf32, #tpu.memory_space<hbm>> -> memref<80x128xf32, #tpu.memory_space<hbm>>
      tpu.enqueue_dma source(%dma_start3A_80 : memref<80x128xf32, #tpu.memory_space<hbm>>) target(%dma_start3A_76 : memref<80x128xf32, #tpu.memory_space<vmem>>) target_semaphore(%run_scoped3A_65 : memref<!tpu.dma_semaphore, #tpu.memory_space<semaphore_mem>>)
      %dma_wait3A_81 = arith.constant 0 : i32
      %dma_wait3A_82 = arith.constant 0 : i32
      %dma_wait3A_83 = tpu.memref_slice %arg7[%run_scoped3A_5, %dma_wait3A_81, %dma_wait3A_82] : memref<4x80x128xf32, #tpu.memory_space<vmem>> -> memref<1x80x128xf32, #tpu.memory_space<vmem>>
      %dma_wait3A_84 = tpu.memref_squeeze %dma_wait3A_83 : memref<1x80x128xf32, #tpu.memory_space<vmem>> -> memref<80x128xf32, #tpu.memory_space<vmem>>
      %dma_wait3A_85 = arith.constant 0 : i32
      %dma_wait3A_86 = arith.constant 0 : i32
      %dma_wait3A_87 = tpu.memref_slice %arg2[%run_scoped3A, %add3A, %dma_wait3A_85, %dma_wait3A_86] : memref<4x32x80x128xf32, #tpu.memory_space<hbm>> -> memref<1x1x80x128xf32, #tpu.memory_space<hbm>>
      %dma_wait3A_88 = tpu.memref_squeeze %dma_wait3A_87 : memref<1x1x80x128xf32, #tpu.memory_space<hbm>> -> memref<80x128xf32, #tpu.memory_space<hbm>>
      %dma_wait3A_89 = arith.constant 0 : i32
      %dma_wait3A_90 = arith.constant 0 : i32
      %dma_wait3A_91 = tpu.memref_slice %arg7[%run_scoped3A_5, %dma_wait3A_89, %dma_wait3A_90] : memref<4x80x128xf32, #tpu.memory_space<vmem>> -> memref<1x80x128xf32, #tpu.memory_space<vmem>>
      %dma_wait3A_92 = tpu.memref_squeeze %dma_wait3A_91 : memref<1x80x128xf32, #tpu.memory_space<vmem>> -> memref<80x128xf32, #tpu.memory_space<vmem>>
      %dma_wait3A_93 = arith.constant 0 : i32
      %dma_wait3A_94 = arith.constant 0 : i32
      %dma_wait3A_95 = tpu.memref_slice %arg2[%run_scoped3A, %add3A, %dma_wait3A_93, %dma_wait3A_94] : memref<4x32x80x128xf32, #tpu.memory_space<hbm>> -> memref<1x1x80x128xf32, #tpu.memory_space<hbm>>
      %dma_wait3A_96 = tpu.memref_squeeze %dma_wait3A_95 : memref<1x1x80x128xf32, #tpu.memory_space<hbm>> -> memref<80x128xf32, #tpu.memory_space<hbm>>
      tpu.wait_dma2 semaphore(%run_scoped3A_65 : memref<!tpu.dma_semaphore, #tpu.memory_space<semaphore_mem>>) src(%dma_wait3A_96 : memref<80x128xf32, #tpu.memory_space<hbm>>) dst(%dma_wait3A_92 : memref<80x128xf32, #tpu.memory_space<vmem>>)
      tpu.yield
    }) : () -> ()
    %run_scoped3A_6 = arith.constant 1 : i32
    %run_scoped3A_7 = arith.constant 1 : i32
    "tpu.region"() ({
      %run_scoped3A_65 = tpu.sem_alloc : memref<!tpu.dma_semaphore, #tpu.memory_space<semaphore_mem>>
      %dma_start3A = arith.constant 0 : i32
      %dma_start3A_66 = arith.constant 0 : i32
      %dma_start3A_67 = tpu.memref_slice %arg7[%run_scoped3A_7, %dma_start3A, %dma_start3A_66] : memref<4x80x128xf32, #tpu.memory_space<vmem>> -> memref<1x80x128xf32, #tpu.memory_space<vmem>>
      %dma_start3A_68 = tpu.memref_squeeze %dma_start3A_67 : memref<1x80x128xf32, #tpu.memory_space<vmem>> -> memref<80x128xf32, #tpu.memory_space<vmem>>
      %dma_start3A_69 = arith.constant 0 : i32
      %dma_start3A_70 = arith.constant 0 : i32
      %dma_start3A_71 = tpu.memref_slice %arg2[%run_scoped3A_6, %add3A, %dma_start3A_69, %dma_start3A_70] : memref<4x32x80x128xf32, #tpu.memory_space<hbm>> -> memref<1x1x80x128xf32, #tpu.memory_space<hbm>>
      %dma_start3A_72 = tpu.memref_squeeze %dma_start3A_71 : memref<1x1x80x128xf32, #tpu.memory_space<hbm>> -> memref<80x128xf32, #tpu.memory_space<hbm>>
      %dma_start3A_73 = arith.constant 0 : i32
      %dma_start3A_74 = arith.constant 0 : i32
      %dma_start3A_75 = tpu.memref_slice %arg7[%run_scoped3A_7, %dma_start3A_73, %dma_start3A_74] : memref<4x80x128xf32, #tpu.memory_space<vmem>> -> memref<1x80x128xf32, #tpu.memory_space<vmem>>
      %dma_start3A_76 = tpu.memref_squeeze %dma_start3A_75 : memref<1x80x128xf32, #tpu.memory_space<vmem>> -> memref<80x128xf32, #tpu.memory_space<vmem>>
      %dma_start3A_77 = arith.constant 0 : i32
      %dma_start3A_78 = arith.constant 0 : i32
      %dma_start3A_79 = tpu.memref_slice %arg2[%run_scoped3A_6, %add3A, %dma_start3A_77, %dma_start3A_78] : memref<4x32x80x128xf32, #tpu.memory_space<hbm>> -> memref<1x1x80x128xf32, #tpu.memory_space<hbm>>
      %dma_start3A_80 = tpu.memref_squeeze %dma_start3A_79 : memref<1x1x80x128xf32, #tpu.memory_space<hbm>> -> memref<80x128xf32, #tpu.memory_space<hbm>>
      tpu.enqueue_dma source(%dma_start3A_80 : memref<80x128xf32, #tpu.memory_space<hbm>>) target(%dma_start3A_76 : memref<80x128xf32, #tpu.memory_space<vmem>>) target_semaphore(%run_scoped3A_65 : memref<!tpu.dma_semaphore, #tpu.memory_space<semaphore_mem>>)
      %dma_wait3A_81 = arith.constant 0 : i32
      %dma_wait3A_82 = arith.constant 0 : i32
      %dma_wait3A_83 = tpu.memref_slice %arg7[%run_scoped3A_7, %dma_wait3A_81, %dma_wait3A_82] : memref<4x80x128xf32, #tpu.memory_space<vmem>> -> memref<1x80x128xf32, #tpu.memory_space<vmem>>
      %dma_wait3A_84 = tpu.memref_squeeze %dma_wait3A_83 : memref<1x80x128xf32, #tpu.memory_space<vmem>> -> memref<80x128xf32, #tpu.memory_space<vmem>>
      %dma_wait3A_85 = arith.constant 0 : i32
      %dma_wait3A_86 = arith.constant 0 : i32
      %dma_wait3A_87 = tpu.memref_slice %arg2[%run_scoped3A_6, %add3A, %dma_wait3A_85, %dma_wait3A_86] : memref<4x32x80x128xf32, #tpu.memory_space<hbm>> -> memref<1x1x80x128xf32, #tpu.memory_space<hbm>>
      %dma_wait3A_88 = tpu.memref_squeeze %dma_wait3A_87 : memref<1x1x80x128xf32, #tpu.memory_space<hbm>> -> memref<80x128xf32, #tpu.memory_space<hbm>>
      %dma_wait3A_89 = arith.constant 0 : i32
      %dma_wait3A_90 = arith.constant 0 : i32
      %dma_wait3A_91 = tpu.memref_slice %arg7[%run_scoped3A_7, %dma_wait3A_89, %dma_wait3A_90] : memref<4x80x128xf32, #tpu.memory_space<vmem>> -> memref<1x80x128xf32, #tpu.memory_space<vmem>>
      %dma_wait3A_92 = tpu.memref_squeeze %dma_wait3A_91 : memref<1x80x128xf32, #tpu.memory_space<vmem>> -> memref<80x128xf32, #tpu.memory_space<vmem>>
      %dma_wait3A_93 = arith.constant 0 : i32
      %dma_wait3A_94 = arith.constant 0 : i32
      %dma_wait3A_95 = tpu.memref_slice %arg2[%run_scoped3A_6, %add3A, %dma_wait3A_93, %dma_wait3A_94] : memref<4x32x80x128xf32, #tpu.memory_space<hbm>> -> memref<1x1x80x128xf32, #tpu.memory_space<hbm>>
      %dma_wait3A_96 = tpu.memref_squeeze %dma_wait3A_95 : memref<1x1x80x128xf32, #tpu.memory_space<hbm>> -> memref<80x128xf32, #tpu.memory_space<hbm>>
      tpu.wait_dma2 semaphore(%run_scoped3A_65 : memref<!tpu.dma_semaphore, #tpu.memory_space<semaphore_mem>>) src(%dma_wait3A_96 : memref<80x128xf32, #tpu.memory_space<hbm>>) dst(%dma_wait3A_92 : memref<80x128xf32, #tpu.memory_space<vmem>>)
      tpu.yield
    }) : () -> ()
    %run_scoped3A_8 = arith.constant 2 : i32
    %run_scoped3A_9 = arith.constant 2 : i32
    "tpu.region"() ({
      %run_scoped3A_65 = tpu.sem_alloc : memref<!tpu.dma_semaphore, #tpu.memory_space<semaphore_mem>>
      %dma_start3A = arith.constant 0 : i32
      %dma_start3A_66 = arith.constant 0 : i32
      %dma_start3A_67 = tpu.memref_slice %arg7[%run_scoped3A_9, %dma_start3A, %dma_start3A_66] : memref<4x80x128xf32, #tpu.memory_space<vmem>> -> memref<1x80x128xf32, #tpu.memory_space<vmem>>
      %dma_start3A_68 = tpu.memref_squeeze %dma_start3A_67 : memref<1x80x128xf32, #tpu.memory_space<vmem>> -> memref<80x128xf32, #tpu.memory_space<vmem>>
      %dma_start3A_69 = arith.constant 0 : i32
      %dma_start3A_70 = arith.constant 0 : i32
      %dma_start3A_71 = tpu.memref_slice %arg2[%run_scoped3A_8, %add3A, %dma_start3A_69, %dma_start3A_70] : memref<4x32x80x128xf32, #tpu.memory_space<hbm>> -> memref<1x1x80x128xf32, #tpu.memory_space<hbm>>
      %dma_start3A_72 = tpu.memref_squeeze %dma_start3A_71 : memref<1x1x80x128xf32, #tpu.memory_space<hbm>> -> memref<80x128xf32, #tpu.memory_space<hbm>>
      %dma_start3A_73 = arith.constant 0 : i32
      %dma_start3A_74 = arith.constant 0 : i32
      %dma_start3A_75 = tpu.memref_slice %arg7[%run_scoped3A_9, %dma_start3A_73, %dma_start3A_74] : memref<4x80x128xf32, #tpu.memory_space<vmem>> -> memref<1x80x128xf32, #tpu.memory_space<vmem>>
      %dma_start3A_76 = tpu.memref_squeeze %dma_start3A_75 : memref<1x80x128xf32, #tpu.memory_space<vmem>> -> memref<80x128xf32, #tpu.memory_space<vmem>>
      %dma_start3A_77 = arith.constant 0 : i32
      %dma_start3A_78 = arith.constant 0 : i32
      %dma_start3A_79 = tpu.memref_slice %arg2[%run_scoped3A_8, %add3A, %dma_start3A_77, %dma_start3A_78] : memref<4x32x80x128xf32, #tpu.memory_space<hbm>> -> memref<1x1x80x128xf32, #tpu.memory_space<hbm>>
      %dma_start3A_80 = tpu.memref_squeeze %dma_start3A_79 : memref<1x1x80x128xf32, #tpu.memory_space<hbm>> -> memref<80x128xf32, #tpu.memory_space<hbm>>
      tpu.enqueue_dma source(%dma_start3A_80 : memref<80x128xf32, #tpu.memory_space<hbm>>) target(%dma_start3A_76 : memref<80x128xf32, #tpu.memory_space<vmem>>) target_semaphore(%run_scoped3A_65 : memref<!tpu.dma_semaphore, #tpu.memory_space<semaphore_mem>>)
      %dma_wait3A_81 = arith.constant 0 : i32
      %dma_wait3A_82 = arith.constant 0 : i32
      %dma_wait3A_83 = tpu.memref_slice %arg7[%run_scoped3A_9, %dma_wait3A_81, %dma_wait3A_82] : memref<4x80x128xf32, #tpu.memory_space<vmem>> -> memref<1x80x128xf32, #tpu.memory_space<vmem>>
      %dma_wait3A_84 = tpu.memref_squeeze %dma_wait3A_83 : memref<1x80x128xf32, #tpu.memory_space<vmem>> -> memref<80x128xf32, #tpu.memory_space<vmem>>
      %dma_wait3A_85 = arith.constant 0 : i32
      %dma_wait3A_86 = arith.constant 0 : i32
      %dma_wait3A_87 = tpu.memref_slice %arg2[%run_scoped3A_8, %add3A, %dma_wait3A_85, %dma_wait3A_86] : memref<4x32x80x128xf32, #tpu.memory_space<hbm>> -> memref<1x1x80x128xf32, #tpu.memory_space<hbm>>
      %dma_wait3A_88 = tpu.memref_squeeze %dma_wait3A_87 : memref<1x1x80x128xf32, #tpu.memory_space<hbm>> -> memref<80x128xf32, #tpu.memory_space<hbm>>
      %dma_wait3A_89 = arith.constant 0 : i32
      %dma_wait3A_90 = arith.constant 0 : i32
      %dma_wait3A_91 = tpu.memref_slice %arg7[%run_scoped3A_9, %dma_wait3A_89, %dma_wait3A_90] : memref<4x80x128xf32, #tpu.memory_space<vmem>> -> memref<1x80x128xf32, #tpu.memory_space<vmem>>
      %dma_wait3A_92 = tpu.memref_squeeze %dma_wait3A_91 : memref<1x80x128xf32, #tpu.memory_space<vmem>> -> memref<80x128xf32, #tpu.memory_space<vmem>>
      %dma_wait3A_93 = arith.constant 0 : i32
      %dma_wait3A_94 = arith.constant 0 : i32
      %dma_wait3A_95 = tpu.memref_slice %arg2[%run_scoped3A_8, %add3A, %dma_wait3A_93, %dma_wait3A_94] : memref<4x32x80x128xf32, #tpu.memory_space<hbm>> -> memref<1x1x80x128xf32, #tpu.memory_space<hbm>>
      %dma_wait3A_96 = tpu.memref_squeeze %dma_wait3A_95 : memref<1x1x80x128xf32, #tpu.memory_space<hbm>> -> memref<80x128xf32, #tpu.memory_space<hbm>>
      tpu.wait_dma2 semaphore(%run_scoped3A_65 : memref<!tpu.dma_semaphore, #tpu.memory_space<semaphore_mem>>) src(%dma_wait3A_96 : memref<80x128xf32, #tpu.memory_space<hbm>>) dst(%dma_wait3A_92 : memref<80x128xf32, #tpu.memory_space<vmem>>)
      tpu.yield
    }) : () -> ()
    %run_scoped3A_10 = arith.constant 3 : i32
    %run_scoped3A_11 = arith.constant 3 : i32
    "tpu.region"() ({
      %run_scoped3A_65 = tpu.sem_alloc : memref<!tpu.dma_semaphore, #tpu.memory_space<semaphore_mem>>
      %dma_start3A = arith.constant 0 : i32
      %dma_start3A_66 = arith.constant 0 : i32
      %dma_start3A_67 = tpu.memref_slice %arg7[%run_scoped3A_11, %dma_start3A, %dma_start3A_66] : memref<4x80x128xf32, #tpu.memory_space<vmem>> -> memref<1x80x128xf32, #tpu.memory_space<vmem>>
      %dma_start3A_68 = tpu.memref_squeeze %dma_start3A_67 : memref<1x80x128xf32, #tpu.memory_space<vmem>> -> memref<80x128xf32, #tpu.memory_space<vmem>>
      %dma_start3A_69 = arith.constant 0 : i32
      %dma_start3A_70 = arith.constant 0 : i32
      %dma_start3A_71 = tpu.memref_slice %arg2[%run_scoped3A_10, %add3A, %dma_start3A_69, %dma_start3A_70] : memref<4x32x80x128xf32, #tpu.memory_space<hbm>> -> memref<1x1x80x128xf32, #tpu.memory_space<hbm>>
      %dma_start3A_72 = tpu.memref_squeeze %dma_start3A_71 : memref<1x1x80x128xf32, #tpu.memory_space<hbm>> -> memref<80x128xf32, #tpu.memory_space<hbm>>
      %dma_start3A_73 = arith.constant 0 : i32
      %dma_start3A_74 = arith.constant 0 : i32
      %dma_start3A_75 = tpu.memref_slice %arg7[%run_scoped3A_11, %dma_start3A_73, %dma_start3A_74] : memref<4x80x128xf32, #tpu.memory_space<vmem>> -> memref<1x80x128xf32, #tpu.memory_space<vmem>>
      %dma_start3A_76 = tpu.memref_squeeze %dma_start3A_75 : memref<1x80x128xf32, #tpu.memory_space<vmem>> -> memref<80x128xf32, #tpu.memory_space<vmem>>
      %dma_start3A_77 = arith.constant 0 : i32
      %dma_start3A_78 = arith.constant 0 : i32
      %dma_start3A_79 = tpu.memref_slice %arg2[%run_scoped3A_10, %add3A, %dma_start3A_77, %dma_start3A_78] : memref<4x32x80x128xf32, #tpu.memory_space<hbm>> -> memref<1x1x80x128xf32, #tpu.memory_space<hbm>>
      %dma_start3A_80 = tpu.memref_squeeze %dma_start3A_79 : memref<1x1x80x128xf32, #tpu.memory_space<hbm>> -> memref<80x128xf32, #tpu.memory_space<hbm>>
      tpu.enqueue_dma source(%dma_start3A_80 : memref<80x128xf32, #tpu.memory_space<hbm>>) target(%dma_start3A_76 : memref<80x128xf32, #tpu.memory_space<vmem>>) target_semaphore(%run_scoped3A_65 : memref<!tpu.dma_semaphore, #tpu.memory_space<semaphore_mem>>)
      %dma_wait3A_81 = arith.constant 0 : i32
      %dma_wait3A_82 = arith.constant 0 : i32
      %dma_wait3A_83 = tpu.memref_slice %arg7[%run_scoped3A_11, %dma_wait3A_81, %dma_wait3A_82] : memref<4x80x128xf32, #tpu.memory_space<vmem>> -> memref<1x80x128xf32, #tpu.memory_space<vmem>>
      %dma_wait3A_84 = tpu.memref_squeeze %dma_wait3A_83 : memref<1x80x128xf32, #tpu.memory_space<vmem>> -> memref<80x128xf32, #tpu.memory_space<vmem>>
      %dma_wait3A_85 = arith.constant 0 : i32
      %dma_wait3A_86 = arith.constant 0 : i32
      %dma_wait3A_87 = tpu.memref_slice %arg2[%run_scoped3A_10, %add3A, %dma_wait3A_85, %dma_wait3A_86] : memref<4x32x80x128xf32, #tpu.memory_space<hbm>> -> memref<1x1x80x128xf32, #tpu.memory_space<hbm>>
      %dma_wait3A_88 = tpu.memref_squeeze %dma_wait3A_87 : memref<1x1x80x128xf32, #tpu.memory_space<hbm>> -> memref<80x128xf32, #tpu.memory_space<hbm>>
      %dma_wait3A_89 = arith.constant 0 : i32
      %dma_wait3A_90 = arith.constant 0 : i32
      %dma_wait3A_91 = tpu.memref_slice %arg7[%run_scoped3A_11, %dma_wait3A_89, %dma_wait3A_90] : memref<4x80x128xf32, #tpu.memory_space<vmem>> -> memref<1x80x128xf32, #tpu.memory_space<vmem>>
      %dma_wait3A_92 = tpu.memref_squeeze %dma_wait3A_91 : memref<1x80x128xf32, #tpu.memory_space<vmem>> -> memref<80x128xf32, #tpu.memory_space<vmem>>
      %dma_wait3A_93 = arith.constant 0 : i32
      %dma_wait3A_94 = arith.constant 0 : i32
      %dma_wait3A_95 = tpu.memref_slice %arg2[%run_scoped3A_10, %add3A, %dma_wait3A_93, %dma_wait3A_94] : memref<4x32x80x128xf32, #tpu.memory_space<hbm>> -> memref<1x1x80x128xf32, #tpu.memory_space<hbm>>
      %dma_wait3A_96 = tpu.memref_squeeze %dma_wait3A_95 : memref<1x1x80x128xf32, #tpu.memory_space<hbm>> -> memref<80x128xf32, #tpu.memory_space<hbm>>
      tpu.wait_dma2 semaphore(%run_scoped3A_65 : memref<!tpu.dma_semaphore, #tpu.memory_space<semaphore_mem>>) src(%dma_wait3A_96 : memref<80x128xf32, #tpu.memory_space<hbm>>) dst(%dma_wait3A_92 : memref<80x128xf32, #tpu.memory_space<vmem>>)
      tpu.yield
    }) : () -> ()
    %barrier3A = arith.constant 0 : index
    tpu.barrier barrier_id(%barrier3A)
    %scan3A = arith.constant 0 : i32
    %scan3A_12 = arith.constant 80 : i32
    %scan3A_13 = arith.addi %scan3A, %scan3A_12 : i32
    %scan3A_14 = arith.constant 1 : i32
    scf.for %scan3A_65 = %scan3A to %scan3A_13 step %scan3A_14  : i32 {
      %mul3A_66 = arith.constant 1 : i32
      %mul3A_67 = arith.muli %scan3A_65, %mul3A_66 : i32
      %add3A_68 = arith.constant 0 : i32
      %add3A_69 = arith.addi %add3A_68, %mul3A_67 : i32
      %gt3A = arith.constant 0 : i32
      %gt3A_70 = arith.cmpi sgt, %add3A_69, %gt3A : i32
      %convert_element_type3A_71 = arith.extui %gt3A_70 : i1 to i32
      %cond3A_72 = arith.constant 0 : i32
      %cond3A_73 = arith.cmpi ne, %convert_element_type3A_71, %cond3A_72 : i32
      scf.if %cond3A_73 {
        %dma_wait3A_109 = arith.constant 0 : i32
        %dma_wait3A_110 = arith.constant 0 : i32
        %dma_wait3A_111 = arith.constant 0 : i32
        %dma_wait3A_112 = arith.constant 0 : i32
        %dma_wait3A_113 = tpu.memref_slice %arg7[%dma_wait3A_109, %dma_wait3A_110, %dma_wait3A_112] : memref<4x80x128xf32, #tpu.memory_space<vmem>> -> memref<1x1x128xf32, #tpu.memory_space<vmem>>
        %dma_wait3A_114 = tpu.memref_squeeze %dma_wait3A_113 : memref<1x1x128xf32, #tpu.memory_space<vmem>> -> memref<128xf32, #tpu.memory_space<vmem>>
        %dma_wait3A_115 = arith.constant 0 : i32
        %dma_wait3A_116 = tpu.memref_slice %arg6[%dma_wait3A_111, %dma_wait3A_115] : memref<80x128xi32, #tpu.memory_space<vmem>> -> memref<1x128xi32, #tpu.memory_space<vmem>>
        %dma_wait3A_117 = tpu.memref_squeeze %dma_wait3A_116 : memref<1x128xi32, #tpu.memory_space<vmem>> -> memref<128xi32, #tpu.memory_space<vmem>>
        %dma_wait3A_118 = arith.constant 0 : i32
        %dma_wait3A_119 = tpu.memref_slice %arg8[%dma_wait3A_118] : memref<10000xf32, #tpu.memory_space<vmem_shared>> -> memref<10000xf32, #tpu.memory_space<vmem_shared>>
        tpu.wait_indirect_dma semaphore(%arg12 : memref<!tpu.dma_semaphore, #tpu.memory_space<semaphore_mem>>) src(%dma_wait3A_114 : memref<128xf32, #tpu.memory_space<vmem>>) dst(%dma_wait3A_119 : memref<10000xf32, #tpu.memory_space<vmem_shared>>)
        %dma_wait3A_120 = arith.constant 1 : i32
        %dma_wait3A_121 = arith.constant 0 : i32
        %dma_wait3A_122 = arith.constant 0 : i32
        %dma_wait3A_123 = arith.constant 0 : i32
        %dma_wait3A_124 = tpu.memref_slice %arg7[%dma_wait3A_120, %dma_wait3A_121, %dma_wait3A_123] : memref<4x80x128xf32, #tpu.memory_space<vmem>> -> memref<1x1x128xf32, #tpu.memory_space<vmem>>
        %dma_wait3A_125 = tpu.memref_squeeze %dma_wait3A_124 : memref<1x1x128xf32, #tpu.memory_space<vmem>> -> memref<128xf32, #tpu.memory_space<vmem>>
        %dma_wait3A_126 = arith.constant 0 : i32
        %dma_wait3A_127 = tpu.memref_slice %arg6[%dma_wait3A_122, %dma_wait3A_126] : memref<80x128xi32, #tpu.memory_space<vmem>> -> memref<1x128xi32, #tpu.memory_space<vmem>>
        %dma_wait3A_128 = tpu.memref_squeeze %dma_wait3A_127 : memref<1x128xi32, #tpu.memory_space<vmem>> -> memref<128xi32, #tpu.memory_space<vmem>>
        %dma_wait3A_129 = arith.constant 0 : i32
        %dma_wait3A_130 = tpu.memref_slice %arg9[%dma_wait3A_129] : memref<10000xf32, #tpu.memory_space<vmem_shared>> -> memref<10000xf32, #tpu.memory_space<vmem_shared>>
        tpu.wait_indirect_dma semaphore(%arg13 : memref<!tpu.dma_semaphore, #tpu.memory_space<semaphore_mem>>) src(%dma_wait3A_125 : memref<128xf32, #tpu.memory_space<vmem>>) dst(%dma_wait3A_130 : memref<10000xf32, #tpu.memory_space<vmem_shared>>)
        %dma_wait3A_131 = arith.constant 2 : i32
        %dma_wait3A_132 = arith.constant 0 : i32
        %dma_wait3A_133 = arith.constant 0 : i32
        %dma_wait3A_134 = arith.constant 0 : i32
        %dma_wait3A_135 = tpu.memref_slice %arg7[%dma_wait3A_131, %dma_wait3A_132, %dma_wait3A_134] : memref<4x80x128xf32, #tpu.memory_space<vmem>> -> memref<1x1x128xf32, #tpu.memory_space<vmem>>
        %dma_wait3A_136 = tpu.memref_squeeze %dma_wait3A_135 : memref<1x1x128xf32, #tpu.memory_space<vmem>> -> memref<128xf32, #tpu.memory_space<vmem>>
        %dma_wait3A_137 = arith.constant 0 : i32
        %dma_wait3A_138 = tpu.memref_slice %arg6[%dma_wait3A_133, %dma_wait3A_137] : memref<80x128xi32, #tpu.memory_space<vmem>> -> memref<1x128xi32, #tpu.memory_space<vmem>>
        %dma_wait3A_139 = tpu.memref_squeeze %dma_wait3A_138 : memref<1x128xi32, #tpu.memory_space<vmem>> -> memref<128xi32, #tpu.memory_space<vmem>>
        %dma_wait3A_140 = arith.constant 0 : i32
        %dma_wait3A_141 = tpu.memref_slice %arg10[%dma_wait3A_140] : memref<10000xf32, #tpu.memory_space<vmem_shared>> -> memref<10000xf32, #tpu.memory_space<vmem_shared>>
        tpu.wait_indirect_dma semaphore(%arg14 : memref<!tpu.dma_semaphore, #tpu.memory_space<semaphore_mem>>) src(%dma_wait3A_136 : memref<128xf32, #tpu.memory_space<vmem>>) dst(%dma_wait3A_141 : memref<10000xf32, #tpu.memory_space<vmem_shared>>)
        %dma_wait3A_142 = arith.constant 3 : i32
        %dma_wait3A_143 = arith.constant 0 : i32
        %dma_wait3A_144 = arith.constant 0 : i32
        %dma_wait3A_145 = arith.constant 0 : i32
        %dma_wait3A_146 = tpu.memref_slice %arg7[%dma_wait3A_142, %dma_wait3A_143, %dma_wait3A_145] : memref<4x80x128xf32, #tpu.memory_space<vmem>> -> memref<1x1x128xf32, #tpu.memory_space<vmem>>
        %dma_wait3A_147 = tpu.memref_squeeze %dma_wait3A_146 : memref<1x1x128xf32, #tpu.memory_space<vmem>> -> memref<128xf32, #tpu.memory_space<vmem>>
        %dma_wait3A_148 = arith.constant 0 : i32
        %dma_wait3A_149 = tpu.memref_slice %arg6[%dma_wait3A_144, %dma_wait3A_148] : memref<80x128xi32, #tpu.memory_space<vmem>> -> memref<1x128xi32, #tpu.memory_space<vmem>>
        %dma_wait3A_150 = tpu.memref_squeeze %dma_wait3A_149 : memref<1x128xi32, #tpu.memory_space<vmem>> -> memref<128xi32, #tpu.memory_space<vmem>>
        %dma_wait3A_151 = arith.constant 0 : i32
        %dma_wait3A_152 = tpu.memref_slice %arg11[%dma_wait3A_151] : memref<10000xf32, #tpu.memory_space<vmem_shared>> -> memref<10000xf32, #tpu.memory_space<vmem_shared>>
        tpu.wait_indirect_dma semaphore(%arg15 : memref<!tpu.dma_semaphore, #tpu.memory_space<semaphore_mem>>) src(%dma_wait3A_147 : memref<128xf32, #tpu.memory_space<vmem>>) dst(%dma_wait3A_152 : memref<10000xf32, #tpu.memory_space<vmem_shared>>)
      } else {
      }
      %dma_start3A = arith.constant 0 : i32
      %dma_start3A_74 = arith.constant 0 : i32
      %dma_start3A_75 = tpu.memref_slice %arg7[%dma_start3A, %add3A_69, %dma_start3A_74] : memref<4x80x128xf32, #tpu.memory_space<vmem>> -> memref<1x1x128xf32, #tpu.memory_space<vmem>>
      %dma_start3A_76 = tpu.memref_squeeze %dma_start3A_75 : memref<1x1x128xf32, #tpu.memory_space<vmem>> -> memref<128xf32, #tpu.memory_space<vmem>>
      %dma_start3A_77 = arith.constant 0 : i32
      %dma_start3A_78 = tpu.memref_slice %arg6[%add3A_69, %dma_start3A_77] : memref<80x128xi32, #tpu.memory_space<vmem>> -> memref<1x128xi32, #tpu.memory_space<vmem>>
      %dma_start3A_79 = tpu.memref_squeeze %dma_start3A_78 : memref<1x128xi32, #tpu.memory_space<vmem>> -> memref<128xi32, #tpu.memory_space<vmem>>
      %dma_start3A_80 = arith.constant 0 : i32
      %dma_start3A_81 = tpu.memref_slice %arg8[%dma_start3A_80] : memref<10000xf32, #tpu.memory_space<vmem_shared>> -> memref<10000xf32, #tpu.memory_space<vmem_shared>>
      tpu.enqueue_indirect_dma source(%dma_start3A_76 : memref<128xf32, #tpu.memory_space<vmem>>) target(%dma_start3A_81 : memref<10000xf32, #tpu.memory_space<vmem_shared>>) offsets(%dma_start3A_79 : memref<128xi32, #tpu.memory_space<vmem>>) semaphore(%arg12 : memref<!tpu.dma_semaphore, #tpu.memory_space<semaphore_mem>>) {add = true}
      %dma_start3A_82 = arith.constant 1 : i32
      %dma_start3A_83 = arith.constant 0 : i32
      %dma_start3A_84 = tpu.memref_slice %arg7[%dma_start3A_82, %add3A_69, %dma_start3A_83] : memref<4x80x128xf32, #tpu.memory_space<vmem>> -> memref<1x1x128xf32, #tpu.memory_space<vmem>>
      %dma_start3A_85 = tpu.memref_squeeze %dma_start3A_84 : memref<1x1x128xf32, #tpu.memory_space<vmem>> -> memref<128xf32, #tpu.memory_space<vmem>>
      %dma_start3A_86 = arith.constant 0 : i32
      %dma_start3A_87 = tpu.memref_slice %arg6[%add3A_69, %dma_start3A_86] : memref<80x128xi32, #tpu.memory_space<vmem>> -> memref<1x128xi32, #tpu.memory_space<vmem>>
      %dma_start3A_88 = tpu.memref_squeeze %dma_start3A_87 : memref<1x128xi32, #tpu.memory_space<vmem>> -> memref<128xi32, #tpu.memory_space<vmem>>
      %dma_start3A_89 = arith.constant 0 : i32
      %dma_start3A_90 = tpu.memref_slice %arg9[%dma_start3A_89] : memref<10000xf32, #tpu.memory_space<vmem_shared>> -> memref<10000xf32, #tpu.memory_space<vmem_shared>>
      tpu.enqueue_indirect_dma source(%dma_start3A_85 : memref<128xf32, #tpu.memory_space<vmem>>) target(%dma_start3A_90 : memref<10000xf32, #tpu.memory_space<vmem_shared>>) offsets(%dma_start3A_88 : memref<128xi32, #tpu.memory_space<vmem>>) semaphore(%arg13 : memref<!tpu.dma_semaphore, #tpu.memory_space<semaphore_mem>>) {add = true}
      %dma_start3A_91 = arith.constant 2 : i32
      %dma_start3A_92 = arith.constant 0 : i32
      %dma_start3A_93 = tpu.memref_slice %arg7[%dma_start3A_91, %add3A_69, %dma_start3A_92] : memref<4x80x128xf32, #tpu.memory_space<vmem>> -> memref<1x1x128xf32, #tpu.memory_space<vmem>>
      %dma_start3A_94 = tpu.memref_squeeze %dma_start3A_93 : memref<1x1x128xf32, #tpu.memory_space<vmem>> -> memref<128xf32, #tpu.memory_space<vmem>>
      %dma_start3A_95 = arith.constant 0 : i32
      %dma_start3A_96 = tpu.memref_slice %arg6[%add3A_69, %dma_start3A_95] : memref<80x128xi32, #tpu.memory_space<vmem>> -> memref<1x128xi32, #tpu.memory_space<vmem>>
      %dma_start3A_97 = tpu.memref_squeeze %dma_start3A_96 : memref<1x128xi32, #tpu.memory_space<vmem>> -> memref<128xi32, #tpu.memory_space<vmem>>
      %dma_start3A_98 = arith.constant 0 : i32
      %dma_start3A_99 = tpu.memref_slice %arg10[%dma_start3A_98] : memref<10000xf32, #tpu.memory_space<vmem_shared>> -> memref<10000xf32, #tpu.memory_space<vmem_shared>>
      tpu.enqueue_indirect_dma source(%dma_start3A_94 : memref<128xf32, #tpu.memory_space<vmem>>) target(%dma_start3A_99 : memref<10000xf32, #tpu.memory_space<vmem_shared>>) offsets(%dma_start3A_97 : memref<128xi32, #tpu.memory_space<vmem>>) semaphore(%arg14 : memref<!tpu.dma_semaphore, #tpu.memory_space<semaphore_mem>>) {add = true}
      %dma_start3A_100 = arith.constant 3 : i32
      %dma_start3A_101 = arith.constant 0 : i32
      %dma_start3A_102 = tpu.memref_slice %arg7[%dma_start3A_100, %add3A_69, %dma_start3A_101] : memref<4x80x128xf32, #tpu.memory_space<vmem>> -> memref<1x1x128xf32, #tpu.memory_space<vmem>>
      %dma_start3A_103 = tpu.memref_squeeze %dma_start3A_102 : memref<1x1x128xf32, #tpu.memory_space<vmem>> -> memref<128xf32, #tpu.memory_space<vmem>>
      %dma_start3A_104 = arith.constant 0 : i32
      %dma_start3A_105 = tpu.memref_slice %arg6[%add3A_69, %dma_start3A_104] : memref<80x128xi32, #tpu.memory_space<vmem>> -> memref<1x128xi32, #tpu.memory_space<vmem>>
      %dma_start3A_106 = tpu.memref_squeeze %dma_start3A_105 : memref<1x128xi32, #tpu.memory_space<vmem>> -> memref<128xi32, #tpu.memory_space<vmem>>
      %dma_start3A_107 = arith.constant 0 : i32
      %dma_start3A_108 = tpu.memref_slice %arg11[%dma_start3A_107] : memref<10000xf32, #tpu.memory_space<vmem_shared>> -> memref<10000xf32, #tpu.memory_space<vmem_shared>>
      tpu.enqueue_indirect_dma source(%dma_start3A_103 : memref<128xf32, #tpu.memory_space<vmem>>) target(%dma_start3A_108 : memref<10000xf32, #tpu.memory_space<vmem_shared>>) offsets(%dma_start3A_106 : memref<128xi32, #tpu.memory_space<vmem>>) semaphore(%arg15 : memref<!tpu.dma_semaphore, #tpu.memory_space<semaphore_mem>>) {add = true}
    }
    %scan3A_15 = arith.constant 80 : i32
    %dma_wait3A = arith.constant 0 : i32
    %dma_wait3A_16 = arith.constant 0 : i32
    %dma_wait3A_17 = arith.constant 0 : i32
    %dma_wait3A_18 = arith.constant 0 : i32
    %dma_wait3A_19 = tpu.memref_slice %arg7[%dma_wait3A, %dma_wait3A_16, %dma_wait3A_18] : memref<4x80x128xf32, #tpu.memory_space<vmem>> -> memref<1x1x128xf32, #tpu.memory_space<vmem>>
    %dma_wait3A_20 = tpu.memref_squeeze %dma_wait3A_19 : memref<1x1x128xf32, #tpu.memory_space<vmem>> -> memref<128xf32, #tpu.memory_space<vmem>>
    %dma_wait3A_21 = arith.constant 0 : i32
    %dma_wait3A_22 = tpu.memref_slice %arg6[%dma_wait3A_17, %dma_wait3A_21] : memref<80x128xi32, #tpu.memory_space<vmem>> -> memref<1x128xi32, #tpu.memory_space<vmem>>
    %dma_wait3A_23 = tpu.memref_squeeze %dma_wait3A_22 : memref<1x128xi32, #tpu.memory_space<vmem>> -> memref<128xi32, #tpu.memory_space<vmem>>
    %dma_wait3A_24 = arith.constant 0 : i32
    %dma_wait3A_25 = tpu.memref_slice %arg8[%dma_wait3A_24] : memref<10000xf32, #tpu.memory_space<vmem_shared>> -> memref<10000xf32, #tpu.memory_space<vmem_shared>>
    tpu.wait_indirect_dma semaphore(%arg12 : memref<!tpu.dma_semaphore, #tpu.memory_space<semaphore_mem>>) src(%dma_wait3A_20 : memref<128xf32, #tpu.memory_space<vmem>>) dst(%dma_wait3A_25 : memref<10000xf32, #tpu.memory_space<vmem_shared>>)
    %dma_wait3A_26 = arith.constant 1 : i32
    %dma_wait3A_27 = arith.constant 0 : i32
    %dma_wait3A_28 = arith.constant 0 : i32
    %dma_wait3A_29 = arith.constant 0 : i32
    %dma_wait3A_30 = tpu.memref_slice %arg7[%dma_wait3A_26, %dma_wait3A_27, %dma_wait3A_29] : memref<4x80x128xf32, #tpu.memory_space<vmem>> -> memref<1x1x128xf32, #tpu.memory_space<vmem>>
    %dma_wait3A_31 = tpu.memref_squeeze %dma_wait3A_30 : memref<1x1x128xf32, #tpu.memory_space<vmem>> -> memref<128xf32, #tpu.memory_space<vmem>>
    %dma_wait3A_32 = arith.constant 0 : i32
    %dma_wait3A_33 = tpu.memref_slice %arg6[%dma_wait3A_28, %dma_wait3A_32] : memref<80x128xi32, #tpu.memory_space<vmem>> -> memref<1x128xi32, #tpu.memory_space<vmem>>
    %dma_wait3A_34 = tpu.memref_squeeze %dma_wait3A_33 : memref<1x128xi32, #tpu.memory_space<vmem>> -> memref<128xi32, #tpu.memory_space<vmem>>
    %dma_wait3A_35 = arith.constant 0 : i32
    %dma_wait3A_36 = tpu.memref_slice %arg9[%dma_wait3A_35] : memref<10000xf32, #tpu.memory_space<vmem_shared>> -> memref<10000xf32, #tpu.memory_space<vmem_shared>>
    tpu.wait_indirect_dma semaphore(%arg13 : memref<!tpu.dma_semaphore, #tpu.memory_space<semaphore_mem>>) src(%dma_wait3A_31 : memref<128xf32, #tpu.memory_space<vmem>>) dst(%dma_wait3A_36 : memref<10000xf32, #tpu.memory_space<vmem_shared>>)
    %dma_wait3A_37 = arith.constant 2 : i32
    %dma_wait3A_38 = arith.constant 0 : i32
    %dma_wait3A_39 = arith.constant 0 : i32
    %dma_wait3A_40 = arith.constant 0 : i32
    %dma_wait3A_41 = tpu.memref_slice %arg7[%dma_wait3A_37, %dma_wait3A_38, %dma_wait3A_40] : memref<4x80x128xf32, #tpu.memory_space<vmem>> -> memref<1x1x128xf32, #tpu.memory_space<vmem>>
    %dma_wait3A_42 = tpu.memref_squeeze %dma_wait3A_41 : memref<1x1x128xf32, #tpu.memory_space<vmem>> -> memref<128xf32, #tpu.memory_space<vmem>>
    %dma_wait3A_43 = arith.constant 0 : i32
    %dma_wait3A_44 = tpu.memref_slice %arg6[%dma_wait3A_39, %dma_wait3A_43] : memref<80x128xi32, #tpu.memory_space<vmem>> -> memref<1x128xi32, #tpu.memory_space<vmem>>
    %dma_wait3A_45 = tpu.memref_squeeze %dma_wait3A_44 : memref<1x128xi32, #tpu.memory_space<vmem>> -> memref<128xi32, #tpu.memory_space<vmem>>
    %dma_wait3A_46 = arith.constant 0 : i32
    %dma_wait3A_47 = tpu.memref_slice %arg10[%dma_wait3A_46] : memref<10000xf32, #tpu.memory_space<vmem_shared>> -> memref<10000xf32, #tpu.memory_space<vmem_shared>>
    tpu.wait_indirect_dma semaphore(%arg14 : memref<!tpu.dma_semaphore, #tpu.memory_space<semaphore_mem>>) src(%dma_wait3A_42 : memref<128xf32, #tpu.memory_space<vmem>>) dst(%dma_wait3A_47 : memref<10000xf32, #tpu.memory_space<vmem_shared>>)
    %dma_wait3A_48 = arith.constant 3 : i32
    %dma_wait3A_49 = arith.constant 0 : i32
    %dma_wait3A_50 = arith.constant 0 : i32
    %dma_wait3A_51 = arith.constant 0 : i32
    %dma_wait3A_52 = tpu.memref_slice %arg7[%dma_wait3A_48, %dma_wait3A_49, %dma_wait3A_51] : memref<4x80x128xf32, #tpu.memory_space<vmem>> -> memref<1x1x128xf32, #tpu.memory_space<vmem>>
    %dma_wait3A_53 = tpu.memref_squeeze %dma_wait3A_52 : memref<1x1x128xf32, #tpu.memory_space<vmem>> -> memref<128xf32, #tpu.memory_space<vmem>>
    %dma_wait3A_54 = arith.constant 0 : i32
    %dma_wait3A_55 = tpu.memref_slice %arg6[%dma_wait3A_50, %dma_wait3A_54] : memref<80x128xi32, #tpu.memory_space<vmem>> -> memref<1x128xi32, #tpu.memory_space<vmem>>
    %dma_wait3A_56 = tpu.memref_squeeze %dma_wait3A_55 : memref<1x128xi32, #tpu.memory_space<vmem>> -> memref<128xi32, #tpu.memory_space<vmem>>
    %dma_wait3A_57 = arith.constant 0 : i32
    %dma_wait3A_58 = tpu.memref_slice %arg11[%dma_wait3A_57] : memref<10000xf32, #tpu.memory_space<vmem_shared>> -> memref<10000xf32, #tpu.memory_space<vmem_shared>>
    tpu.wait_indirect_dma semaphore(%arg15 : memref<!tpu.dma_semaphore, #tpu.memory_space<semaphore_mem>>) src(%dma_wait3A_53 : memref<128xf32, #tpu.memory_space<vmem>>) dst(%dma_wait3A_58 : memref<10000xf32, #tpu.memory_space<vmem_shared>>)
    %barrier3A_59 = arith.constant 0 : index
    tpu.barrier barrier_id(%barrier3A_59)
    %eq3A_60 = arith.constant 0 : i32
    %eq3A_61 = arith.cmpi eq, %arg1, %eq3A_60 : i32
    %convert_element_type3A_62 = arith.extui %eq3A_61 : i1 to i32
    %cond3A_63 = arith.constant 0 : i32
    %cond3A_64 = arith.cmpi ne, %convert_element_type3A_62, %cond3A_63 : i32
    scf.if %cond3A_64 {
      %run_scoped3A_65 = arith.constant 0 : i32
      "tpu.region"() ({
        %run_scoped3A_69 = tpu.sem_alloc : memref<!tpu.dma_semaphore, #tpu.memory_space<semaphore_mem>>
        %dma_start3A = arith.constant 0 : i32
        %dma_start3A_70 = tpu.memref_slice %arg5[%arg0, %run_scoped3A_65, %dma_start3A] : memref<2x4x10000xf32, #tpu.memory_space<hbm>> -> memref<1x1x10000xf32, #tpu.memory_space<hbm>>
        %dma_start3A_71 = tpu.memref_squeeze %dma_start3A_70 : memref<1x1x10000xf32, #tpu.memory_space<hbm>> -> memref<10000xf32, #tpu.memory_space<hbm>>
        tpu.enqueue_dma source(%arg8 : memref<10000xf32, #tpu.memory_space<vmem_shared>>) target(%dma_start3A_71 : memref<10000xf32, #tpu.memory_space<hbm>>) target_semaphore(%run_scoped3A_69 : memref<!tpu.dma_semaphore, #tpu.memory_space<semaphore_mem>>)
        %dma_wait3A_72 = arith.constant 0 : i32
        %dma_wait3A_73 = tpu.memref_slice %arg5[%arg0, %run_scoped3A_65, %dma_wait3A_72] : memref<2x4x10000xf32, #tpu.memory_space<hbm>> -> memref<1x1x10000xf32, #tpu.memory_space<hbm>>
        %dma_wait3A_74 = tpu.memref_squeeze %dma_wait3A_73 : memref<1x1x10000xf32, #tpu.memory_space<hbm>> -> memref<10000xf32, #tpu.memory_space<hbm>>
        tpu.wait_dma2 semaphore(%run_scoped3A_69 : memref<!tpu.dma_semaphore, #tpu.memory_space<semaphore_mem>>) src(%arg8 : memref<10000xf32, #tpu.memory_space<vmem_shared>>) dst(%dma_wait3A_74 : memref<10000xf32, #tpu.memory_space<hbm>>)
        tpu.yield
      }) : () -> ()
      %run_scoped3A_66 = arith.constant 1 : i32
      "tpu.region"() ({
        %run_scoped3A_69 = tpu.sem_alloc : memref<!tpu.dma_semaphore, #tpu.memory_space<semaphore_mem>>
        %dma_start3A = arith.constant 0 : i32
        %dma_start3A_70 = tpu.memref_slice %arg5[%arg0, %run_scoped3A_66, %dma_start3A] : memref<2x4x10000xf32, #tpu.memory_space<hbm>> -> memref<1x1x10000xf32, #tpu.memory_space<hbm>>
        %dma_start3A_71 = tpu.memref_squeeze %dma_start3A_70 : memref<1x1x10000xf32, #tpu.memory_space<hbm>> -> memref<10000xf32, #tpu.memory_space<hbm>>
        tpu.enqueue_dma source(%arg9 : memref<10000xf32, #tpu.memory_space<vmem_shared>>) target(%dma_start3A_71 : memref<10000xf32, #tpu.memory_space<hbm>>) target_semaphore(%run_scoped3A_69 : memref<!tpu.dma_semaphore, #tpu.memory_space<semaphore_mem>>)
        %dma_wait3A_72 = arith.constant 0 : i32
        %dma_wait3A_73 = tpu.memref_slice %arg5[%arg0, %run_scoped3A_66, %dma_wait3A_72] : memref<2x4x10000xf32, #tpu.memory_space<hbm>> -> memref<1x1x10000xf32, #tpu.memory_space<hbm>>
        %dma_wait3A_74 = tpu.memref_squeeze %dma_wait3A_73 : memref<1x1x10000xf32, #tpu.memory_space<hbm>> -> memref<10000xf32, #tpu.memory_space<hbm>>
        tpu.wait_dma2 semaphore(%run_scoped3A_69 : memref<!tpu.dma_semaphore, #tpu.memory_space<semaphore_mem>>) src(%arg9 : memref<10000xf32, #tpu.memory_space<vmem_shared>>) dst(%dma_wait3A_74 : memref<10000xf32, #tpu.memory_space<hbm>>)
        tpu.yield
      }) : () -> ()
      %run_scoped3A_67 = arith.constant 2 : i32
      "tpu.region"() ({
        %run_scoped3A_69 = tpu.sem_alloc : memref<!tpu.dma_semaphore, #tpu.memory_space<semaphore_mem>>
        %dma_start3A = arith.constant 0 : i32
        %dma_start3A_70 = tpu.memref_slice %arg5[%arg0, %run_scoped3A_67, %dma_start3A] : memref<2x4x10000xf32, #tpu.memory_space<hbm>> -> memref<1x1x10000xf32, #tpu.memory_space<hbm>>
        %dma_start3A_71 = tpu.memref_squeeze %dma_start3A_70 : memref<1x1x10000xf32, #tpu.memory_space<hbm>> -> memref<10000xf32, #tpu.memory_space<hbm>>
        tpu.enqueue_dma source(%arg10 : memref<10000xf32, #tpu.memory_space<vmem_shared>>) target(%dma_start3A_71 : memref<10000xf32, #tpu.memory_space<hbm>>) target_semaphore(%run_scoped3A_69 : memref<!tpu.dma_semaphore, #tpu.memory_space<semaphore_mem>>)
        %dma_wait3A_72 = arith.constant 0 : i32
        %dma_wait3A_73 = tpu.memref_slice %arg5[%arg0, %run_scoped3A_67, %dma_wait3A_72] : memref<2x4x10000xf32, #tpu.memory_space<hbm>> -> memref<1x1x10000xf32, #tpu.memory_space<hbm>>
        %dma_wait3A_74 = tpu.memref_squeeze %dma_wait3A_73 : memref<1x1x10000xf32, #tpu.memory_space<hbm>> -> memref<10000xf32, #tpu.memory_space<hbm>>
        tpu.wait_dma2 semaphore(%run_scoped3A_69 : memref<!tpu.dma_semaphore, #tpu.memory_space<semaphore_mem>>) src(%arg10 : memref<10000xf32, #tpu.memory_space<vmem_shared>>) dst(%dma_wait3A_74 : memref<10000xf32, #tpu.memory_space<hbm>>)
        tpu.yield
      }) : () -> ()
      %run_scoped3A_68 = arith.constant 3 : i32
      "tpu.region"() ({
        %run_scoped3A_69 = tpu.sem_alloc : memref<!tpu.dma_semaphore, #tpu.memory_space<semaphore_mem>>
        %dma_start3A = arith.constant 0 : i32
        %dma_start3A_70 = tpu.memref_slice %arg5[%arg0, %run_scoped3A_68, %dma_start3A] : memref<2x4x10000xf32, #tpu.memory_space<hbm>> -> memref<1x1x10000xf32, #tpu.memory_space<hbm>>
        %dma_start3A_71 = tpu.memref_squeeze %dma_start3A_70 : memref<1x1x10000xf32, #tpu.memory_space<hbm>> -> memref<10000xf32, #tpu.memory_space<hbm>>
        tpu.enqueue_dma source(%arg11 : memref<10000xf32, #tpu.memory_space<vmem_shared>>) target(%dma_start3A_71 : memref<10000xf32, #tpu.memory_space<hbm>>) target_semaphore(%run_scoped3A_69 : memref<!tpu.dma_semaphore, #tpu.memory_space<semaphore_mem>>)
        %dma_wait3A_72 = arith.constant 0 : i32
        %dma_wait3A_73 = tpu.memref_slice %arg5[%arg0, %run_scoped3A_68, %dma_wait3A_72] : memref<2x4x10000xf32, #tpu.memory_space<hbm>> -> memref<1x1x10000xf32, #tpu.memory_space<hbm>>
        %dma_wait3A_74 = tpu.memref_squeeze %dma_wait3A_73 : memref<1x1x10000xf32, #tpu.memory_space<hbm>> -> memref<10000xf32, #tpu.memory_space<hbm>>
        tpu.wait_dma2 semaphore(%run_scoped3A_69 : memref<!tpu.dma_semaphore, #tpu.memory_space<semaphore_mem>>) src(%arg11 : memref<10000xf32, #tpu.memory_space<vmem_shared>>) dst(%dma_wait3A_74 : memref<10000xf32, #tpu.memory_space<hbm>>)
        tpu.yield
      }) : () -> ()
    } else {
    }
    return
  }
}

module attributes {stable_mosaic.version = 14 : i64} {
  func.func @body(%arg0: i32, %arg1: memref<134x2560xf32, #tpu.memory_space<vmem>>, %arg2: memref<2560x128xf32, #tpu.memory_space<vmem>>, %arg3: memref<64x128xf32, #tpu.memory_space<vmem>>, %arg4: memref<4x64xf32, #tpu.memory_space<vmem>>, %arg5: memref<20x134xf32, #tpu.memory_space<vmem>>, %arg6: memref<20x1xf32, #tpu.memory_space<vmem>>, %arg7: memref<20x20xf32, #tpu.memory_space<vmem>>, %arg8: memref<20x1xf32, #tpu.memory_space<vmem>>, %arg9: memref<20x20xf32, #tpu.memory_space<vmem>>, %arg10: memref<20x1xf32, #tpu.memory_space<vmem>>, %arg11: memref<4x2560xf32, #tpu.memory_space<vmem>>) attributes {dimension_semantics = [#tpu.dimension_semantics<arbitrary>], iteration_bounds = array<i64: 61>, scalar_prefetch = 0 : i64, scratch_operands = 0 : i64, tpu.core_type = #tpu.core_type<tc>, window_params = [{transform_indices = @transform_0, window_bounds = array<i64: 134, 2560>}, {transform_indices = @transform_1, window_bounds = array<i64: 2560, 128>}, {pipeline_mode = #tpu.pipeline_mode<synchronous>, transform_indices = @transform_2, window_bounds = array<i64: 64, 128>}, {pipeline_mode = #tpu.pipeline_mode<synchronous>, transform_indices = @transform_3, window_bounds = array<i64: 4, 64>}, {pipeline_mode = #tpu.pipeline_mode<synchronous>, transform_indices = @transform_4, window_bounds = array<i64: 20, 134>}, {pipeline_mode = #tpu.pipeline_mode<synchronous>, transform_indices = @transform_5, window_bounds = array<i64: 20, 1>}, {pipeline_mode = #tpu.pipeline_mode<synchronous>, transform_indices = @transform_6, window_bounds = array<i64: 20, 20>}, {pipeline_mode = #tpu.pipeline_mode<synchronous>, transform_indices = @transform_7, window_bounds = array<i64: 20, 1>}, {pipeline_mode = #tpu.pipeline_mode<synchronous>, transform_indices = @transform_8, window_bounds = array<i64: 20, 20>}, {pipeline_mode = #tpu.pipeline_mode<synchronous>, transform_indices = @transform_9, window_bounds = array<i64: 20, 1>}, {transform_indices = @transform_10, window_bounds = array<i64: 4, 2560>}]} {
    %get3A = arith.constant 0 : index
    %get3A_0 = arith.constant 0 : index
    %get3A_1 = vector.load %arg1[%get3A, %get3A_0] : memref<134x2560xf32, #tpu.memory_space<vmem>>, vector<134x2560xf32>
    %get3A_2 = arith.constant 0 : index
    %get3A_3 = arith.constant 0 : index
    %get3A_4 = vector.load %arg5[%get3A_2, %get3A_3] : memref<20x134xf32, #tpu.memory_space<vmem>>, vector<20x134xf32>
    %dot_general3A = arith.constant dense<0.000000e+00> : vector<20x2560xf32>
    %dot_general3A_5 = tpu.matmul %get3A_4, %get3A_1, %dot_general3A {dimension_numbers = #tpu.dot_dimension_numbers<[1], [0], [0], [1], [0, 0, 1, 1], [], []>, transpose_lhs_hint = false} : vector<20x134xf32>, vector<134x2560xf32>, vector<20x2560xf32> -> vector<20x2560xf32>
    %get3A_6 = arith.constant 0 : index
    %get3A_7 = arith.constant 0 : index
    %get3A_8 = vector.load %arg6[%get3A_6, %get3A_7] : memref<20x1xf32, #tpu.memory_space<vmem>>, vector<20x1xf32>
    %add3A = vector.broadcast %get3A_8 : vector<20x1xf32> to vector<20x2560xf32>
    %add3A_9 = arith.addf %dot_general3A_5, %add3A : vector<20x2560xf32>
    %max3A = arith.constant 0.000000e+00 : f32
    %max3A_10 = vector.broadcast %max3A : f32 to vector<20x2560xf32>
    %max3A_11 = arith.maximumf %add3A_9, %max3A_10 : vector<20x2560xf32>
    %get3A_12 = arith.constant 0 : index
    %get3A_13 = arith.constant 0 : index
    %get3A_14 = vector.load %arg7[%get3A_12, %get3A_13] : memref<20x20xf32, #tpu.memory_space<vmem>>, vector<20x20xf32>
    %dot_general3A_15 = arith.constant dense<0.000000e+00> : vector<20x2560xf32>
    %dot_general3A_16 = tpu.matmul %get3A_14, %max3A_11, %dot_general3A_15 {dimension_numbers = #tpu.dot_dimension_numbers<[1], [0], [0], [1], [0, 0, 1, 1], [], []>, transpose_lhs_hint = false} : vector<20x20xf32>, vector<20x2560xf32>, vector<20x2560xf32> -> vector<20x2560xf32>
    %get3A_17 = arith.constant 0 : index
    %get3A_18 = arith.constant 0 : index
    %get3A_19 = vector.load %arg8[%get3A_17, %get3A_18] : memref<20x1xf32, #tpu.memory_space<vmem>>, vector<20x1xf32>
    %add3A_20 = vector.broadcast %get3A_19 : vector<20x1xf32> to vector<20x2560xf32>
    %add3A_21 = arith.addf %dot_general3A_16, %add3A_20 : vector<20x2560xf32>
    %max3A_22 = arith.constant 0.000000e+00 : f32
    %max3A_23 = vector.broadcast %max3A_22 : f32 to vector<20x2560xf32>
    %max3A_24 = arith.maximumf %add3A_21, %max3A_23 : vector<20x2560xf32>
    %get3A_25 = arith.constant 0 : index
    %get3A_26 = arith.constant 0 : index
    %get3A_27 = vector.load %arg9[%get3A_25, %get3A_26] : memref<20x20xf32, #tpu.memory_space<vmem>>, vector<20x20xf32>
    %dot_general3A_28 = arith.constant dense<0.000000e+00> : vector<20x2560xf32>
    %dot_general3A_29 = tpu.matmul %get3A_27, %max3A_24, %dot_general3A_28 {dimension_numbers = #tpu.dot_dimension_numbers<[1], [0], [0], [1], [0, 0, 1, 1], [], []>, transpose_lhs_hint = false} : vector<20x20xf32>, vector<20x2560xf32>, vector<20x2560xf32> -> vector<20x2560xf32>
    %get3A_30 = arith.constant 0 : index
    %get3A_31 = arith.constant 0 : index
    %get3A_32 = vector.load %arg10[%get3A_30, %get3A_31] : memref<20x1xf32, #tpu.memory_space<vmem>>, vector<20x1xf32>
    %add3A_33 = vector.broadcast %get3A_32 : vector<20x1xf32> to vector<20x2560xf32>
    %add3A_34 = arith.addf %dot_general3A_29, %add3A_33 : vector<20x2560xf32>
    %max3A_35 = arith.constant 0.000000e+00 : f32
    %max3A_36 = vector.broadcast %max3A_35 : f32 to vector<20x2560xf32>
    %max3A_37 = arith.maximumf %add3A_34, %max3A_36 : vector<20x2560xf32>
    %get3A_38 = arith.constant 0 : index
    %get3A_39 = arith.constant 0 : index
    %get3A_40 = vector.load %arg3[%get3A_38, %get3A_39] : memref<64x128xf32, #tpu.memory_space<vmem>>, vector<64x128xf32>
    %get3A_41 = arith.constant 0 : index
    %get3A_42 = arith.constant 0 : index
    %get3A_43 = vector.load %arg2[%get3A_41, %get3A_42] : memref<2560x128xf32, #tpu.memory_space<vmem>>, vector<2560x128xf32>
    %dot_general3A_44 = arith.constant dense<0.000000e+00> : vector<64x2560xf32>
    %dot_general3A_45 = tpu.matmul %get3A_40, %get3A_43, %dot_general3A_44 {dimension_numbers = #tpu.dot_dimension_numbers<[1], [1], [0], [0], [0, 0, 1, 0], [], []>, transpose_lhs_hint = false} : vector<64x128xf32>, vector<2560x128xf32>, vector<64x2560xf32> -> vector<64x2560xf32>
    %concatenate3A = tpu.concatenate %max3A_37, %max3A_37, %max3A_37 in 0 : vector<20x2560xf32>, vector<20x2560xf32>, vector<20x2560xf32> -> vector<60x2560xf32>
    %slice3A = vector.extract_strided_slice %dot_general3A_45 {offsets = [0, 0], sizes = [60, 2560], strides = [1, 1]} : vector<64x2560xf32> to vector<60x2560xf32>
    %mul3A = arith.mulf %concatenate3A, %slice3A : vector<60x2560xf32>
    %slice3A_46 = vector.extract_strided_slice %dot_general3A_45 {offsets = [60, 0], sizes = [3, 2560], strides = [1, 1]} : vector<64x2560xf32> to vector<3x2560xf32>
    %broadcast_in_dim3A = arith.constant 1.000000e+00 : f32
    %broadcast_in_dim3A_47 = vector.broadcast %broadcast_in_dim3A : f32 to vector<1x2560xf32>
    %concatenate3A_48 = tpu.concatenate %mul3A, %slice3A_46, %broadcast_in_dim3A_47 in 0 : vector<60x2560xf32>, vector<3x2560xf32>, vector<1x2560xf32> -> vector<64x2560xf32>
    %get3A_49 = arith.constant 0 : index
    %get3A_50 = arith.constant 0 : index
    %get3A_51 = vector.load %arg4[%get3A_49, %get3A_50] : memref<4x64xf32, #tpu.memory_space<vmem>>, vector<4x64xf32>
    %dot_general3A_52 = arith.constant dense<0.000000e+00> : vector<4x2560xf32>
    %dot_general3A_53 = tpu.matmul %get3A_51, %concatenate3A_48, %dot_general3A_52 {dimension_numbers = #tpu.dot_dimension_numbers<[1], [0], [0], [1], [0, 0, 1, 1], [], []>, transpose_lhs_hint = false} : vector<4x64xf32>, vector<64x2560xf32>, vector<4x2560xf32> -> vector<4x2560xf32>
    %swap3A = arith.constant 0 : index
    %swap3A_54 = arith.constant 0 : index
    %swap3A_55 = vector.load %arg11[%swap3A, %swap3A_54] : memref<4x2560xf32, #tpu.memory_space<vmem>>, vector<4x2560xf32>
    tpu.vector_store %arg11[%swap3A, %swap3A_54], %dot_general3A_53 {strides = array<i32>} : memref<4x2560xf32, #tpu.memory_space<vmem>>, vector<4x2560xf32>,
    return
  }
  func.func @transform_0(%arg0: i32) -> (i32, i32) {
    %add3A = arith.constant 64 : i32
    %add3A_0 = arith.addi %arg0, %add3A : i32
    %c0_i32 = arith.constant 0 : i32
    %c0_i32_1 = arith.constant 0 : i32
    return %c0_i32, %add3A_0 : i32, i32
  }
  func.func @transform_1(%arg0: i32) -> (i32, i32) {
    %c0_i32 = arith.constant 0 : i32
    %c0_i32_0 = arith.constant 0 : i32
    return %arg0, %c0_i32 : i32, i32
  }
  func.func @transform_2(%arg0: i32) -> (i32, i32) {
    %c0_i32 = arith.constant 0 : i32
    %c0_i32_0 = arith.constant 0 : i32
    %c0_i32_1 = arith.constant 0 : i32
    return %c0_i32, %c0_i32_0 : i32, i32
  }
  func.func @transform_3(%arg0: i32) -> (i32, i32) {
    %c0_i32 = arith.constant 0 : i32
    %c0_i32_0 = arith.constant 0 : i32
    %c0_i32_1 = arith.constant 0 : i32
    return %c0_i32, %c0_i32_0 : i32, i32
  }
  func.func @transform_4(%arg0: i32) -> (i32, i32) {
    %c0_i32 = arith.constant 0 : i32
    %c0_i32_0 = arith.constant 0 : i32
    %c0_i32_1 = arith.constant 0 : i32
    return %c0_i32, %c0_i32_0 : i32, i32
  }
  func.func @transform_5(%arg0: i32) -> (i32, i32) {
    %c0_i32 = arith.constant 0 : i32
    %c0_i32_0 = arith.constant 0 : i32
    %c0_i32_1 = arith.constant 0 : i32
    return %c0_i32, %c0_i32_0 : i32, i32
  }
  func.func @transform_6(%arg0: i32) -> (i32, i32) {
    %c0_i32 = arith.constant 0 : i32
    %c0_i32_0 = arith.constant 0 : i32
    %c0_i32_1 = arith.constant 0 : i32
    return %c0_i32, %c0_i32_0 : i32, i32
  }
  func.func @transform_7(%arg0: i32) -> (i32, i32) {
    %c0_i32 = arith.constant 0 : i32
    %c0_i32_0 = arith.constant 0 : i32
    %c0_i32_1 = arith.constant 0 : i32
    return %c0_i32, %c0_i32_0 : i32, i32
  }
  func.func @transform_8(%arg0: i32) -> (i32, i32) {
    %c0_i32 = arith.constant 0 : i32
    %c0_i32_0 = arith.constant 0 : i32
    %c0_i32_1 = arith.constant 0 : i32
    return %c0_i32, %c0_i32_0 : i32, i32
  }
  func.func @transform_9(%arg0: i32) -> (i32, i32) {
    %c0_i32 = arith.constant 0 : i32
    %c0_i32_0 = arith.constant 0 : i32
    %c0_i32_1 = arith.constant 0 : i32
    return %c0_i32, %c0_i32_0 : i32, i32
  }
  func.func @transform_10(%arg0: i32) -> (i32, i32) {
    %c0_i32 = arith.constant 0 : i32
    %c0_i32_0 = arith.constant 0 : i32
    return %c0_i32, %arg0 : i32, i32
  }
}

module attributes {stable_mosaic.version = 14 : i64} {
  func.func @body(%arg0: i32, %arg1: memref<134x2560xf32, #tpu.memory_space<vmem>>, %arg2: memref<2560x128xf32, #tpu.memory_space<vmem>>, %arg3: memref<64x128xf32, #tpu.memory_space<vmem>>, %arg4: memref<4x64xf32, #tpu.memory_space<vmem>>, %arg5: memref<20x134xf32, #tpu.memory_space<vmem>>, %arg6: memref<20x1xf32, #tpu.memory_space<vmem>>, %arg7: memref<20x20xf32, #tpu.memory_space<vmem>>, %arg8: memref<20x1xf32, #tpu.memory_space<vmem>>, %arg9: memref<20x20xf32, #tpu.memory_space<vmem>>, %arg10: memref<20x1xf32, #tpu.memory_space<vmem>>, %arg11: memref<4x2560xf32, #tpu.memory_space<vmem>>) attributes {dimension_semantics = [#tpu.dimension_semantics<arbitrary>], iteration_bounds = array<i64: 64>, scalar_prefetch = 0 : i64, scratch_operands = 0 : i64, tpu.core_type = #tpu.core_type<tc>, window_params = [{transform_indices = @transform_0, window_bounds = array<i64: 134, 2560>}, {transform_indices = @transform_1, window_bounds = array<i64: 2560, 128>}, {pipeline_mode = #tpu.pipeline_mode<synchronous>, transform_indices = @transform_2, window_bounds = array<i64: 64, 128>}, {pipeline_mode = #tpu.pipeline_mode<synchronous>, transform_indices = @transform_3, window_bounds = array<i64: 4, 64>}, {pipeline_mode = #tpu.pipeline_mode<synchronous>, transform_indices = @transform_4, window_bounds = array<i64: 20, 134>}, {pipeline_mode = #tpu.pipeline_mode<synchronous>, transform_indices = @transform_5, window_bounds = array<i64: 20, 1>}, {pipeline_mode = #tpu.pipeline_mode<synchronous>, transform_indices = @transform_6, window_bounds = array<i64: 20, 20>}, {pipeline_mode = #tpu.pipeline_mode<synchronous>, transform_indices = @transform_7, window_bounds = array<i64: 20, 1>}, {pipeline_mode = #tpu.pipeline_mode<synchronous>, transform_indices = @transform_8, window_bounds = array<i64: 20, 20>}, {pipeline_mode = #tpu.pipeline_mode<synchronous>, transform_indices = @transform_9, window_bounds = array<i64: 20, 1>}, {transform_indices = @transform_10, window_bounds = array<i64: 4, 2560>}]} {
    %get3A = arith.constant 0 : index
    %get3A_0 = arith.constant 0 : index
    %get3A_1 = vector.load %arg1[%get3A, %get3A_0] : memref<134x2560xf32, #tpu.memory_space<vmem>>, vector<134x2560xf32>
    %get3A_2 = arith.constant 0 : index
    %get3A_3 = arith.constant 0 : index
    %get3A_4 = vector.load %arg5[%get3A_2, %get3A_3] : memref<20x134xf32, #tpu.memory_space<vmem>>, vector<20x134xf32>
    %dot_general3A = arith.constant dense<0.000000e+00> : vector<20x2560xf32>
    %dot_general3A_5 = tpu.matmul %get3A_4, %get3A_1, %dot_general3A {dimension_numbers = #tpu.dot_dimension_numbers<[1], [0], [0], [1], [0, 0, 1, 1], [], []>, transpose_lhs_hint = false} : vector<20x134xf32>, vector<134x2560xf32>, vector<20x2560xf32> -> vector<20x2560xf32>
    %get3A_6 = arith.constant 0 : index
    %get3A_7 = arith.constant 0 : index
    %get3A_8 = vector.load %arg6[%get3A_6, %get3A_7] : memref<20x1xf32, #tpu.memory_space<vmem>>, vector<20x1xf32>
    %add3A = vector.broadcast %get3A_8 : vector<20x1xf32> to vector<20x2560xf32>
    %add3A_9 = arith.addf %dot_general3A_5, %add3A : vector<20x2560xf32>
    %max3A = arith.constant 0.000000e+00 : f32
    %max3A_10 = vector.broadcast %max3A : f32 to vector<20x2560xf32>
    %max3A_11 = arith.maximumf %add3A_9, %max3A_10 : vector<20x2560xf32>
    %get3A_12 = arith.constant 0 : index
    %get3A_13 = arith.constant 0 : index
    %get3A_14 = vector.load %arg7[%get3A_12, %get3A_13] : memref<20x20xf32, #tpu.memory_space<vmem>>, vector<20x20xf32>
    %dot_general3A_15 = arith.constant dense<0.000000e+00> : vector<20x2560xf32>
    %dot_general3A_16 = tpu.matmul %get3A_14, %max3A_11, %dot_general3A_15 {dimension_numbers = #tpu.dot_dimension_numbers<[1], [0], [0], [1], [0, 0, 1, 1], [], []>, transpose_lhs_hint = false} : vector<20x20xf32>, vector<20x2560xf32>, vector<20x2560xf32> -> vector<20x2560xf32>
    %get3A_17 = arith.constant 0 : index
    %get3A_18 = arith.constant 0 : index
    %get3A_19 = vector.load %arg8[%get3A_17, %get3A_18] : memref<20x1xf32, #tpu.memory_space<vmem>>, vector<20x1xf32>
    %add3A_20 = vector.broadcast %get3A_19 : vector<20x1xf32> to vector<20x2560xf32>
    %add3A_21 = arith.addf %dot_general3A_16, %add3A_20 : vector<20x2560xf32>
    %max3A_22 = arith.constant 0.000000e+00 : f32
    %max3A_23 = vector.broadcast %max3A_22 : f32 to vector<20x2560xf32>
    %max3A_24 = arith.maximumf %add3A_21, %max3A_23 : vector<20x2560xf32>
    %get3A_25 = arith.constant 0 : index
    %get3A_26 = arith.constant 0 : index
    %get3A_27 = vector.load %arg9[%get3A_25, %get3A_26] : memref<20x20xf32, #tpu.memory_space<vmem>>, vector<20x20xf32>
    %dot_general3A_28 = arith.constant dense<0.000000e+00> : vector<20x2560xf32>
    %dot_general3A_29 = tpu.matmul %get3A_27, %max3A_24, %dot_general3A_28 {dimension_numbers = #tpu.dot_dimension_numbers<[1], [0], [0], [1], [0, 0, 1, 1], [], []>, transpose_lhs_hint = false} : vector<20x20xf32>, vector<20x2560xf32>, vector<20x2560xf32> -> vector<20x2560xf32>
    %get3A_30 = arith.constant 0 : index
    %get3A_31 = arith.constant 0 : index
    %get3A_32 = vector.load %arg10[%get3A_30, %get3A_31] : memref<20x1xf32, #tpu.memory_space<vmem>>, vector<20x1xf32>
    %add3A_33 = vector.broadcast %get3A_32 : vector<20x1xf32> to vector<20x2560xf32>
    %add3A_34 = arith.addf %dot_general3A_29, %add3A_33 : vector<20x2560xf32>
    %max3A_35 = arith.constant 0.000000e+00 : f32
    %max3A_36 = vector.broadcast %max3A_35 : f32 to vector<20x2560xf32>
    %max3A_37 = arith.maximumf %add3A_34, %max3A_36 : vector<20x2560xf32>
    %get3A_38 = arith.constant 0 : index
    %get3A_39 = arith.constant 0 : index
    %get3A_40 = vector.load %arg3[%get3A_38, %get3A_39] : memref<64x128xf32, #tpu.memory_space<vmem>>, vector<64x128xf32>
    %get3A_41 = arith.constant 0 : index
    %get3A_42 = arith.constant 0 : index
    %get3A_43 = vector.load %arg2[%get3A_41, %get3A_42] : memref<2560x128xf32, #tpu.memory_space<vmem>>, vector<2560x128xf32>
    %dot_general3A_44 = arith.constant dense<0.000000e+00> : vector<64x2560xf32>
    %dot_general3A_45 = tpu.matmul %get3A_40, %get3A_43, %dot_general3A_44 {dimension_numbers = #tpu.dot_dimension_numbers<[1], [1], [0], [0], [0, 0, 1, 0], [], []>, transpose_lhs_hint = false} : vector<64x128xf32>, vector<2560x128xf32>, vector<64x2560xf32> -> vector<64x2560xf32>
    %concatenate3A = tpu.concatenate %max3A_37, %max3A_37, %max3A_37 in 0 : vector<20x2560xf32>, vector<20x2560xf32>, vector<20x2560xf32> -> vector<60x2560xf32>
    %slice3A = vector.extract_strided_slice %dot_general3A_45 {offsets = [0, 0], sizes = [60, 2560], strides = [1, 1]} : vector<64x2560xf32> to vector<60x2560xf32>
    %mul3A = arith.mulf %concatenate3A, %slice3A : vector<60x2560xf32>
    %slice3A_46 = vector.extract_strided_slice %dot_general3A_45 {offsets = [60, 0], sizes = [3, 2560], strides = [1, 1]} : vector<64x2560xf32> to vector<3x2560xf32>
    %broadcast_in_dim3A = arith.constant 1.000000e+00 : f32
    %broadcast_in_dim3A_47 = vector.broadcast %broadcast_in_dim3A : f32 to vector<1x2560xf32>
    %concatenate3A_48 = tpu.concatenate %mul3A, %slice3A_46, %broadcast_in_dim3A_47 in 0 : vector<60x2560xf32>, vector<3x2560xf32>, vector<1x2560xf32> -> vector<64x2560xf32>
    %get3A_49 = arith.constant 0 : index
    %get3A_50 = arith.constant 0 : index
    %get3A_51 = vector.load %arg4[%get3A_49, %get3A_50] : memref<4x64xf32, #tpu.memory_space<vmem>>, vector<4x64xf32>
    %dot_general3A_52 = arith.constant dense<0.000000e+00> : vector<4x2560xf32>
    %dot_general3A_53 = tpu.matmul %get3A_51, %concatenate3A_48, %dot_general3A_52 {dimension_numbers = #tpu.dot_dimension_numbers<[1], [0], [0], [1], [0, 0, 1, 1], [], []>, transpose_lhs_hint = false} : vector<4x64xf32>, vector<64x2560xf32>, vector<4x2560xf32> -> vector<4x2560xf32>
    %swap3A = arith.constant 0 : index
    %swap3A_54 = arith.constant 0 : index
    %swap3A_55 = vector.load %arg11[%swap3A, %swap3A_54] : memref<4x2560xf32, #tpu.memory_space<vmem>>, vector<4x2560xf32>
    tpu.vector_store %arg11[%swap3A, %swap3A_54], %dot_general3A_53 {strides = array<i32>} : memref<4x2560xf32, #tpu.memory_space<vmem>>, vector<4x2560xf32>,
    return
  }
  func.func @transform_0(%arg0: i32) -> (i32, i32) {
    %add3A = arith.constant 0 : i32
    %add3A_0 = arith.addi %arg0, %add3A : i32
    %c0_i32 = arith.constant 0 : i32
    %c0_i32_1 = arith.constant 0 : i32
    return %c0_i32, %add3A_0 : i32, i32
  }
  func.func @transform_1(%arg0: i32) -> (i32, i32) {
    %c0_i32 = arith.constant 0 : i32
    %c0_i32_0 = arith.constant 0 : i32
    return %arg0, %c0_i32 : i32, i32
  }
  func.func @transform_2(%arg0: i32) -> (i32, i32) {
    %c0_i32 = arith.constant 0 : i32
    %c0_i32_0 = arith.constant 0 : i32
    %c0_i32_1 = arith.constant 0 : i32
    return %c0_i32, %c0_i32_0 : i32, i32
  }
  func.func @transform_3(%arg0: i32) -> (i32, i32) {
    %c0_i32 = arith.constant 0 : i32
    %c0_i32_0 = arith.constant 0 : i32
    %c0_i32_1 = arith.constant 0 : i32
    return %c0_i32, %c0_i32_0 : i32, i32
  }
  func.func @transform_4(%arg0: i32) -> (i32, i32) {
    %c0_i32 = arith.constant 0 : i32
    %c0_i32_0 = arith.constant 0 : i32
    %c0_i32_1 = arith.constant 0 : i32
    return %c0_i32, %c0_i32_0 : i32, i32
  }
  func.func @transform_5(%arg0: i32) -> (i32, i32) {
    %c0_i32 = arith.constant 0 : i32
    %c0_i32_0 = arith.constant 0 : i32
    %c0_i32_1 = arith.constant 0 : i32
    return %c0_i32, %c0_i32_0 : i32, i32
  }
  func.func @transform_6(%arg0: i32) -> (i32, i32) {
    %c0_i32 = arith.constant 0 : i32
    %c0_i32_0 = arith.constant 0 : i32
    %c0_i32_1 = arith.constant 0 : i32
    return %c0_i32, %c0_i32_0 : i32, i32
  }
  func.func @transform_7(%arg0: i32) -> (i32, i32) {
    %c0_i32 = arith.constant 0 : i32
    %c0_i32_0 = arith.constant 0 : i32
    %c0_i32_1 = arith.constant 0 : i32
    return %c0_i32, %c0_i32_0 : i32, i32
  }
  func.func @transform_8(%arg0: i32) -> (i32, i32) {
    %c0_i32 = arith.constant 0 : i32
    %c0_i32_0 = arith.constant 0 : i32
    %c0_i32_1 = arith.constant 0 : i32
    return %c0_i32, %c0_i32_0 : i32, i32
  }
  func.func @transform_9(%arg0: i32) -> (i32, i32) {
    %c0_i32 = arith.constant 0 : i32
    %c0_i32_0 = arith.constant 0 : i32
    %c0_i32_1 = arith.constant 0 : i32
    return %c0_i32, %c0_i32_0 : i32, i32
  }
  func.func @transform_10(%arg0: i32) -> (i32, i32) {
    %c0_i32 = arith.constant 0 : i32
    %c0_i32_0 = arith.constant 0 : i32
    return %c0_i32, %arg0 : i32, i32
  }
}

module attributes {stable_mosaic.version = 14 : i64} {
  func.func @body(%arg0: memref<2x4x10000xf32, #tpu.memory_space<vmem>>, %arg1: memref<10000x128xf32, #tpu.memory_space<vmem>>, %arg2: memref<4x128xf32, #tpu.memory_space<vmem>>, %arg3: memref<4x1xf32, #tpu.memory_space<vmem>>, %arg4: memref<3x10000xf32, #tpu.memory_space<vmem>>) attributes {dimension_semantics = [], scalar_prefetch = 0 : i64, scratch_operands = 0 : i64, tpu.core_type = #tpu.core_type<tc>} {
    %get3A = arith.constant 0 : index
    %get3A_0 = arith.constant 0 : index
    %get3A_1 = arith.constant 0 : index
    %get3A_2 = vector.load %arg0[%get3A, %get3A_0, %get3A_1] : memref<2x4x10000xf32, #tpu.memory_space<vmem>>, vector<1x4x10000xf32>
    %get3A_3 = vector.shape_cast %get3A_2 : vector<1x4x10000xf32> to vector<4x10000xf32>
    %get3A_4 = arith.constant 1 : index
    %get3A_5 = arith.constant 0 : index
    %get3A_6 = arith.constant 0 : index
    %get3A_7 = vector.load %arg0[%get3A_4, %get3A_5, %get3A_6] : memref<2x4x10000xf32, #tpu.memory_space<vmem>>, vector<1x4x10000xf32>
    %get3A_8 = vector.shape_cast %get3A_7 : vector<1x4x10000xf32> to vector<4x10000xf32>
    %add3A = arith.addf %get3A_3, %get3A_8 : vector<4x10000xf32>
    %slice3A = vector.extract_strided_slice %add3A {offsets = [3, 0], sizes = [1, 10000], strides = [1, 1]} : vector<4x10000xf32> to vector<1x10000xf32>
    %max3A = arith.constant 1.000000e+00 : f32
    %max3A_9 = vector.broadcast %max3A : f32 to vector<1x10000xf32>
    %max3A_10 = arith.maximumf %slice3A, %max3A_9 : vector<1x10000xf32>
    %get3A_11 = arith.constant 0 : index
    %get3A_12 = arith.constant 0 : index
    %get3A_13 = vector.load %arg2[%get3A_11, %get3A_12] : memref<4x128xf32, #tpu.memory_space<vmem>>, vector<4x128xf32>
    %get3A_14 = arith.constant 0 : index
    %get3A_15 = arith.constant 0 : index
    %get3A_16 = vector.load %arg1[%get3A_14, %get3A_15] : memref<10000x128xf32, #tpu.memory_space<vmem>>, vector<10000x128xf32>
    %dot_general3A = arith.constant dense<0.000000e+00> : vector<4x10000xf32>
    %dot_general3A_17 = tpu.matmul %get3A_13, %get3A_16, %dot_general3A {dimension_numbers = #tpu.dot_dimension_numbers<[1], [1], [0], [0], [0, 0, 1, 0], [], []>, transpose_lhs_hint = false} : vector<4x128xf32>, vector<10000x128xf32>, vector<4x10000xf32> -> vector<4x10000xf32>
    %slice3A_18 = vector.extract_strided_slice %add3A {offsets = [0, 0], sizes = [3, 10000], strides = [1, 1]} : vector<4x10000xf32> to vector<3x10000xf32>
    %div3A = vector.broadcast %max3A_10 : vector<1x10000xf32> to vector<3x10000xf32>
    %div3A_19 = arith.divf %slice3A_18, %div3A : vector<3x10000xf32>
    %slice3A_20 = vector.extract_strided_slice %dot_general3A_17 {offsets = [0, 0], sizes = [3, 10000], strides = [1, 1]} : vector<4x10000xf32> to vector<3x10000xf32>
    %add3A_21 = arith.addf %div3A_19, %slice3A_20 : vector<3x10000xf32>
    %get3A_22 = arith.constant 0 : index
    %get3A_23 = arith.constant 0 : index
    %get3A_24 = vector.load %arg3[%get3A_22, %get3A_23] : memref<4x1xf32, #tpu.memory_space<vmem>>, vector<3x1xf32>
    %add3A_25 = vector.broadcast %get3A_24 : vector<3x1xf32> to vector<3x10000xf32>
    %add3A_26 = arith.addf %add3A_21, %add3A_25 : vector<3x10000xf32>
    %swap3A = arith.constant 0 : index
    %swap3A_27 = arith.constant 0 : index
    %swap3A_28 = vector.load %arg4[%swap3A, %swap3A_27] : memref<3x10000xf32, #tpu.memory_space<vmem>>, vector<3x10000xf32>
    tpu.vector_store %arg4[%swap3A, %swap3A_27], %add3A_26 {strides = array<i32>} : memref<3x10000xf32, #tpu.memory_space<vmem>>, vector<3x10000xf32>,
    return
  }
}

</mosaic_0001>

<sc_bundles>
// kernel: kernel.11.cloned.1.call-start
scs
__scs_entry_jumppad:
0x0: {  	(pc) =	sbr.rel $0x88, $3  }
0x1: {  	(tag) =	ssettag $0x0;
	lr =	simm.s32 $0x1  }
0x2: {  	[smem:$0x3F94] =	sst lr;
	_ =	strace $0xD0000000  }
0x3: {  	_ = 	snop  }
0x4: {  	_ = 	snop  }
0x5: {  	_ = 	snop  }
0x6: {  	_ = 	snop  }
0x7: {  	_ = 	snop  }
__scs_overlays_trampoline_lowered:
0x8: {  	[smem:$0x3FA3] =	sst s0  }
0x9: {  	[smem:$0x3FA4] =	sst s1  }
0xa: {  	[smem:$0x3FA5] =	sst s2  }
0xb: {  	[smem:$0x3FA6] =	sst s3  }
0xc: {  	[smem:$0x3FA7] =	sst s4  }
0xd: {  	[smem:$0x3FA8] =	sst s5  }
0xe: {  	[smem:$0x3FA9] =	sst s6  }
0xf: {  	[smem:$0x3FAA] =	sst s7  }
0x10: {  	[smem:$0x3FAB] =	sst s8  }
0x11: {  	[smem:$0x3FAC] =	sst s9;
	s0 =	simm.s32 @!p0 $0x0  }
0x12: {  	s1 =	sld [smem:$0x3F92];
	s0 =	simm.s32 @p0 $0x1  }
0x13: {  	[smem:$0x3FAD] =	sst s0;
	s0 =	simm.s32 @!p1 $0x0  }
0x14: {  	s2 =	sld [smem:$0x3F91];
	s0 =	simm.s32 @p1 $0x1  }
0x15: {  	[smem:$0x3FAE] =	sst s0;
	s0 =	simm.s32 @!p2 $0x0  }
0x16: {  	s3 =	sld [smem:$0x3FDB];
	s0 =	simm.s32 @p2 $0x1  }
0x17: {  	s4 =	simm.s32 $0x1BF5;
	[smem:$0x3FB0] =	sst s0  }
0x18: {  	s0 =	sld [smem:$0x3F93];
	_ =	swait.ge [sflag:s4], $0x0  }
0x19: {  	s7 =	sld [smem:$0x3F94]  }
0x1a: {  	s8 =	sadd.s32 $0xFFFFE003, lr  }
0x1b: {  	s9 =	sadd.s32 $0xFFFFFEF7, lr;
	s5 =	simm.s32 $0xFFFFFFFF;
	p2 =	slt.u32 s8, $0xFFFFF086  }
0x1c: {  	p1 =	slt.u32 s9, $0xF7A;
	s5 =	simm.s32 @!p2 $0x0  }
0x1d: {  	s5 =	simm.s32 @p1 $0x1;
	p0 =	seq.s32 s7, s2  }
0x1e: {  	s7 =	smul.u32 @!p0 $0xF7A, s2;
	p2 =	seq.s32 @!p0 s5, $0x0  }
0x1f: {  	s9 =	smul.u32 $0xF7A, s1;
	s8 =	simm.s32 @!p0 $0x1BF5;
	p2 =	por !p2, p0  }
0x20: {  	[sflag:s8] =	ssyncset.s32 @!p0 $0xFFFFF086;
	s6 =	sadd.s32 @!p0 s3, s7;
	s7 =	simm.s32 @!p0 $0x108  }
0x21: {  	s3 =	sadd.s32 s3, s9;
	s6 =	sadd.s32 @!p0 $0x88, s6;
	s7 =	simm.s32 @p2 $0x1082  }
0x22: {  	[simem:s7], [sflag:s8] =	dma.local @!p0 [hbm:s6], $0xF7A  }
0x23: {  	s9 =	sor.u32 $0xD0000000, s2;
	s6 =	simm.s32 $0x108;
	_ =	swait.ge @!p0 [sflag:s8], $0x0  }
0x24: {  	s3 =	sadd.s32 $0x88, s3;
	s6 =	simm.s32 @!p1 $0x1082;
	[sflag:s4] =	ssyncset.s32 $0xFFFFF086  }
0x25: {  	[simem:s6], [sflag:s4] =	dma.local [hbm:s3], $0xF7A  }
0x26: {  	[smem:$0x3F94] =	sst s1;
	(tag) =	ssettag s2;
	_ =	strace s9  }
0x27: {  	s1 =	sld [smem:$0x3FA4]  }
0x28: {  	s2 =	sld [smem:$0x3FA5]  }
0x29: {  	s4 =	sld [smem:$0x3FA7]  }
0x2a: {  	p0 =	seq.s32 s5, $0x0;
	s5 =	sld [smem:$0x3FA8]  }
0x2b: {  	s6 =	sld [smem:$0x3FA9]  }
0x2c: {  	s7 =	sld [smem:$0x3FAA]  }
0x2d: {  	s3 =	simm.s32 $0x108;
	s8 =	sld [smem:$0x3FAB]  }
0x2e: {  	s3 =	simm.s32 @!p0 $0x1082;
	s9 =	sld [smem:$0x3FAC]  }
0x2f: {  	lr =	sadd.s32 s0, s3;
	s0 =	sld [smem:$0x3FA3]  }
0x30: {  	s3 =	sld [smem:$0x3FA6]  }
0x31: {  	[smem:$0x3FAF] =	sst s10  }
0x32: {  	s10 =	sld [smem:$0x3FAD];
	_ =	sdelay $0x3  }
0x33: {  	p0 =	seq.s32 s10, $0x1;
	s10 =	sld [smem:$0x3FAF];
	_ =	sdelay $0x3  }
0x34: {  	[smem:$0x3FAF] =	sst s10  }
0x35: {  	s10 =	sld [smem:$0x3FAE];
	_ =	sdelay $0x3  }
0x36: {  	p1 =	seq.s32 s10, $0x1;
	s10 =	sld [smem:$0x3FAF];
	_ =	sdelay $0x3  }
0x37: {  	[smem:$0x3FAF] =	sst s10  }
0x38: {  	s10 =	sld [smem:$0x3FB0]  }
0x39: {  	_ = 	snop;
	(pc) =	sbr.ind lr, $3  }
0x3a: {  	_ = 	snop  }
0x3b: {  	_ = 	snop  }
0x3c: {  	p2 =	seq.s32 s10, $0x1;
	s10 =	sld [smem:$0x3FAF]  }
0x3d: {  	_ =	shalt  }
0x3e: {  	_ =	shalt  }
0x3f: {  	_ =	shalt  }
0x40: {  	_ =	shalt  }
0x41: {  	_ =	shalt  }
0x42: {  	_ =	shalt  }
0x43: {  	_ =	shalt  }
0x44: {  	_ =	shalt  }
0x45: {  	_ =	shalt  }
0x46: {  	_ =	shalt  }
0x47: {  	_ =	shalt  }
0x48: {  	_ =	shalt  }
0x49: {  	_ =	shalt  }
0x4a: {  	_ =	shalt  }
0x4b: {  	_ =	shalt  }
0x4c: {  	_ =	shalt  }
0x4d: {  	_ =	shalt  }
0x4e: {  	_ =	shalt  }
0x4f: {  	_ =	shalt  }
0x50: {  	_ =	shalt  }
0x51: {  	_ =	shalt  }
0x52: {  	_ =	shalt  }
0x53: {  	_ =	shalt  }
0x54: {  	_ =	shalt  }
0x55: {  	_ =	shalt  }
0x56: {  	_ =	shalt  }
0x57: {  	_ =	shalt  }
0x58: {  	_ =	shalt  }
0x59: {  	_ =	shalt  }
0x5a: {  	_ =	shalt  }
0x5b: {  	_ =	shalt  }
0x5c: {  	_ =	shalt  }
0x5d: {  	_ =	shalt  }
0x5e: {  	_ =	shalt  }
0x5f: {  	_ =	shalt  }
0x60: {  	_ =	shalt  }
0x61: {  	_ =	shalt  }
0x62: {  	_ =	shalt  }
0x63: {  	_ =	shalt  }
0x64: {  	_ =	shalt  }
0x65: {  	_ =	shalt  }
0x66: {  	_ =	shalt  }
0x67: {  	_ =	shalt  }
0x68: {  	_ =	shalt  }
0x69: {  	_ =	shalt  }
0x6a: {  	_ =	shalt  }
0x6b: {  	_ =	shalt  }
0x6c: {  	_ =	shalt  }
0x6d: {  	_ =	shalt  }
0x6e: {  	_ =	shalt  }
0x6f: {  	_ =	shalt  }
0x70: {  	_ =	shalt  }
0x71: {  	_ =	shalt  }
0x72: {  	_ =	shalt  }
0x73: {  	_ =	shalt  }
0x74: {  	_ =	shalt  }
0x75: {  	_ =	shalt  }
0x76: {  	_ =	shalt  }
0x77: {  	_ =	shalt  }
0x78: {  	_ =	shalt  }
0x79: {  	_ =	shalt  }
0x7a: {  	_ =	shalt  }
0x7b: {  	_ =	shalt  }
0x7c: {  	_ =	shalt  }
0x7d: {  	_ =	shalt  }
0x7e: {  	_ =	shalt  }
0x7f: {  	_ =	shalt  }
0x80: {  	_ =	shalt  }
0x81: {  	_ =	shalt  }
0x82: {  	_ =	shalt  }
0x83: {  	_ =	shalt  }
0x84: {  	_ =	shalt  }
0x85: {  	_ =	shalt  }
0x86: {  	_ =	shalt  }
0x87: {  	_ =	shalt  }
.Lfunc_end0:
.L_simem_size_0:
called_computation.1_lowered:
.L_overlay_start_0:
0x88: {  	s2 =	sld [smem:$0x3FD9]  }
0x89: {  	s3 =	sld [smem:$0x3FFE];
	_ =	sdelay $0x1  }
0x8a: {  	s1 =	srdreg.scid  }
0x8b: {  	s0 =	sand.u32 $0x1, s1  }
0x8c: {  	s17 =	sshll.u32 s0, $0xA;
	s2 =	sadd.s32 s3, s2  }
0x8d: {  	s2 =	sadd.s32 s2, s17  }
0x8e: {  	[smem:$0x3FBB] =	sst s2  }
0x8f: {  	_ = 	snop  }
0x90: {  	s2 =	sld [smem:$0x3FC9];
	(tm) =	ssettm $0x1  }
0x91: {  	s18 =	sld [smem:$0x3FFB];
	_ =	sdelay $0x3  }
0x92: {  	_ =	strace s18  }
0x93: {  	s3 =	sld [smem:$0x3FFC];
	_ =	sdelay $0x3  }
0x94: {  	_ =	strace s3  }
0x95: {  	s3 =	sld [smem:$0x3FFD];
	_ =	sdelay $0x3  }
0x96: {  	_ =	strace s3  }
0x97: {  	_ =	strace $0x8FFFFFFF  }
0x98: {  	s19 =	sld [smem:$0x3FDB];
	_ =	sdelay $0x1  }
0x99: {  	s4 =	simm.s32 $_scs_section_size  }
0x9a: {  	s5 =	simm.s32 $_size__tile_overlayer_lowered;
	s6 =	simm.s32 $_tile_overlayer_lowered  }
0x9b: {  	s22 =	simm.s32 $0x1BFF;
	s21 =	sshll.u32 s6, $0x1;
	s3 =	sadd.s32 s4, s19  }
0x9c: {  	s7 =	simm.s32 $0x0;
	s20 =	sshll.u32 s5, $0x1;
	s5 =	sadd.s32 s21, s3  }
0x9d: {  	[timem:s7], [sflag:s22] =	dma.local [hbm:s5], s20  }
0x9e: {  	_ =	swait.ge [sflag:s22], s20  }
0x9f: {  	s4 =	ssub.s32 $0x0, s20;
	[sflag:s22] =	ssyncset.done $0x0  }
0xa0: {  	[sflag:s22] =	ssyncadd.s32 s4;
	_ =	sdelay $0x1  }
0xa1: {  	s23 =	simm.s32 $0x1B8B  }
0xa2: {  	_ =	swait.ge [sflag:s23], $0x1  }
0xa3: {  	[sflag:s23] =	ssyncset.done $0x0  }
0xa4: {  	s25 =	simm.s32 $0x1B8E;
	s24 =	sld [smem:$0x3FFE];
	[sflag:s23] =	ssyncadd.s32 $0xFFFFFFFF  }
0xa5: {  	s26 =	simm.s32 $execute0_lowered;
	[smem:$0x3FD2] =	sst s25  }
0xa6: {  	s5 =	sshll.u32 s26, $0x1;
	_ =	strace $0x80000046;
	[dreg:$0x1] =	wrdreg $0xFFFFFFFF  }
0xa7: {  	s28 =	simm.s32 $_size_execute0_lowered;
	s3 =	sadd.s32 s3, s5;
	[dreg:$0x0] =	wrdreg $0x0  }
0xa8: {  	s5 =	sshll.u32 s28, $0x1;
	[dreg:$0x2] =	wrdreg s3  }
0xa9: {  	[dreg:$0x3] =	wrdreg s5  }
0xaa: {  	[dreg:$0x4] =	wrdreg $0xC0  }
0xab: {  	_ =	task [dreg:s7], $0x5FFFF  }
0xac: {  	[dreg:$0x1] =	wrdreg $0xFFFFFFFF  }
0xad: {  	[dreg:$0x0] =	wrdreg $0x60  }
0xae: {  	[dreg:$0x2] =	wrdreg s2  }
0xaf: {  	[dreg:$0x3] =	wrdreg s24  }
0xb0: {  	[dreg:$0x4] =	wrdreg $0xA  }
0xb1: {  	_ =	task.clear_ibuf [dreg:s7], $0x5FFFF;
	_ =	strace $0x90000046  }
0xb2: {  	s29 =	simm.s32 $0xA;
	_ =	strace $0x80000048  }
0xb3: {  	_ =	swait.ge [sflag:s29], $0x1  }
0xb4: {  	[sflag:s29] =	ssyncadd.s32 $0xFFFFFFFF  }
0xb5: {  	_ =	strace $0x90000048  }
0xb6: {  	_ =	sfence  }
0xb7: {  	s30 =	sld [smem:$0x0];
	_ =	sdelay $0x2  }
0xb8: {  	s31 =	sshll.u32 s1, $0xD;
	s1 =	sshrl.u32 s1, $0x2  }
0xb9: {  	s3 =	sand.u32 $0x4000, s31;
	s1 =	sadd.s32 s1, s30  }
0xba: {  	s0 =	sor.u32 s3, s0;
	s1 =	sshll.u32 s1, $0x11  }
0xbb: {  	s0 =	sor.u32 s1, s0  }
0xbc: {  	s0 =	sadd.s32 $0x8F2B, s0  }
0xbd: {  	[sflag:s0] =	ssyncadd.remote.s32 $0x1  }
0xbe: {  	_ =	sfence.sel $0xFFFF  }
0xbf: {  	[dreg:$0x0] =	wrdreg $0xFFFFFFFF;
	(pc) =	sbr.abs _section_cstart, $3  }
0xc0: {  	[dreg:$0x1] =	wrdreg $0xFFFFFFFF  }
0xc1: {  	_ =	task.clear_ibuf [dreg:s7], $0x2FFFF;
	_ =	strace $0x9FFFFFFF  }
0xc2: {  	(tm) =	ssettm $0x7FFFFFFF  }
0xc3: {  	_ =	shalt  }
tec
execute0_lowered:
.L_overlay_start_1:
0x0: {  	(tag) =	ssettag $0x1  }
0x1: {  	s0 =	srdreg.scid;
	s2 =	rddreg [dreg:$0x0]  }
0x2: {  	s1 =	rddreg [dreg:$0x1];
	s9 =	stileid.u32  }
0x3: {  	s3 =	simm.s32 $0x0;
	s10 =	simm.s32 $0x80;
	s11 =	simm.s32 $0x1400  }
0x4: {  	s12 =	simm.s32 $0x5400;
	s14 =	simm.s32 $0x9400;
	s16 =	simm.s32 $0xD400  }
0x5: {  	s17 =	simm.s32 $0x200;
	s18 =	simm.s32 $0x11400;
	s19 =	simm.s32 $0x15400  }
0x6: {  	s20 =	simm.s32 $0x1;
	s21 =	simm.s32 $0x2;
	s22 =	simm.s32 $0x3  }
0x7: {  	s23 =	simm.s32 $0x4;
	s24 =	simm.s32 $0x7;
	s25 =	simm.s32 $0x8  }
0x8: {  	s28 =	simm.s32 $0xA;
	s29 =	simm.s32 $0xB;
	s0 =	sand.u32 $0x1, s0  }
0x9: {  	s30 =	simm.s32 $0xC;
	s31 =	smul.u32 $0x14000, s9;
	s4 =	sshll.u32 s0, $0x4  }
0xa: {  	s6 =	ssub.s32 $0x2, s0;
	s0 =	smul.u32 $0x140000, s0;
	s5 =	sor.u32 s9, s4  }
0xb: {  	[smem:$0x7FF] =	sst s3;
	s8 =	sshrl.u32 s6, $0x1;
	s4 =	smul.u32 $0x280, s5  }
.Ltmp0:
0xc: {  	_ =	strace $0x80000047;
	s26 =	ssub.s32 s6, s8;
	(pc) =	sbr.rel .LBB2_1-.Ltmp0, $4  }
0xd: {  	s7 =	sadd.s32 s4, s1;
	s4 =	sadd.s32 $0x11400, s1;
	s1 =	smax.u32 s26, $0x1  }
0xe: {  	s7 =	sadd.s32 $0xC400, s7;
	s0 =	sadd.s32 s0, s4;
	[dreg:$0x4] =	wrdreg s1  }
0xf: {  	s5 =	smul.u32 $0x28, s5;
	[dreg:$0x3] =	wrdreg s7;
	s0 =	sadd.s32 s31, s0  }
0x10: {  	s26 =	simm.s32 $0x9;
	s1 =	simm.s32 $0x0;
	[dreg:$0x5] =	wrdreg s0  }
.LBB2_9:
0x11: {  	_ =	swait.ge [sflag:s24], $0x4000  }
0x12: {  	[sflag:s24] =	ssyncset.done $0x0  }
0x13: {  	[sflag:s24] =	ssyncadd.s32 $0xFFFFC000  }
0x14: {  	_ =	swait.ge [sflag:s25], $0x4000  }
0x15: {  	[sflag:s25] =	ssyncset.done $0x0  }
0x16: {  	[sflag:s25] =	ssyncadd.s32 $0xFFFFC000  }
0x17: {  	_ =	swait.ge [sflag:s26], $0x4000  }
0x18: {  	[sflag:s26] =	ssyncset.done $0x0  }
0x19: {  	[sflag:s26] =	ssyncadd.s32 $0xFFFFC000  }
0x1a: {  	_ =	swait.ge [sflag:s28], $0x4000  }
0x1b: {  	s1 =	rddreg [dreg:$0x6]  }
0x1c: {  	s0 =	rddreg [dreg:$0x4];
	s1 =	sadd.s32 $0x1, s1  }
0x1d: {  	p0 =	sne.s32 s1, s0  }
.Ltmp1:
0x1e: {  	_ = 	snop;
	(pc) =	sbr.rel @!p0 .LBB2_10-.Ltmp1, $3  }
0x1f: {  	_ =	sdelay $0x1  }
0x20: {  	[sflag:s28] =	ssyncset.done $0x0  }
0x21: {  	[sflag:s28] =	ssyncadd.s32 $0xFFFFC000  }
.LBB2_1:
0x22: {  	[dreg:$0x6] =	wrdreg s1  }
.Ltmp2:
0x23: {  	s0 =	rddreg [dreg:$0x3];
	s31 =	simm.s32 $0xD;
	(pc) =	sbr.rel .LBB2_2-.Ltmp2, $4  }
0x24: {  	[tilespmem:s3], [sflag:$0xD] =	stream.linear.gather [hbm4b:s0+s3], $0x1400, $0x38;
	[tilespmem:$0x19400] =	vst v63  }
0x25: {  	_ =	swait.ge [sflag:s31], $0x1400  }
0x26: {  	s6 =	simm.s32 $0x0;
	[sflag:s31] =	ssyncset.done $0x0  }
0x27: {  	s0 =	simm.s32 $0x5;
	s8 =	rddreg [dreg:$0x5];
	[sflag:s31] =	ssyncadd.s32 $0xFFFFEC00  }
.LBB2_5:
0x28: {  	[tilespmem:s11], [sflag:$0x1] =	stream.indirect.gather [hbm4b:s2+s10], $0x80, s3, s10, $0xb8;
	[tilespmem:$0x19400] =	vst v63  }
0x29: {  	_ = 	snop  }
0x2a: {  	[tilespmem:s12], [sflag:$0x2] =	stream.indirect.gather [hbm4b:s2+s10], $0x80, s10, s10, $0xb8;
	[tilespmem:$0x19400] =	vst v63  }
0x2b: {  	s1 =	simm.s32 $0x100  }
0x2c: {  	[tilespmem:s14], [sflag:$0x3] =	stream.indirect.gather [hbm4b:s2+s10], $0x80, s1, s10, $0xb8;
	[tilespmem:$0x19400] =	vst v63  }
0x2d: {  	s15 =	simm.s32 $0x180;
	s7 =	simm.s32 $0x4;
	s31 =	simm.s32 $0x2  }
0x2e: {  	[tilespmem:s16], [sflag:$0x4] =	stream.indirect.gather [hbm4b:s2+s10], $0x80, s15, s10, $0xb8;
	[tilespmem:$0x19400] =	vst v63  }
0x2f: {  	s13 =	simm.s32 $0x1;
	s9 =	simm.s32 $0x3;
	s1 =	simm.s32 $0x5  }
0x30: {  	[tilespmem:s18], [sflag:$0x5] =	stream.indirect.gather [hbm4b:s2+s10], $0x80, s17, s10, $0xb8;
	[tilespmem:$0x19400] =	vst v63  }
.LBB2_7:
0x31: {  	s15 =	sshll.u32 s1, $0x7  }
0x32: {  	p0 =	por $0x0, $0x0;
	s15 =	sand.u32 $0x3FFFFF80, s15  }
0x33: {  	[tilespmem:s19], [sflag:$0x6] =	stream.indirect.gather [hbm4b:s2+s10], $0x80, s15, s10, $0xb8;
	[tilespmem:$0x19400] =	vst v63  }
.LBB2_8:
0x34: {  	_ =	swait.ge [sflag:s20], $0x4000  }
0x35: {  	[sflag:s20] =	ssyncset.done $0x0  }
0x36: {  	s13 =	sadd.s32 s5, s13;
	[sflag:s20] =	ssyncadd.s32 $0xFFFFC000  }
0x37: {  	[hbm4b:s8+s3] =	stream.linear.scatter [tilespmem:s11], [sflag:$0x7], $0x4000, $0x38;
	[tilespmem:$0x19400] =	vst v63  }
0x38: {  	s13 =	sshll.u32 s13, $0xB;
	_ =	swait.ge [sflag:s21], $0x4000  }
0x39: {  	s13 =	sand.u32 $0x1FFFF800, s13;
	[sflag:s21] =	ssyncset.done $0x0  }
0x3a: {  	s31 =	sadd.s32 s5, s31;
	s13 =	sadd.s32 s4, s13;
	[sflag:s21] =	ssyncadd.s32 $0xFFFFC000  }
0x3b: {  	[hbm4b:s13+s3] =	stream.linear.scatter [tilespmem:s12], [sflag:$0x8], $0x4000, $0x38;
	[tilespmem:$0x19400] =	vst v63  }
0x3c: {  	s13 =	sshll.u32 s31, $0xB;
	_ =	swait.ge [sflag:s22], $0x4000  }
0x3d: {  	s13 =	sand.u32 $0x1FFFF000, s13;
	[sflag:s22] =	ssyncset.done $0x0  }
0x3e: {  	s9 =	sadd.s32 s5, s9;
	s13 =	sadd.s32 s4, s13;
	[sflag:s22] =	ssyncadd.s32 $0xFFFFC000  }
0x3f: {  	[hbm4b:s13+s3] =	stream.linear.scatter [tilespmem:s14], [sflag:$0x9], $0x4000, $0x38;
	[tilespmem:$0x19400] =	vst v63  }
0x40: {  	s9 =	sshll.u32 s9, $0xB;
	_ =	swait.ge [sflag:s23], $0x4000  }
0x41: {  	s9 =	sand.u32 $0x1FFFF800, s9;
	[sflag:s23] =	ssyncset.done $0x0  }
0x42: {  	s7 =	sadd.s32 @!p0 s5, s7;
	s9 =	sadd.s32 s4, s9;
	[sflag:s23] =	ssyncadd.s32 $0xFFFFC000  }
0x43: {  	[hbm4b:s9+s3] =	stream.linear.scatter [tilespmem:s16], [sflag:$0xA], $0x4000, $0x38;
	[tilespmem:$0x19400] =	vst v63  }
0x44: {  	s7 =	sshll.u32 @!p0 s7, $0xB;
	s9 =	simm.s32 @!p0 $0x5  }
0x45: {  	s7 =	sand.u32 @!p0 $0x1FFFF000, s7;
	_ =	swait.ge @!p0 [sflag:s9], $0x4000  }
0x46: {  	s7 =	sadd.s32 @!p0 s4, s7;
	[sflag:s9] =	ssyncset.done @!p0 $0x0  }
0x47: {  	s13 =	simm.s32 @!p0 $0x11400;
	[sflag:s9] =	ssyncadd.s32 @!p0 $0xFFFFC000;
	s9 =	simm.s32 @!p0 $0x0  }
0x48: {  	[hbm4b:s7+s9] =	stream.linear.scatter @!p0 [tilespmem:s13], [sflag:$0xB], $0x4000, $0x38;
	[tilespmem:$0x19400] =	vst v63  }
0x49: {  	s1 =	sadd.s32 @!p0 s5, s1;
	s7 =	simm.s32 @!p0 $0x6  }
0x4a: {  	s1 =	sshll.u32 @!p0 s1, $0xB;
	_ =	swait.ge @!p0 [sflag:s7], $0x4000  }
0x4b: {  	s0 =	sadd.s32 $0x6, s0;
	s1 =	sand.u32 @!p0 $0x1FFFF800, s1;
	[sflag:s7] =	ssyncset.done @!p0 $0x0  }
0x4c: {  	s1 =	sadd.s32 @!p0 s4, s1;
	[sflag:s7] =	ssyncadd.s32 @!p0 $0xFFFFC000;
	s7 =	simm.s32 @!p0 $0x15400  }
0x4d: {  	[hbm4b:s1+s9] =	stream.linear.scatter @!p0 [tilespmem:s7], [sflag:$0xC], $0x4000, $0x38;
	[tilespmem:$0x19400] =	vst v63  }
0x4e: {  	p0 =	sne.s32 s0, $0x2F  }
.Ltmp3:
0x4f: {  	_ = 	snop;
	(pc) =	sbr.rel @!p0 .LBB2_9-.Ltmp3, $2  }
0x50: {  	_ =	sdelay $0x2  }
0x51: {  	s6 =	sadd.s32 $0x300, s6;
	s8 =	sadd.s32 $0x3000, s8  }
.LBB2_2:
0x52: {  	p0 =	seq.s32 s0, $0x5  }
.Ltmp4:
0x53: {  	_ = 	snop;
	(pc) =	sbr.rel @p0 .LBB2_5-.Ltmp4, $1  }
0x54: {  	_ =	sdelay $0x3  }
0x55: {  	_ =	swait.ge [sflag:s24], $0x4000  }
0x56: {  	[sflag:s24] =	ssyncset.done $0x0  }
0x57: {  	[sflag:s24] =	ssyncadd.s32 $0xFFFFC000  }
0x58: {  	[tilespmem:s11], [sflag:$0x1] =	stream.indirect.gather [hbm4b:s2+s10], $0x80, s6, s10, $0xb8;
	[tilespmem:$0x19400] =	vst v63  }
0x59: {  	_ =	swait.ge [sflag:s25], $0x4000  }
0x5a: {  	[sflag:s25] =	ssyncset.done $0x0  }
0x5b: {  	s1 =	sadd.s32 $0x80, s6;
	[sflag:s25] =	ssyncadd.s32 $0xFFFFC000  }
0x5c: {  	[tilespmem:s12], [sflag:$0x2] =	stream.indirect.gather [hbm4b:s2+s10], $0x80, s1, s10, $0xb8;
	[tilespmem:$0x19400] =	vst v63  }
0x5d: {  	_ =	swait.ge [sflag:s26], $0x4000  }
0x5e: {  	[sflag:s26] =	ssyncset.done $0x0  }
0x5f: {  	s13 =	sadd.s32 $0x100, s6;
	p0 =	seq.s32 s0, $0x29;
	[sflag:s26] =	ssyncadd.s32 $0xFFFFC000  }
0x60: {  	[tilespmem:s14], [sflag:$0x3] =	stream.indirect.gather [hbm4b:s2+s10], $0x80, s13, s10, $0xb8;
	[tilespmem:$0x19400] =	vst v63  }
.Ltmp5:
0x61: {  	_ = 	snop;
	(pc) =	sbr.rel @!p0 .LBB2_6-.Ltmp5, $4  }
0x62: {  	s15 =	sadd.s32 $0x180, s6;
	_ =	swait.ge [sflag:s28], $0x4000  }
0x63: {  	s31 =	sadd.s32 $0xFFFFFFFD, s0;
	s9 =	sadd.s32 $0xFFFFFFFE, s0;
	[sflag:s28] =	ssyncset.done $0x0  }
0x64: {  	s7 =	sadd.s32 $0xFFFFFFFF, s0;
	s13 =	sadd.s32 $0xFFFFFFFC, s0;
	[sflag:s28] =	ssyncadd.s32 $0xFFFFC000  }
0x65: {  	[tilespmem:s16], [sflag:$0x4] =	stream.indirect.gather [hbm4b:s2+s10], $0x80, s15, s10, $0xb8;
	[tilespmem:$0x19400] =	vst v63  }
.Ltmp6:
0x66: {  	(pc) =	sbr.rel .LBB2_8-.Ltmp6, $2  }
0x67: {  	_ =	sdelay $0x2  }
0x68: {  	p0 =	por $0x1, $0x1;
	s1 =	simm.s32 $0x29  }
.LBB2_6:
0x69: {  	_ =	swait.ge [sflag:s29], $0x4000  }
0x6a: {  	[sflag:s29] =	ssyncset.done $0x0  }
.Ltmp7:
0x6b: {  	s1 =	sadd.s32 $0x200, s6;
	[sflag:s29] =	ssyncadd.s32 $0xFFFFC000;
	(pc) =	sbr.rel .LBB2_7-.Ltmp7, $4  }
0x6c: {  	[tilespmem:s18], [sflag:$0x5] =	stream.indirect.gather [hbm4b:s2+s10], $0x80, s1, s10, $0xb8;
	[tilespmem:$0x19400] =	vst v63  }
0x6d: {  	_ =	swait.ge [sflag:s30], $0x4000  }
0x6e: {  	[sflag:s30] =	ssyncset.done $0x0  }
0x6f: {  	s1 =	smov.u32 s0;
	[sflag:s30] =	ssyncadd.s32 $0xFFFFC000  }
.LBB2_10:
0x70: {  	_ =	sfence.sel $0x180000  }
0x71: {  	[bflag:$0x0] =	sbarrier.arrive $0xFFFF  }
0x72: {  	_ =	strace $0x90000047  }
0x73: {  	s0 =	stileid.u32;
	[bflag:$0x2] =	sbarrier.arrive $0xFFFF  }
0x74: {  	p0 =	sne.s32 s0, $0x0;
	s0 =	rddreg [dreg:$0x2]  }
0x75: {  	s0 =	sadd.s32 @!p0 $0x100000, s0  }
0x76: {  	[sflag:s0] =	ssyncadd.tile.s32 @!p0 $0x1;
	_ =	shalt  }
.Lfunc_end2:
_tile_overlayer_lowered:
.L_overlay_start_2:
0x77: {  	(tag) =	ssettag $0x2  }
0x78: {  	s0 =	rddreg [dreg:$0x0];
	s2 =	stileid.u32  }
0x79: {  	s1 =	rddreg [dreg:$0x1];
	p0 =	sne.s32 s2, $0x0  }
0x7a: {  	s3 =	rddreg [dreg:$0x2];
	[bflag:$0x3] =	sbarrier.arrive $0xFFFF;
	s2 =	simm.s32 @!p0 $0x1C0D  }
0x7b: {  	[timem:s3], [sflag:s2] =	dma.local @!p0 [hbm:s0], s1  }
0x7c: {  	s0 =	simm.s32 @!p0 $0xD  }
0x7d: {  	_ =	swait.ge @!p0 [sflag:s0], s1  }
0x7e: {  	s1 =	ssub.s32 @!p0 $0x0, s1;
	[sflag:s0] =	ssyncset.done @!p0 $0x0  }
0x7f: {  	[sflag:s0] =	ssyncadd.s32 @!p0 s1  }
0x80: {  	[bflag:$0x3] =	sbarrier.arrive $0xFFFF  }
0x81: {  	_ =	shalt  }

// kernel: kernel.14.cloned.1.call-start
scs
__scs_entry_jumppad:
0x0: {  	(pc) =	sbr.rel $0x88, $3  }
0x1: {  	(tag) =	ssettag $0x0;
	lr =	simm.s32 $0x1  }
0x2: {  	[smem:$0x3F94] =	sst lr;
	_ =	strace $0xD0000000  }
0x3: {  	_ = 	snop  }
0x4: {  	_ = 	snop  }
0x5: {  	_ = 	snop  }
0x6: {  	_ = 	snop  }
0x7: {  	_ = 	snop  }
__scs_overlays_trampoline_lowered:
0x8: {  	[smem:$0x3FA3] =	sst s0  }
0x9: {  	[smem:$0x3FA4] =	sst s1  }
0xa: {  	[smem:$0x3FA5] =	sst s2  }
0xb: {  	[smem:$0x3FA6] =	sst s3  }
0xc: {  	[smem:$0x3FA7] =	sst s4  }
0xd: {  	[smem:$0x3FA8] =	sst s5  }
0xe: {  	[smem:$0x3FA9] =	sst s6  }
0xf: {  	[smem:$0x3FAA] =	sst s7  }
0x10: {  	[smem:$0x3FAB] =	sst s8  }
0x11: {  	[smem:$0x3FAC] =	sst s9;
	s0 =	simm.s32 @!p0 $0x0  }
0x12: {  	s1 =	sld [smem:$0x3F92];
	s0 =	simm.s32 @p0 $0x1  }
0x13: {  	[smem:$0x3FAD] =	sst s0;
	s0 =	simm.s32 @!p1 $0x0  }
0x14: {  	s2 =	sld [smem:$0x3F91];
	s0 =	simm.s32 @p1 $0x1  }
0x15: {  	[smem:$0x3FAE] =	sst s0;
	s0 =	simm.s32 @!p2 $0x0  }
0x16: {  	s3 =	sld [smem:$0x3FDB];
	s0 =	simm.s32 @p2 $0x1  }
0x17: {  	s4 =	simm.s32 $0x1BF5;
	[smem:$0x3FB0] =	sst s0  }
0x18: {  	s0 =	sld [smem:$0x3F93];
	_ =	swait.ge [sflag:s4], $0x0  }
0x19: {  	s7 =	sld [smem:$0x3F94]  }
0x1a: {  	s8 =	sadd.s32 $0xFFFFE003, lr  }
0x1b: {  	s9 =	sadd.s32 $0xFFFFFEF7, lr;
	s5 =	simm.s32 $0xFFFFFFFF;
	p2 =	slt.u32 s8, $0xFFFFF086  }
0x1c: {  	p1 =	slt.u32 s9, $0xF7A;
	s5 =	simm.s32 @!p2 $0x0  }
0x1d: {  	s5 =	simm.s32 @p1 $0x1;
	p0 =	seq.s32 s7, s2  }
0x1e: {  	s7 =	smul.u32 @!p0 $0xF7A, s2;
	p2 =	seq.s32 @!p0 s5, $0x0  }
0x1f: {  	s9 =	smul.u32 $0xF7A, s1;
	s8 =	simm.s32 @!p0 $0x1BF5;
	p2 =	por !p2, p0  }
0x20: {  	[sflag:s8] =	ssyncset.s32 @!p0 $0xFFFFF086;
	s6 =	sadd.s32 @!p0 s3, s7;
	s7 =	simm.s32 @!p0 $0x108  }
0x21: {  	s3 =	sadd.s32 s3, s9;
	s6 =	sadd.s32 @!p0 $0x88, s6;
	s7 =	simm.s32 @p2 $0x1082  }
0x22: {  	[simem:s7], [sflag:s8] =	dma.local @!p0 [hbm:s6], $0xF7A  }
0x23: {  	s9 =	sor.u32 $0xD0000000, s2;
	s6 =	simm.s32 $0x108;
	_ =	swait.ge @!p0 [sflag:s8], $0x0  }
0x24: {  	s3 =	sadd.s32 $0x88, s3;
	s6 =	simm.s32 @!p1 $0x1082;
	[sflag:s4] =	ssyncset.s32 $0xFFFFF086  }
0x25: {  	[simem:s6], [sflag:s4] =	dma.local [hbm:s3], $0xF7A  }
0x26: {  	[smem:$0x3F94] =	sst s1;
	(tag) =	ssettag s2;
	_ =	strace s9  }
0x27: {  	s1 =	sld [smem:$0x3FA4]  }
0x28: {  	s2 =	sld [smem:$0x3FA5]  }
0x29: {  	s4 =	sld [smem:$0x3FA7]  }
0x2a: {  	p0 =	seq.s32 s5, $0x0;
	s5 =	sld [smem:$0x3FA8]  }
0x2b: {  	s6 =	sld [smem:$0x3FA9]  }
0x2c: {  	s7 =	sld [smem:$0x3FAA]  }
0x2d: {  	s3 =	simm.s32 $0x108;
	s8 =	sld [smem:$0x3FAB]  }
0x2e: {  	s3 =	simm.s32 @!p0 $0x1082;
	s9 =	sld [smem:$0x3FAC]  }
0x2f: {  	lr =	sadd.s32 s0, s3;
	s0 =	sld [smem:$0x3FA3]  }
0x30: {  	s3 =	sld [smem:$0x3FA6]  }
0x31: {  	[smem:$0x3FAF] =	sst s10  }
0x32: {  	s10 =	sld [smem:$0x3FAD];
	_ =	sdelay $0x3  }
0x33: {  	p0 =	seq.s32 s10, $0x1;
	s10 =	sld [smem:$0x3FAF];
	_ =	sdelay $0x3  }
0x34: {  	[smem:$0x3FAF] =	sst s10  }
0x35: {  	s10 =	sld [smem:$0x3FAE];
	_ =	sdelay $0x3  }
0x36: {  	p1 =	seq.s32 s10, $0x1;
	s10 =	sld [smem:$0x3FAF];
	_ =	sdelay $0x3  }
0x37: {  	[smem:$0x3FAF] =	sst s10  }
0x38: {  	s10 =	sld [smem:$0x3FB0]  }
0x39: {  	_ = 	snop;
	(pc) =	sbr.ind lr, $3  }
0x3a: {  	_ = 	snop  }
0x3b: {  	_ = 	snop  }
0x3c: {  	p2 =	seq.s32 s10, $0x1;
	s10 =	sld [smem:$0x3FAF]  }
0x3d: {  	_ =	shalt  }
0x3e: {  	_ =	shalt  }
0x3f: {  	_ =	shalt  }
0x40: {  	_ =	shalt  }
0x41: {  	_ =	shalt  }
0x42: {  	_ =	shalt  }
0x43: {  	_ =	shalt  }
0x44: {  	_ =	shalt  }
0x45: {  	_ =	shalt  }
0x46: {  	_ =	shalt  }
0x47: {  	_ =	shalt  }
0x48: {  	_ =	shalt  }
0x49: {  	_ =	shalt  }
0x4a: {  	_ =	shalt  }
0x4b: {  	_ =	shalt  }
0x4c: {  	_ =	shalt  }
0x4d: {  	_ =	shalt  }
0x4e: {  	_ =	shalt  }
0x4f: {  	_ =	shalt  }
0x50: {  	_ =	shalt  }
0x51: {  	_ =	shalt  }
0x52: {  	_ =	shalt  }
0x53: {  	_ =	shalt  }
0x54: {  	_ =	shalt  }
0x55: {  	_ =	shalt  }
0x56: {  	_ =	shalt  }
0x57: {  	_ =	shalt  }
0x58: {  	_ =	shalt  }
0x59: {  	_ =	shalt  }
0x5a: {  	_ =	shalt  }
0x5b: {  	_ =	shalt  }
0x5c: {  	_ =	shalt  }
0x5d: {  	_ =	shalt  }
0x5e: {  	_ =	shalt  }
0x5f: {  	_ =	shalt  }
0x60: {  	_ =	shalt  }
0x61: {  	_ =	shalt  }
0x62: {  	_ =	shalt  }
0x63: {  	_ =	shalt  }
0x64: {  	_ =	shalt  }
0x65: {  	_ =	shalt  }
0x66: {  	_ =	shalt  }
0x67: {  	_ =	shalt  }
0x68: {  	_ =	shalt  }
0x69: {  	_ =	shalt  }
0x6a: {  	_ =	shalt  }
0x6b: {  	_ =	shalt  }
0x6c: {  	_ =	shalt  }
0x6d: {  	_ =	shalt  }
0x6e: {  	_ =	shalt  }
0x6f: {  	_ =	shalt  }
0x70: {  	_ =	shalt  }
0x71: {  	_ =	shalt  }
0x72: {  	_ =	shalt  }
0x73: {  	_ =	shalt  }
0x74: {  	_ =	shalt  }
0x75: {  	_ =	shalt  }
0x76: {  	_ =	shalt  }
0x77: {  	_ =	shalt  }
0x78: {  	_ =	shalt  }
0x79: {  	_ =	shalt  }
0x7a: {  	_ =	shalt  }
0x7b: {  	_ =	shalt  }
0x7c: {  	_ =	shalt  }
0x7d: {  	_ =	shalt  }
0x7e: {  	_ =	shalt  }
0x7f: {  	_ =	shalt  }
0x80: {  	_ =	shalt  }
0x81: {  	_ =	shalt  }
0x82: {  	_ =	shalt  }
0x83: {  	_ =	shalt  }
0x84: {  	_ =	shalt  }
0x85: {  	_ =	shalt  }
0x86: {  	_ =	shalt  }
0x87: {  	_ =	shalt  }
.Lfunc_end0:
.L_simem_size_0:
called_computation.2_lowered:
.L_overlay_start_0:
0x88: {  	s2 =	sld [smem:$0x3FD9]  }
0x89: {  	s3 =	sld [smem:$0x3FFE];
	_ =	sdelay $0x1  }
0x8a: {  	s1 =	srdreg.scid  }
0x8b: {  	s0 =	sand.u32 $0x1, s1  }
0x8c: {  	s17 =	sshll.u32 s0, $0xA;
	s2 =	sadd.s32 s3, s2  }
0x8d: {  	s2 =	sadd.s32 s2, s17  }
0x8e: {  	[smem:$0x3FBB] =	sst s2  }
0x8f: {  	_ = 	snop  }
0x90: {  	s2 =	sld [smem:$0x3FD0];
	(tm) =	ssettm $0x1  }
0x91: {  	s18 =	sld [smem:$0x3FFB];
	_ =	sdelay $0x3  }
0x92: {  	_ =	strace s18  }
0x93: {  	s3 =	sld [smem:$0x3FFC];
	_ =	sdelay $0x3  }
0x94: {  	_ =	strace s3  }
0x95: {  	s3 =	sld [smem:$0x3FFD];
	_ =	sdelay $0x3  }
0x96: {  	_ =	strace s3  }
0x97: {  	_ =	strace $0x8FFFFFFF  }
0x98: {  	s19 =	sld [smem:$0x3FDB];
	_ =	sdelay $0x1  }
0x99: {  	s4 =	simm.s32 $_scs_section_size  }
0x9a: {  	s5 =	simm.s32 $_size__tile_overlayer_lowered;
	s6 =	simm.s32 $_tile_overlayer_lowered  }
0x9b: {  	s22 =	simm.s32 $0x1BFF;
	s21 =	sshll.u32 s6, $0x1;
	s3 =	sadd.s32 s4, s19  }
0x9c: {  	s7 =	simm.s32 $0x0;
	s20 =	sshll.u32 s5, $0x1;
	s5 =	sadd.s32 s21, s3  }
0x9d: {  	[timem:s7], [sflag:s22] =	dma.local [hbm:s5], s20  }
0x9e: {  	_ =	swait.ge [sflag:s22], s20  }
0x9f: {  	s4 =	ssub.s32 $0x0, s20;
	[sflag:s22] =	ssyncset.done $0x0  }
0xa0: {  	[sflag:s22] =	ssyncadd.s32 s4;
	_ =	sdelay $0x1  }
0xa1: {  	s23 =	simm.s32 $0x1B8B  }
0xa2: {  	_ =	swait.ge [sflag:s23], $0x1  }
0xa3: {  	[sflag:s23] =	ssyncset.done $0x0  }
0xa4: {  	s25 =	simm.s32 $0x1B8E;
	s24 =	sld [smem:$0x3FFE];
	[sflag:s23] =	ssyncadd.s32 $0xFFFFFFFF  }
0xa5: {  	s26 =	simm.s32 $execute0_lowered;
	[smem:$0x3FD2] =	sst s25  }
0xa6: {  	s5 =	sshll.u32 s26, $0x1;
	_ =	strace $0x8000004C;
	[dreg:$0x1] =	wrdreg $0xFFFFFFFF  }
0xa7: {  	s28 =	simm.s32 $_size_execute0_lowered;
	s3 =	sadd.s32 s3, s5;
	[dreg:$0x0] =	wrdreg $0x0  }
0xa8: {  	s5 =	sshll.u32 s28, $0x1;
	[dreg:$0x2] =	wrdreg s3  }
0xa9: {  	[dreg:$0x3] =	wrdreg s5  }
0xaa: {  	[dreg:$0x4] =	wrdreg $0xC0  }
0xab: {  	_ =	task [dreg:s7], $0x5FFFF  }
0xac: {  	[dreg:$0x1] =	wrdreg $0xFFFFFFFF  }
0xad: {  	[dreg:$0x0] =	wrdreg $0x60  }
0xae: {  	[dreg:$0x2] =	wrdreg s24  }
0xaf: {  	[dreg:$0x3] =	wrdreg s2  }
0xb0: {  	[dreg:$0x4] =	wrdreg $0xC8000  }
0xb1: {  	[dreg:$0x5] =	wrdreg $0xCA780  }
0xb2: {  	[dreg:$0x6] =	wrdreg $0xCCF00  }
0xb3: {  	[dreg:$0x7] =	wrdreg $0xCF680  }
0xb4: {  	[dreg:$0x8] =	wrdreg $0x9  }
0xb5: {  	_ =	task.clear_ibuf [dreg:s7], $0x9FFFF;
	_ =	strace $0x9000004C  }
0xb6: {  	s29 =	simm.s32 $0x9;
	_ =	strace $0x8000004E  }
0xb7: {  	_ =	swait.ge [sflag:s29], $0x1  }
0xb8: {  	[sflag:s29] =	ssyncadd.s32 $0xFFFFFFFF  }
0xb9: {  	_ =	strace $0x9000004E  }
0xba: {  	_ =	sfence  }
0xbb: {  	s30 =	sld [smem:$0x0];
	_ =	sdelay $0x2  }
0xbc: {  	s31 =	sshll.u32 s1, $0xD;
	s1 =	sshrl.u32 s1, $0x2  }
0xbd: {  	s3 =	sand.u32 $0x4000, s31;
	s1 =	sadd.s32 s1, s30  }
0xbe: {  	s0 =	sor.u32 s3, s0;
	s1 =	sshll.u32 s1, $0x11  }
0xbf: {  	s0 =	sor.u32 s1, s0  }
0xc0: {  	s0 =	sadd.s32 $0x8F2B, s0  }
0xc1: {  	[sflag:s0] =	ssyncadd.remote.s32 $0x1  }
0xc2: {  	_ =	sfence.sel $0xFFFF  }
0xc3: {  	[dreg:$0x0] =	wrdreg $0xFFFFFFFF;
	(pc) =	sbr.abs _section_cstart, $3  }
0xc4: {  	[dreg:$0x1] =	wrdreg $0xFFFFFFFF  }
0xc5: {  	_ =	task.clear_ibuf [dreg:s7], $0x2FFFF;
	_ =	strace $0x9FFFFFFF  }
0xc6: {  	(tm) =	ssettm $0x7FFFFFFF  }
0xc7: {  	_ =	shalt  }
tec
execute0_lowered:
.L_overlay_start_1:
0x0: {  	(tag) =	ssettag $0x1  }
0x1: {  	s3 =	rddreg [dreg:$0x0]  }
0x2: {  	s0 =	rddreg [dreg:$0x1]  }
0x3: {  	s1 =	rddreg [dreg:$0x2]  }
0x4: {  	s4 =	srdreg.scid;
	s2 =	rddreg [dreg:$0x3]  }
0x5: {  	s8 =	stileid.u32;
	s5 =	rddreg [dreg:$0x5];
	s21 =	simm.s32 $0x5  }
0x6: {  	s28 =	simm.s32 $0x1;
	s29 =	simm.s32 $0x2;
	s30 =	simm.s32 $0x3  }
0x7: {  	s31 =	simm.s32 $0x4;
	s7 =	sand.u32 $0x1, s4;
	s4 =	rddreg [dreg:$0x4]  }
0x8: {  	p0 =	sne.s32 s8, $0x0;
	s6 =	sshll.u32 s7, $0x4;
	s10 =	smul.u32 $0x13C0, s7  }
0x9: {  	s7 =	ssub.s32 $0x2, s7;
	s17 =	sshrl.u32 @!p0 s1, $0x3;
	s9 =	sor.u32 s8, s6  }
0xa: {  	s18 =	sshrl.u32 @!p0 s2, $0x3;
	s19 =	sshrl.u32 @!p0 s4, $0x3;
	s9 =	smul.u32 $0x2800, s9  }
0xb: {  	s20 =	sshrl.u32 @!p0 s5, $0x3;
	s6 =	simm.s32 $0x0;
	s22 =	sshrl.u32 s7, $0x1  }
0xc: {  	[smem:$0x7FF] =	sst s6;
	s7 =	ssub.s32 s7, s22;
	s9 =	sshrl.u32 s9, $0x3  }
0xd: {  	s22 =	simm.s32 $0x2800;
	_ =	strace $0x8000004D;
	s9 =	sadd.s32 s9, s3  }
0xe: {  	s16 =	smax.u32 s7, $0x1;
	s3 =	sadd.s32 s10, s3;
	s23 =	sadd.s32 $0x2400, s9  }
0xf: {  	s24 =	sadd.s32 $0xC400, s9;
	s25 =	sadd.s32 $0x16400, s9;
	[dreg:$0x7] =	wrdreg s23  }
0x10: {  	s26 =	sadd.s32 $0x20400, s9;
	s9 =	sadd.s32 $0x2A400, s9;
	[dreg:$0x8] =	wrdreg s24  }
0x11: {  	s12 =	sadd.s32 $0x34400, s3;
	s13 =	sadd.s32 $0x34410, s3;
	[dreg:$0x9] =	wrdreg s25  }
0x12: {  	s14 =	sadd.s32 $0x34420, s3;
	s15 =	sadd.s32 $0x34430, s3;
	[dreg:$0xa] =	wrdreg s26  }
0x13: {  	s3 =	simm.s32 $0x0;
	[dreg:$0xb] =	wrdreg s9;
	s23 =	simm.s32 $0x5000  }
0x14: {  	s24 =	simm.s32 $0x7800;
	s25 =	simm.s32 $0xA000;
	s26 =	simm.s32 $0x80  }
.LBB2_1:
0x15: {  	s7 =	simm.s32 @!p0 $0x1C05;
	s8 =	simm.s32 @!p0 $0x5  }
0x16: {  	[spmem:s17], [sflag:s7] =	dma.local @!p0 [hbm:s0], $0x4F0  }
0x17: {  	_ =	swait.ge @!p0 [sflag:s8], $0x4F0  }
0x18: {  	[sflag:s8] =	ssyncset.done @!p0 $0x0  }
0x19: {  	[sflag:s8] =	ssyncadd.s32 @!p0 $0xFFFFFB10  }
0x1a: {  	[spmem:s18], [sflag:s7] =	dma.local @!p0 [hbm:s0], $0x4F0  }
0x1b: {  	_ =	swait.ge @!p0 [sflag:s8], $0x4F0  }
0x1c: {  	[sflag:s8] =	ssyncset.done @!p0 $0x0  }
0x1d: {  	[sflag:s8] =	ssyncadd.s32 @!p0 $0xFFFFFB10  }
0x1e: {  	[spmem:s19], [sflag:s7] =	dma.local @!p0 [hbm:s0], $0x4F0  }
0x1f: {  	_ =	swait.ge @!p0 [sflag:s8], $0x4F0  }
0x20: {  	[sflag:s8] =	ssyncset.done @!p0 $0x0  }
0x21: {  	[sflag:s8] =	ssyncadd.s32 @!p0 $0xFFFFFB10  }
0x22: {  	[spmem:s20], [sflag:s7] =	dma.local @!p0 [hbm:s0], $0x4F0  }
0x23: {  	_ =	swait.ge @!p0 [sflag:s8], $0x4F0  }
0x24: {  	[sflag:s8] =	ssyncset.done @!p0 $0x0  }
0x25: {  	[sflag:s8] =	ssyncadd.s32 @!p0 $0xFFFFFB10;
	s8 =	rddreg [dreg:$0x7]  }
0x26: {  	[tilespmem:s6], [sflag:$0x5] =	stream.linear.gather [hbm4b:s8+s6], $0x2800, $0x38;
	[tilespmem:$0xD1E0] =	vst v63  }
0x27: {  	_ =	swait.ge [sflag:s21], $0x2800  }
0x28: {  	[sflag:s21] =	ssyncset.done $0x0  }
0x29: {  	s9 =	rddreg [dreg:$0x8];
	[sflag:s21] =	ssyncadd.s32 $0xFFFFD800  }
0x2a: {  	[tilespmem:s22], [sflag:$0x5] =	stream.linear.gather [hbm4b:s9+s6], $0x2800, $0x38;
	[tilespmem:$0xD1E0] =	vst v63  }
0x2b: {  	_ =	swait.ge [sflag:s21], $0x2800  }
0x2c: {  	[sflag:s21] =	ssyncset.done $0x0  }
0x2d: {  	s10 =	rddreg [dreg:$0x9];
	[sflag:s21] =	ssyncadd.s32 $0xFFFFD800  }
0x2e: {  	[tilespmem:s23], [sflag:$0x5] =	stream.linear.gather [hbm4b:s10+s6], $0x2800, $0x38;
	[tilespmem:$0xD1E0] =	vst v63  }
0x2f: {  	_ =	swait.ge [sflag:s21], $0x2800  }
0x30: {  	[sflag:s21] =	ssyncset.done $0x0  }
0x31: {  	s11 =	rddreg [dreg:$0xa];
	[sflag:s21] =	ssyncadd.s32 $0xFFFFD800  }
0x32: {  	[tilespmem:s24], [sflag:$0x5] =	stream.linear.gather [hbm4b:s11+s6], $0x2800, $0x38;
	[tilespmem:$0xD1E0] =	vst v63  }
0x33: {  	_ =	swait.ge [sflag:s21], $0x2800  }
0x34: {  	[sflag:s21] =	ssyncset.done $0x0  }
0x35: {  	s8 =	rddreg [dreg:$0xb];
	[sflag:s21] =	ssyncadd.s32 $0xFFFFD800  }
0x36: {  	[tilespmem:s25], [sflag:$0x5] =	stream.linear.gather [hbm4b:s8+s6], $0x2800, $0x38;
	[tilespmem:$0xD1E0] =	vst v63  }
0x37: {  	_ =	swait.ge [sflag:s21], $0x2800  }
0x38: {  	[sflag:s21] =	ssyncset.done $0x0  }
0x39: {  	[sflag:s21] =	ssyncadd.s32 $0xFFFFD800  }
0x3a: {  	[bflag:$0x0] =	sbarrier.arrive $0xFFFF  }
0x3b: {  	[spmem:s1] =	stream.indirect.scatter.add.f32 [tilespmem:s22], [sflag:$0x1], $0x1, s6, s26, $0xb8;
	[tilespmem:$0xD1E0] =	vst v63  }
0x3c: {  	_ = 	snop  }
0x3d: {  	[spmem:s2] =	stream.indirect.scatter.add.f32 [tilespmem:s23], [sflag:$0x2], $0x1, s6, s26, $0xb8;
	[tilespmem:$0xD1E0] =	vst v63  }
0x3e: {  	_ = 	snop  }
0x3f: {  	[spmem:s4] =	stream.indirect.scatter.add.f32 [tilespmem:s24], [sflag:$0x3], $0x1, s6, s26, $0xb8;
	[tilespmem:$0xD1E0] =	vst v63  }
0x40: {  	_ = 	snop  }
0x41: {  	[spmem:s5] =	stream.indirect.scatter.add.f32 [tilespmem:s25], [sflag:$0x4], $0x1, s6, s26, $0xb8;
	[tilespmem:$0xD1E0] =	vst v63  }
0x42: {  	_ =	swait.ge [sflag:s28], $0x80  }
0x43: {  	[sflag:s28] =	ssyncset.done $0x0  }
0x44: {  	[sflag:s28] =	ssyncadd.s32 $0xFFFFFF80  }
0x45: {  	_ =	swait.ge [sflag:s29], $0x80  }
0x46: {  	[sflag:s29] =	ssyncset.done $0x0  }
0x47: {  	[sflag:s29] =	ssyncadd.s32 $0xFFFFFF80  }
0x48: {  	_ =	swait.ge [sflag:s30], $0x80  }
0x49: {  	[sflag:s30] =	ssyncset.done $0x0  }
0x4a: {  	[sflag:s30] =	ssyncadd.s32 $0xFFFFFF80  }
0x4b: {  	_ =	swait.ge [sflag:s31], $0x80  }
0x4c: {  	[sflag:s31] =	ssyncset.done $0x0  }
0x4d: {  	s9 =	simm.s32 $0x2880;
	s8 =	simm.s32 $0x80;
	[sflag:s31] =	ssyncadd.s32 $0xFFFFFF80  }
0x4e: {  	[spmem:s1] =	stream.indirect.scatter.add.f32 [tilespmem:s9], [sflag:$0x1], $0x1, s8, s26, $0xb8;
	[tilespmem:$0xD1E0] =	vst v63  }
0x4f: {  	s10 =	simm.s32 $0x5080  }
0x50: {  	[spmem:s2] =	stream.indirect.scatter.add.f32 [tilespmem:s10], [sflag:$0x2], $0x1, s8, s26, $0xb8;
	[tilespmem:$0xD1E0] =	vst v63  }
0x51: {  	s7 =	simm.s32 $0x200;
	s11 =	simm.s32 $0x7880;
	s9 =	simm.s32 $0xA080  }
0x52: {  	[spmem:s4] =	stream.indirect.scatter.add.f32 [tilespmem:s11], [sflag:$0x3], $0x1, s8, s26, $0xb8;
	[tilespmem:$0xD1E0] =	vst v63  }
.LBB2_2:
0x53: {  	[spmem:s5] =	stream.indirect.scatter.add.f32 [tilespmem:s9], [sflag:$0x4], $0x1, s8, s26, $0xb8;
	[tilespmem:$0xD1E0] =	vst v63  }
0x54: {  	s8 =	smov.u32 s7  }
0x55: {  	p1 =	sne.s32 s7, $0x9C00;
	s7 =	sadd.s32 $0x200, s7;
	_ =	swait.ge [sflag:s28], $0x80  }
0x56: {  	[sflag:s28] =	ssyncset.done $0x0  }
0x57: {  	[sflag:s28] =	ssyncadd.s32 $0xFFFFFF80  }
0x58: {  	_ =	swait.ge [sflag:s29], $0x80  }
0x59: {  	[sflag:s29] =	ssyncset.done $0x0  }
0x5a: {  	[sflag:s29] =	ssyncadd.s32 $0xFFFFFF80  }
0x5b: {  	_ =	swait.ge [sflag:s30], $0x80  }
0x5c: {  	[sflag:s30] =	ssyncset.done $0x0  }
0x5d: {  	[sflag:s30] =	ssyncadd.s32 $0xFFFFFF80  }
0x5e: {  	_ =	swait.ge [sflag:s31], $0x80  }
0x5f: {  	s9 =	sshra.s32 s8, $0x2;
	[sflag:s31] =	ssyncset.done $0x0  }
0x60: {  	s10 =	sadd.s32 $0x2880, s9;
	s8 =	sadd.s32 $0x80, s9;
	[sflag:s31] =	ssyncadd.s32 $0xFFFFFF80  }
0x61: {  	[spmem:s1] =	stream.indirect.scatter.add.f32 [tilespmem:s10], [sflag:$0x1], $0x1, s8, s26, $0xb8;
	[tilespmem:$0xD1E0] =	vst v63  }
.Ltmp0:
0x62: {  	s10 =	sadd.s32 $0x5080, s9;
	(pc) =	sbr.rel @p1 .LBB2_2-.Ltmp0, $4  }
0x63: {  	[spmem:s2] =	stream.indirect.scatter.add.f32 [tilespmem:s10], [sflag:$0x2], $0x1, s8, s26, $0xb8;
	[tilespmem:$0xD1E0] =	vst v63  }
0x64: {  	s10 =	sadd.s32 $0x7880, s9  }
0x65: {  	[spmem:s4] =	stream.indirect.scatter.add.f32 [tilespmem:s10], [sflag:$0x3], $0x1, s8, s26, $0xb8;
	[tilespmem:$0xD1E0] =	vst v63  }
0x66: {  	s9 =	sadd.s32 $0xA080, s9  }
0x67: {  	[spmem:s5] =	stream.indirect.scatter.add.f32 [tilespmem:s9], [sflag:$0x4], $0x1, s8, s26, $0xb8;
	[tilespmem:$0xD1E0] =	vst v63  }
0x68: {  	_ =	swait.ge [sflag:s28], $0x80  }
0x69: {  	[sflag:s28] =	ssyncset.done $0x0  }
0x6a: {  	[sflag:s28] =	ssyncadd.s32 $0xFFFFFF80  }
0x6b: {  	_ =	swait.ge [sflag:s29], $0x80  }
0x6c: {  	[sflag:s29] =	ssyncset.done $0x0  }
0x6d: {  	[sflag:s29] =	ssyncadd.s32 $0xFFFFFF80  }
0x6e: {  	_ =	swait.ge [sflag:s30], $0x80  }
0x6f: {  	[sflag:s30] =	ssyncset.done $0x0  }
0x70: {  	[sflag:s30] =	ssyncadd.s32 $0xFFFFFF80  }
0x71: {  	_ =	swait.ge [sflag:s31], $0x80  }
0x72: {  	s7 =	simm.s32 @!p0 $0x1;
	[sflag:s31] =	ssyncset.done $0x0  }
0x73: {  	s8 =	simm.s32 @!p0 $0x40;
	s9 =	simm.s32 @!p0 $0x10;
	[sflag:s31] =	ssyncadd.s32 $0xFFFFFF80  }
0x74: {  	s10 =	simm.s32 @!p0 $0x1C05;
	s11 =	simm.s32 @!p0 $0x5;
	[bflag:$0x0] =	sbarrier.arrive $0xFFFF  }
0x75: {  	[hbm:s12@s8], [sflag:s10] =	dma.strided @!p0 [spmem:s17@s9], $0x4F0, s7, $0x10   }
0x76: {  	_ =	swait.ge @!p0 [sflag:s11], $0x4F0  }
0x77: {  	[sflag:s11] =	ssyncset.done @!p0 $0x0  }
0x78: {  	[sflag:s11] =	ssyncadd.s32 @!p0 $0xFFFFFB10  }
0x79: {  	[hbm:s13@s8], [sflag:s10] =	dma.strided @!p0 [spmem:s18@s9], $0x4F0, s7, $0x10   }
0x7a: {  	_ =	swait.ge @!p0 [sflag:s11], $0x4F0  }
0x7b: {  	[sflag:s11] =	ssyncset.done @!p0 $0x0  }
0x7c: {  	[sflag:s11] =	ssyncadd.s32 @!p0 $0xFFFFFB10  }
0x7d: {  	[hbm:s14@s8], [sflag:s10] =	dma.strided @!p0 [spmem:s19@s9], $0x4F0, s7, $0x10   }
0x7e: {  	s3 =	sadd.s32 $0x1, s3;
	_ =	swait.ge @!p0 [sflag:s11], $0x4F0  }
0x7f: {  	p1 =	sne.s32 s3, s16;
	[sflag:s11] =	ssyncset.done @!p0 $0x0  }
.Ltmp1:
0x80: {  	[sflag:s11] =	ssyncadd.s32 @!p0 $0xFFFFFB10;
	(pc) =	sbr.rel @p1 .LBB2_1-.Ltmp1, $4  }
0x81: {  	[hbm:s15@s8], [sflag:s10] =	dma.strided @!p0 [spmem:s20@s9], $0x4F0, s7, $0x10   }
0x82: {  	_ =	swait.ge @!p0 [sflag:s11], $0x4F0  }
0x83: {  	[sflag:s11] =	ssyncset.done @!p0 $0x0  }
0x84: {  	[sflag:s11] =	ssyncadd.s32 @!p0 $0xFFFFFB10  }
0x85: {  	_ =	sfence.sel $0x180000  }
0x86: {  	[bflag:$0x0] =	sbarrier.arrive $0xFFFF  }
0x87: {  	_ =	strace $0x9000004D  }
0x88: {  	[bflag:$0x2] =	sbarrier.arrive $0xFFFF  }
0x89: {  	s0 =	rddreg [dreg:$0x6]  }
0x8a: {  	s0 =	sadd.s32 @!p0 $0x100000, s0  }
0x8b: {  	[sflag:s0] =	ssyncadd.tile.s32 @!p0 $0x1;
	_ =	shalt  }
.Lfunc_end2:
_tile_overlayer_lowered:
.L_overlay_start_2:
0x8c: {  	(tag) =	ssettag $0x2  }
0x8d: {  	s0 =	rddreg [dreg:$0x0];
	s2 =	stileid.u32  }
0x8e: {  	s1 =	rddreg [dreg:$0x1];
	p0 =	sne.s32 s2, $0x0  }
0x8f: {  	s3 =	rddreg [dreg:$0x2];
	[bflag:$0x3] =	sbarrier.arrive $0xFFFF;
	s2 =	simm.s32 @!p0 $0x1C05  }
0x90: {  	[timem:s3], [sflag:s2] =	dma.local @!p0 [hbm:s0], s1  }
0x91: {  	s0 =	simm.s32 @!p0 $0x5  }
0x92: {  	_ =	swait.ge @!p0 [sflag:s0], s1  }
0x93: {  	s1 =	ssub.s32 @!p0 $0x0, s1;
	[sflag:s0] =	ssyncset.done @!p0 $0x0  }
0x94: {  	[sflag:s0] =	ssyncadd.s32 @!p0 s1  }
0x95: {  	[bflag:$0x3] =	sbarrier.arrive $0xFFFF  }
0x96: {  	_ =	shalt  }

// kernel: kernel.8.cloned.1.call-start
scs
__scs_entry_jumppad:
0x0: {  	(pc) =	sbr.rel $0x88, $3  }
0x1: {  	(tag) =	ssettag $0x0;
	lr =	simm.s32 $0x1  }
0x2: {  	[smem:$0x3F94] =	sst lr;
	_ =	strace $0xD0000000  }
0x3: {  	_ = 	snop  }
0x4: {  	_ = 	snop  }
0x5: {  	_ = 	snop  }
0x6: {  	_ = 	snop  }
0x7: {  	_ = 	snop  }
__scs_overlays_trampoline_lowered:
0x8: {  	[smem:$0x3FA3] =	sst s0  }
0x9: {  	[smem:$0x3FA4] =	sst s1  }
0xa: {  	[smem:$0x3FA5] =	sst s2  }
0xb: {  	[smem:$0x3FA6] =	sst s3  }
0xc: {  	[smem:$0x3FA7] =	sst s4  }
0xd: {  	[smem:$0x3FA8] =	sst s5  }
0xe: {  	[smem:$0x3FA9] =	sst s6  }
0xf: {  	[smem:$0x3FAA] =	sst s7  }
0x10: {  	[smem:$0x3FAB] =	sst s8  }
0x11: {  	[smem:$0x3FAC] =	sst s9;
	s0 =	simm.s32 @!p0 $0x0  }
0x12: {  	s1 =	sld [smem:$0x3F92];
	s0 =	simm.s32 @p0 $0x1  }
0x13: {  	[smem:$0x3FAD] =	sst s0;
	s0 =	simm.s32 @!p1 $0x0  }
0x14: {  	s2 =	sld [smem:$0x3F91];
	s0 =	simm.s32 @p1 $0x1  }
0x15: {  	[smem:$0x3FAE] =	sst s0;
	s0 =	simm.s32 @!p2 $0x0  }
0x16: {  	s3 =	sld [smem:$0x3FDB];
	s0 =	simm.s32 @p2 $0x1  }
0x17: {  	s4 =	simm.s32 $0x1BF5;
	[smem:$0x3FB0] =	sst s0  }
0x18: {  	s0 =	sld [smem:$0x3F93];
	_ =	swait.ge [sflag:s4], $0x0  }
0x19: {  	s7 =	sld [smem:$0x3F94]  }
0x1a: {  	s8 =	sadd.s32 $0xFFFFE003, lr  }
0x1b: {  	s9 =	sadd.s32 $0xFFFFFEF7, lr;
	s5 =	simm.s32 $0xFFFFFFFF;
	p2 =	slt.u32 s8, $0xFFFFF086  }
0x1c: {  	p1 =	slt.u32 s9, $0xF7A;
	s5 =	simm.s32 @!p2 $0x0  }
0x1d: {  	s5 =	simm.s32 @p1 $0x1;
	p0 =	seq.s32 s7, s2  }
0x1e: {  	s7 =	smul.u32 @!p0 $0xF7A, s2;
	p2 =	seq.s32 @!p0 s5, $0x0  }
0x1f: {  	s9 =	smul.u32 $0xF7A, s1;
	s8 =	simm.s32 @!p0 $0x1BF5;
	p2 =	por !p2, p0  }
0x20: {  	[sflag:s8] =	ssyncset.s32 @!p0 $0xFFFFF086;
	s6 =	sadd.s32 @!p0 s3, s7;
	s7 =	simm.s32 @!p0 $0x108  }
0x21: {  	s3 =	sadd.s32 s3, s9;
	s6 =	sadd.s32 @!p0 $0x88, s6;
	s7 =	simm.s32 @p2 $0x1082  }
0x22: {  	[simem:s7], [sflag:s8] =	dma.local @!p0 [hbm:s6], $0xF7A  }
0x23: {  	s9 =	sor.u32 $0xD0000000, s2;
	s6 =	simm.s32 $0x108;
	_ =	swait.ge @!p0 [sflag:s8], $0x0  }
0x24: {  	s3 =	sadd.s32 $0x88, s3;
	s6 =	simm.s32 @!p1 $0x1082;
	[sflag:s4] =	ssyncset.s32 $0xFFFFF086  }
0x25: {  	[simem:s6], [sflag:s4] =	dma.local [hbm:s3], $0xF7A  }
0x26: {  	[smem:$0x3F94] =	sst s1;
	(tag) =	ssettag s2;
	_ =	strace s9  }
0x27: {  	s1 =	sld [smem:$0x3FA4]  }
0x28: {  	s2 =	sld [smem:$0x3FA5]  }
0x29: {  	s4 =	sld [smem:$0x3FA7]  }
0x2a: {  	p0 =	seq.s32 s5, $0x0;
	s5 =	sld [smem:$0x3FA8]  }
0x2b: {  	s6 =	sld [smem:$0x3FA9]  }
0x2c: {  	s7 =	sld [smem:$0x3FAA]  }
0x2d: {  	s3 =	simm.s32 $0x108;
	s8 =	sld [smem:$0x3FAB]  }
0x2e: {  	s3 =	simm.s32 @!p0 $0x1082;
	s9 =	sld [smem:$0x3FAC]  }
0x2f: {  	lr =	sadd.s32 s0, s3;
	s0 =	sld [smem:$0x3FA3]  }
0x30: {  	s3 =	sld [smem:$0x3FA6]  }
0x31: {  	[smem:$0x3FAF] =	sst s10  }
0x32: {  	s10 =	sld [smem:$0x3FAD];
	_ =	sdelay $0x3  }
0x33: {  	p0 =	seq.s32 s10, $0x1;
	s10 =	sld [smem:$0x3FAF];
	_ =	sdelay $0x3  }
0x34: {  	[smem:$0x3FAF] =	sst s10  }
0x35: {  	s10 =	sld [smem:$0x3FAE];
	_ =	sdelay $0x3  }
0x36: {  	p1 =	seq.s32 s10, $0x1;
	s10 =	sld [smem:$0x3FAF];
	_ =	sdelay $0x3  }
0x37: {  	[smem:$0x3FAF] =	sst s10  }
0x38: {  	s10 =	sld [smem:$0x3FB0]  }
0x39: {  	_ = 	snop;
	(pc) =	sbr.ind lr, $3  }
0x3a: {  	_ = 	snop  }
0x3b: {  	_ = 	snop  }
0x3c: {  	p2 =	seq.s32 s10, $0x1;
	s10 =	sld [smem:$0x3FAF]  }
0x3d: {  	_ =	shalt  }
0x3e: {  	_ =	shalt  }
0x3f: {  	_ =	shalt  }
0x40: {  	_ =	shalt  }
0x41: {  	_ =	shalt  }
0x42: {  	_ =	shalt  }
0x43: {  	_ =	shalt  }
0x44: {  	_ =	shalt  }
0x45: {  	_ =	shalt  }
0x46: {  	_ =	shalt  }
0x47: {  	_ =	shalt  }
0x48: {  	_ =	shalt  }
0x49: {  	_ =	shalt  }
0x4a: {  	_ =	shalt  }
0x4b: {  	_ =	shalt  }
0x4c: {  	_ =	shalt  }
0x4d: {  	_ =	shalt  }
0x4e: {  	_ =	shalt  }
0x4f: {  	_ =	shalt  }
0x50: {  	_ =	shalt  }
0x51: {  	_ =	shalt  }
0x52: {  	_ =	shalt  }
0x53: {  	_ =	shalt  }
0x54: {  	_ =	shalt  }
0x55: {  	_ =	shalt  }
0x56: {  	_ =	shalt  }
0x57: {  	_ =	shalt  }
0x58: {  	_ =	shalt  }
0x59: {  	_ =	shalt  }
0x5a: {  	_ =	shalt  }
0x5b: {  	_ =	shalt  }
0x5c: {  	_ =	shalt  }
0x5d: {  	_ =	shalt  }
0x5e: {  	_ =	shalt  }
0x5f: {  	_ =	shalt  }
0x60: {  	_ =	shalt  }
0x61: {  	_ =	shalt  }
0x62: {  	_ =	shalt  }
0x63: {  	_ =	shalt  }
0x64: {  	_ =	shalt  }
0x65: {  	_ =	shalt  }
0x66: {  	_ =	shalt  }
0x67: {  	_ =	shalt  }
0x68: {  	_ =	shalt  }
0x69: {  	_ =	shalt  }
0x6a: {  	_ =	shalt  }
0x6b: {  	_ =	shalt  }
0x6c: {  	_ =	shalt  }
0x6d: {  	_ =	shalt  }
0x6e: {  	_ =	shalt  }
0x6f: {  	_ =	shalt  }
0x70: {  	_ =	shalt  }
0x71: {  	_ =	shalt  }
0x72: {  	_ =	shalt  }
0x73: {  	_ =	shalt  }
0x74: {  	_ =	shalt  }
0x75: {  	_ =	shalt  }
0x76: {  	_ =	shalt  }
0x77: {  	_ =	shalt  }
0x78: {  	_ =	shalt  }
0x79: {  	_ =	shalt  }
0x7a: {  	_ =	shalt  }
0x7b: {  	_ =	shalt  }
0x7c: {  	_ =	shalt  }
0x7d: {  	_ =	shalt  }
0x7e: {  	_ =	shalt  }
0x7f: {  	_ =	shalt  }
0x80: {  	_ =	shalt  }
0x81: {  	_ =	shalt  }
0x82: {  	_ =	shalt  }
0x83: {  	_ =	shalt  }
0x84: {  	_ =	shalt  }
0x85: {  	_ =	shalt  }
0x86: {  	_ =	shalt  }
0x87: {  	_ =	shalt  }
.Lfunc_end0:
.L_simem_size_0:
called_computation_lowered:
.L_overlay_start_0:
0x88: {  	s2 =	sld [smem:$0x3FD9]  }
0x89: {  	s3 =	sld [smem:$0x3FFE];
	_ =	sdelay $0x1  }
0x8a: {  	s1 =	srdreg.scid  }
0x8b: {  	s0 =	sand.u32 $0x1, s1  }
0x8c: {  	s17 =	sshll.u32 s0, $0xA;
	s2 =	sadd.s32 s3, s2  }
0x8d: {  	s2 =	sadd.s32 s2, s17  }
0x8e: {  	[smem:$0x3FBB] =	sst s2  }
0x8f: {  	_ = 	snop  }
0x90: {  	s18 =	sld [smem:$0x3FC9];
	(tm) =	ssettm $0x1  }
0x91: {  	s19 =	sld [smem:$0x3FFB];
	_ =	sdelay $0x3  }
0x92: {  	_ =	strace s19  }
0x93: {  	s2 =	sld [smem:$0x3FFC];
	_ =	sdelay $0x3  }
0x94: {  	_ =	strace s2  }
0x95: {  	s2 =	sld [smem:$0x3FFD];
	_ =	sdelay $0x3  }
0x96: {  	_ =	strace s2  }
0x97: {  	_ =	strace $0x8FFFFFFF  }
0x98: {  	s20 =	sld [smem:$0x3FDB];
	_ =	sdelay $0x1  }
0x99: {  	s4 =	simm.s32 $_scs_section_size  }
0x9a: {  	s5 =	simm.s32 $_size__tile_overlayer_lowered;
	s6 =	simm.s32 $_tile_overlayer_lowered  }
0x9b: {  	s7 =	simm.s32 $0x1BFF;
	s21 =	sshll.u32 s6, $0x1;
	s4 =	sadd.s32 s4, s20  }
0x9c: {  	s22 =	simm.s32 $0x0;
	s5 =	sshll.u32 s5, $0x1;
	s6 =	sadd.s32 s21, s4  }
0x9d: {  	[timem:s22], [sflag:s7] =	dma.local [hbm:s6], s5  }
0x9e: {  	_ =	swait.ge [sflag:s7], s5  }
0x9f: {  	s5 =	ssub.s32 $0x0, s5;
	[sflag:s7] =	ssyncset.done $0x0  }
0xa0: {  	[sflag:s7] =	ssyncadd.s32 s5;
	_ =	sdelay $0x1  }
0xa1: {  	s23 =	simm.s32 $0x1B8B  }
0xa2: {  	_ =	swait.ge [sflag:s23], $0x1  }
0xa3: {  	[sflag:s23] =	ssyncset.done $0x0  }
0xa4: {  	[sflag:s23] =	ssyncadd.s32 $0xFFFFFFFF  }
0xa5: {  	s5 =	sld [smem:$0x0]  }
0xa6: {  	s6 =	sand.u32 $0xFFFFFFFE, s1  }
0xa7: {  	p0 =	sne.s32 s1, s6  }
0xa8: {  	s6 =	sshll.u32 @p0 s6, $0xE  }
0xa9: {  	s6 =	sadd.s32 @p0 $0x11B8D, s6;
	s7 =	sshll.u32 @p0 s5, $0x11  }
0xaa: {  	s6 =	sor.u32 @p0 s7, s6  }
0xab: {  	[sflag:s6] =	ssyncadd.remote.s32 @p0 $0x1;
	_ =	sdelay $0x1  }
0xac: {  	s6 =	simm.s32 @p0 $0x1B8D  }
0xad: {  	_ =	swait.eq @p0 [sflag:s6], $0x1  }
0xae: {  	[sflag:s6] =	ssyncadd.s32 @p0 $0xFFFFFFFF  }
0xaf: {  	s7 =	sshll.u32 @!p0 s1, $0xE  }
0xb0: {  	s7 =	sor.u32 @!p0 $0x4000, s7;
	s6 =	simm.s32 @!p0 $0x1B8D  }
0xb1: {  	s5 =	sshll.u32 @!p0 s5, $0x11;
	s7 =	sadd.s32 @!p0 $0x11B8D, s7;
	_ =	swait.eq @!p0 [sflag:s6], $0x1  }
0xb2: {  	s5 =	sor.u32 @!p0 s5, s7;
	[sflag:s6] =	ssyncadd.s32 @!p0 $0xFFFFFFFF  }
0xb3: {  	s25 =	simm.s32 $0x1B8E;
	s24 =	sld [smem:$0x3FFE];
	[sflag:s5] =	ssyncadd.remote.s32 @!p0 $0x1  }
0xb4: {  	s26 =	simm.s32 $execute0_lowered;
	[smem:$0x3FD2] =	sst s25  }
0xb5: {  	s6 =	sshll.u32 s26, $0x1;
	_ =	strace $0x80000049;
	[dreg:$0x1] =	wrdreg $0xFFFFFFFF  }
0xb6: {  	s28 =	simm.s32 $_size_execute0_lowered;
	s4 =	sadd.s32 s4, s6;
	[dreg:$0x0] =	wrdreg $0x0  }
0xb7: {  	s6 =	sshll.u32 s28, $0x1;
	[dreg:$0x2] =	wrdreg s4  }
0xb8: {  	[dreg:$0x3] =	wrdreg s6  }
0xb9: {  	[dreg:$0x4] =	wrdreg $0xC0  }
0xba: {  	_ =	task [dreg:s22], $0x5FFFF  }
0xbb: {  	[dreg:$0x1] =	wrdreg $0xFFFFFFFF  }
0xbc: {  	[dreg:$0x0] =	wrdreg $0x60  }
0xbd: {  	[dreg:$0x2] =	wrdreg s18  }
0xbe: {  	[dreg:$0x3] =	wrdreg s24  }
0xbf: {  	[dreg:$0x4] =	wrdreg $0x9  }
0xc0: {  	_ =	task.clear_ibuf [dreg:s22], $0x5FFFF;
	_ =	strace $0x90000049  }
0xc1: {  	s29 =	simm.s32 $0x9;
	_ =	strace $0x8000004B  }
0xc2: {  	_ =	swait.ge [sflag:s29], $0x1  }
0xc3: {  	[sflag:s29] =	ssyncadd.s32 $0xFFFFFFFF  }
0xc4: {  	_ =	strace $0x9000004B  }
0xc5: {  	_ =	sfence  }
0xc6: {  	s30 =	sld [smem:$0x0];
	_ =	sdelay $0x2  }
0xc7: {  	s31 =	sshll.u32 s1, $0xD;
	s1 =	sshrl.u32 s1, $0x2  }
0xc8: {  	s4 =	sand.u32 $0x4000, s31;
	s1 =	sadd.s32 s1, s30  }
0xc9: {  	s0 =	sor.u32 s4, s0;
	s1 =	sshll.u32 s1, $0x11  }
0xca: {  	s0 =	sor.u32 s1, s0  }
0xcb: {  	s0 =	sadd.s32 $0x8F2B, s0  }
0xcc: {  	[sflag:s0] =	ssyncadd.remote.s32 $0x1  }
0xcd: {  	_ =	sfence.sel $0xFFFF  }
0xce: {  	[dreg:$0x0] =	wrdreg $0xFFFFFFFF;
	(pc) =	sbr.abs _section_cstart, $3  }
0xcf: {  	[dreg:$0x1] =	wrdreg $0xFFFFFFFF  }
0xd0: {  	_ =	task.clear_ibuf [dreg:s22], $0x2FFFF;
	_ =	strace $0x9FFFFFFF  }
0xd1: {  	(tm) =	ssettm $0x7FFFFFFF  }
tec
execute0_lowered:
.L_overlay_start_1:
0x0: {  	(tag) =	ssettag $0x1  }
0x1: {  	s0 =	srdreg.scid;
	s2 =	rddreg [dreg:$0x0]  }
0x2: {  	s1 =	rddreg [dreg:$0x1];
	s9 =	stileid.u32  }
0x3: {  	s3 =	simm.s32 $0x0;
	s10 =	simm.s32 $0x80;
	s11 =	simm.s32 $0x1400  }
0x4: {  	s12 =	simm.s32 $0x5400;
	s14 =	simm.s32 $0x9400;
	s16 =	simm.s32 $0xD400  }
0x5: {  	s17 =	simm.s32 $0x200;
	s18 =	simm.s32 $0x11400;
	s19 =	simm.s32 $0x15400  }
0x6: {  	s20 =	simm.s32 $0x1;
	s21 =	simm.s32 $0x2;
	s22 =	simm.s32 $0x3  }
0x7: {  	s23 =	simm.s32 $0x4;
	s24 =	simm.s32 $0x7;
	s25 =	simm.s32 $0x8  }
0x8: {  	s28 =	simm.s32 $0xA;
	s29 =	simm.s32 $0xB;
	s0 =	sand.u32 $0x1, s0  }
0x9: {  	s30 =	simm.s32 $0xC;
	s31 =	smul.u32 $0x14000, s9;
	s4 =	sshll.u32 s0, $0x4  }
0xa: {  	s6 =	ssub.s32 $0x2, s0;
	s0 =	smul.u32 $0x140000, s0;
	s5 =	sor.u32 s9, s4  }
0xb: {  	[smem:$0x7FF] =	sst s3;
	s8 =	sshrl.u32 s6, $0x1;
	s4 =	smul.u32 $0x280, s5  }
.Ltmp0:
0xc: {  	_ =	strace $0x8000004A;
	s26 =	ssub.s32 s6, s8;
	(pc) =	sbr.rel .LBB2_1-.Ltmp0, $4  }
0xd: {  	s7 =	sadd.s32 s4, s1;
	s4 =	sadd.s32 $0x296400, s1;
	s1 =	smax.u32 s26, $0x1  }
0xe: {  	s7 =	sadd.s32 $0x291400, s7;
	s0 =	sadd.s32 s0, s4;
	[dreg:$0x4] =	wrdreg s1  }
0xf: {  	s5 =	smul.u32 $0x28, s5;
	[dreg:$0x3] =	wrdreg s7;
	s0 =	sadd.s32 s31, s0  }
0x10: {  	s26 =	simm.s32 $0x9;
	s1 =	simm.s32 $0x0;
	[dreg:$0x5] =	wrdreg s0  }
.LBB2_9:
0x11: {  	_ =	swait.ge [sflag:s24], $0x4000  }
0x12: {  	[sflag:s24] =	ssyncset.done $0x0  }
0x13: {  	[sflag:s24] =	ssyncadd.s32 $0xFFFFC000  }
0x14: {  	_ =	swait.ge [sflag:s25], $0x4000  }
0x15: {  	[sflag:s25] =	ssyncset.done $0x0  }
0x16: {  	[sflag:s25] =	ssyncadd.s32 $0xFFFFC000  }
0x17: {  	_ =	swait.ge [sflag:s26], $0x4000  }
0x18: {  	[sflag:s26] =	ssyncset.done $0x0  }
0x19: {  	[sflag:s26] =	ssyncadd.s32 $0xFFFFC000  }
0x1a: {  	_ =	swait.ge [sflag:s28], $0x4000  }
0x1b: {  	s1 =	rddreg [dreg:$0x6]  }
0x1c: {  	s0 =	rddreg [dreg:$0x4];
	s1 =	sadd.s32 $0x1, s1  }
0x1d: {  	p0 =	sne.s32 s1, s0  }
.Ltmp1:
0x1e: {  	_ = 	snop;
	(pc) =	sbr.rel @!p0 .LBB2_10-.Ltmp1, $3  }
0x1f: {  	_ =	sdelay $0x1  }
0x20: {  	[sflag:s28] =	ssyncset.done $0x0  }
0x21: {  	[sflag:s28] =	ssyncadd.s32 $0xFFFFC000  }
.LBB2_1:
0x22: {  	[dreg:$0x6] =	wrdreg s1  }
.Ltmp2:
0x23: {  	s0 =	rddreg [dreg:$0x3];
	s31 =	simm.s32 $0xD;
	(pc) =	sbr.rel .LBB2_2-.Ltmp2, $4  }
0x24: {  	[tilespmem:s3], [sflag:$0xD] =	stream.linear.gather [hbm4b:s0+s3], $0x1400, $0x38;
	[tilespmem:$0x19400] =	vst v63  }
0x25: {  	_ =	swait.ge [sflag:s31], $0x1400  }
0x26: {  	s6 =	simm.s32 $0x0;
	[sflag:s31] =	ssyncset.done $0x0  }
0x27: {  	s0 =	simm.s32 $0x5;
	s8 =	rddreg [dreg:$0x5];
	[sflag:s31] =	ssyncadd.s32 $0xFFFFEC00  }
.LBB2_5:
0x28: {  	[tilespmem:s11], [sflag:$0x1] =	stream.indirect.gather [hbm4b:s2+s10], $0x80, s3, s10, $0xb8;
	[tilespmem:$0x19400] =	vst v63  }
0x29: {  	_ = 	snop  }
0x2a: {  	[tilespmem:s12], [sflag:$0x2] =	stream.indirect.gather [hbm4b:s2+s10], $0x80, s10, s10, $0xb8;
	[tilespmem:$0x19400] =	vst v63  }
0x2b: {  	s1 =	simm.s32 $0x100  }
0x2c: {  	[tilespmem:s14], [sflag:$0x3] =	stream.indirect.gather [hbm4b:s2+s10], $0x80, s1, s10, $0xb8;
	[tilespmem:$0x19400] =	vst v63  }
0x2d: {  	s15 =	simm.s32 $0x180;
	s7 =	simm.s32 $0x4;
	s31 =	simm.s32 $0x2  }
0x2e: {  	[tilespmem:s16], [sflag:$0x4] =	stream.indirect.gather [hbm4b:s2+s10], $0x80, s15, s10, $0xb8;
	[tilespmem:$0x19400] =	vst v63  }
0x2f: {  	s13 =	simm.s32 $0x1;
	s9 =	simm.s32 $0x3;
	s1 =	simm.s32 $0x5  }
0x30: {  	[tilespmem:s18], [sflag:$0x5] =	stream.indirect.gather [hbm4b:s2+s10], $0x80, s17, s10, $0xb8;
	[tilespmem:$0x19400] =	vst v63  }
.LBB2_7:
0x31: {  	s15 =	sshll.u32 s1, $0x7  }
0x32: {  	p0 =	por $0x0, $0x0;
	s15 =	sand.u32 $0x3FFFFF80, s15  }
0x33: {  	[tilespmem:s19], [sflag:$0x6] =	stream.indirect.gather [hbm4b:s2+s10], $0x80, s15, s10, $0xb8;
	[tilespmem:$0x19400] =	vst v63  }
.LBB2_8:
0x34: {  	_ =	swait.ge [sflag:s20], $0x4000  }
0x35: {  	[sflag:s20] =	ssyncset.done $0x0  }
0x36: {  	s13 =	sadd.s32 s5, s13;
	[sflag:s20] =	ssyncadd.s32 $0xFFFFC000  }
0x37: {  	[hbm4b:s8+s3] =	stream.linear.scatter [tilespmem:s11], [sflag:$0x7], $0x4000, $0x38;
	[tilespmem:$0x19400] =	vst v63  }
0x38: {  	s13 =	sshll.u32 s13, $0xB;
	_ =	swait.ge [sflag:s21], $0x4000  }
0x39: {  	s13 =	sand.u32 $0x1FFFF800, s13;
	[sflag:s21] =	ssyncset.done $0x0  }
0x3a: {  	s31 =	sadd.s32 s5, s31;
	s13 =	sadd.s32 s4, s13;
	[sflag:s21] =	ssyncadd.s32 $0xFFFFC000  }
0x3b: {  	[hbm4b:s13+s3] =	stream.linear.scatter [tilespmem:s12], [sflag:$0x8], $0x4000, $0x38;
	[tilespmem:$0x19400] =	vst v63  }
0x3c: {  	s13 =	sshll.u32 s31, $0xB;
	_ =	swait.ge [sflag:s22], $0x4000  }
0x3d: {  	s13 =	sand.u32 $0x1FFFF000, s13;
	[sflag:s22] =	ssyncset.done $0x0  }
0x3e: {  	s9 =	sadd.s32 s5, s9;
	s13 =	sadd.s32 s4, s13;
	[sflag:s22] =	ssyncadd.s32 $0xFFFFC000  }
0x3f: {  	[hbm4b:s13+s3] =	stream.linear.scatter [tilespmem:s14], [sflag:$0x9], $0x4000, $0x38;
	[tilespmem:$0x19400] =	vst v63  }
0x40: {  	s9 =	sshll.u32 s9, $0xB;
	_ =	swait.ge [sflag:s23], $0x4000  }
0x41: {  	s9 =	sand.u32 $0x1FFFF800, s9;
	[sflag:s23] =	ssyncset.done $0x0  }
0x42: {  	s7 =	sadd.s32 @!p0 s5, s7;
	s9 =	sadd.s32 s4, s9;
	[sflag:s23] =	ssyncadd.s32 $0xFFFFC000  }
0x43: {  	[hbm4b:s9+s3] =	stream.linear.scatter [tilespmem:s16], [sflag:$0xA], $0x4000, $0x38;
	[tilespmem:$0x19400] =	vst v63  }
0x44: {  	s7 =	sshll.u32 @!p0 s7, $0xB;
	s9 =	simm.s32 @!p0 $0x5  }
0x45: {  	s7 =	sand.u32 @!p0 $0x1FFFF000, s7;
	_ =	swait.ge @!p0 [sflag:s9], $0x4000  }
0x46: {  	s7 =	sadd.s32 @!p0 s4, s7;
	[sflag:s9] =	ssyncset.done @!p0 $0x0  }
0x47: {  	s13 =	simm.s32 @!p0 $0x11400;
	[sflag:s9] =	ssyncadd.s32 @!p0 $0xFFFFC000;
	s9 =	simm.s32 @!p0 $0x0  }
0x48: {  	[hbm4b:s7+s9] =	stream.linear.scatter @!p0 [tilespmem:s13], [sflag:$0xB], $0x4000, $0x38;
	[tilespmem:$0x19400] =	vst v63  }
0x49: {  	s1 =	sadd.s32 @!p0 s5, s1;
	s7 =	simm.s32 @!p0 $0x6  }
0x4a: {  	s1 =	sshll.u32 @!p0 s1, $0xB;
	_ =	swait.ge @!p0 [sflag:s7], $0x4000  }
0x4b: {  	s0 =	sadd.s32 $0x6, s0;
	s1 =	sand.u32 @!p0 $0x1FFFF800, s1;
	[sflag:s7] =	ssyncset.done @!p0 $0x0  }
0x4c: {  	s1 =	sadd.s32 @!p0 s4, s1;
	[sflag:s7] =	ssyncadd.s32 @!p0 $0xFFFFC000;
	s7 =	simm.s32 @!p0 $0x15400  }
0x4d: {  	[hbm4b:s1+s9] =	stream.linear.scatter @!p0 [tilespmem:s7], [sflag:$0xC], $0x4000, $0x38;
	[tilespmem:$0x19400] =	vst v63  }
0x4e: {  	p0 =	sne.s32 s0, $0x2F  }
.Ltmp3:
0x4f: {  	_ = 	snop;
	(pc) =	sbr.rel @!p0 .LBB2_9-.Ltmp3, $2  }
0x50: {  	_ =	sdelay $0x2  }
0x51: {  	s6 =	sadd.s32 $0x300, s6;
	s8 =	sadd.s32 $0x3000, s8  }
.LBB2_2:
0x52: {  	p0 =	seq.s32 s0, $0x5  }
.Ltmp4:
0x53: {  	_ = 	snop;
	(pc) =	sbr.rel @p0 .LBB2_5-.Ltmp4, $1  }
0x54: {  	_ =	sdelay $0x3  }
0x55: {  	_ =	swait.ge [sflag:s24], $0x4000  }
0x56: {  	[sflag:s24] =	ssyncset.done $0x0  }
0x57: {  	[sflag:s24] =	ssyncadd.s32 $0xFFFFC000  }
0x58: {  	[tilespmem:s11], [sflag:$0x1] =	stream.indirect.gather [hbm4b:s2+s10], $0x80, s6, s10, $0xb8;
	[tilespmem:$0x19400] =	vst v63  }
0x59: {  	_ =	swait.ge [sflag:s25], $0x4000  }
0x5a: {  	[sflag:s25] =	ssyncset.done $0x0  }
0x5b: {  	s1 =	sadd.s32 $0x80, s6;
	[sflag:s25] =	ssyncadd.s32 $0xFFFFC000  }
0x5c: {  	[tilespmem:s12], [sflag:$0x2] =	stream.indirect.gather [hbm4b:s2+s10], $0x80, s1, s10, $0xb8;
	[tilespmem:$0x19400] =	vst v63  }
0x5d: {  	_ =	swait.ge [sflag:s26], $0x4000  }
0x5e: {  	[sflag:s26] =	ssyncset.done $0x0  }
0x5f: {  	s13 =	sadd.s32 $0x100, s6;
	p0 =	seq.s32 s0, $0x29;
	[sflag:s26] =	ssyncadd.s32 $0xFFFFC000  }
0x60: {  	[tilespmem:s14], [sflag:$0x3] =	stream.indirect.gather [hbm4b:s2+s10], $0x80, s13, s10, $0xb8;
	[tilespmem:$0x19400] =	vst v63  }
.Ltmp5:
0x61: {  	_ = 	snop;
	(pc) =	sbr.rel @!p0 .LBB2_6-.Ltmp5, $4  }
0x62: {  	s15 =	sadd.s32 $0x180, s6;
	_ =	swait.ge [sflag:s28], $0x4000  }
0x63: {  	s31 =	sadd.s32 $0xFFFFFFFD, s0;
	s9 =	sadd.s32 $0xFFFFFFFE, s0;
	[sflag:s28] =	ssyncset.done $0x0  }
0x64: {  	s7 =	sadd.s32 $0xFFFFFFFF, s0;
	s13 =	sadd.s32 $0xFFFFFFFC, s0;
	[sflag:s28] =	ssyncadd.s32 $0xFFFFC000  }
0x65: {  	[tilespmem:s16], [sflag:$0x4] =	stream.indirect.gather [hbm4b:s2+s10], $0x80, s15, s10, $0xb8;
	[tilespmem:$0x19400] =	vst v63  }
.Ltmp6:
0x66: {  	(pc) =	sbr.rel .LBB2_8-.Ltmp6, $2  }
0x67: {  	_ =	sdelay $0x2  }
0x68: {  	p0 =	por $0x1, $0x1;
	s1 =	simm.s32 $0x29  }
.LBB2_6:
0x69: {  	_ =	swait.ge [sflag:s29], $0x4000  }
0x6a: {  	[sflag:s29] =	ssyncset.done $0x0  }
.Ltmp7:
0x6b: {  	s1 =	sadd.s32 $0x200, s6;
	[sflag:s29] =	ssyncadd.s32 $0xFFFFC000;
	(pc) =	sbr.rel .LBB2_7-.Ltmp7, $4  }
0x6c: {  	[tilespmem:s18], [sflag:$0x5] =	stream.indirect.gather [hbm4b:s2+s10], $0x80, s1, s10, $0xb8;
	[tilespmem:$0x19400] =	vst v63  }
0x6d: {  	_ =	swait.ge [sflag:s30], $0x4000  }
0x6e: {  	[sflag:s30] =	ssyncset.done $0x0  }
0x6f: {  	s1 =	smov.u32 s0;
	[sflag:s30] =	ssyncadd.s32 $0xFFFFC000  }
.LBB2_10:
0x70: {  	_ =	sfence.sel $0x180000  }
0x71: {  	[bflag:$0x0] =	sbarrier.arrive $0xFFFF  }
0x72: {  	_ =	strace $0x9000004A  }
0x73: {  	s0 =	stileid.u32;
	[bflag:$0x2] =	sbarrier.arrive $0xFFFF  }
0x74: {  	p0 =	sne.s32 s0, $0x0;
	s0 =	rddreg [dreg:$0x2]  }
0x75: {  	s0 =	sadd.s32 @!p0 $0x100000, s0  }
0x76: {  	[sflag:s0] =	ssyncadd.tile.s32 @!p0 $0x1;
	_ =	shalt  }
.Lfunc_end2:
_tile_overlayer_lowered:
.L_overlay_start_2:
0x77: {  	(tag) =	ssettag $0x2  }
0x78: {  	s0 =	rddreg [dreg:$0x0];
	s2 =	stileid.u32  }
0x79: {  	s1 =	rddreg [dreg:$0x1];
	p0 =	sne.s32 s2, $0x0  }
0x7a: {  	s3 =	rddreg [dreg:$0x2];
	[bflag:$0x3] =	sbarrier.arrive $0xFFFF;
	s2 =	simm.s32 @!p0 $0x1C0D  }
0x7b: {  	[timem:s3], [sflag:s2] =	dma.local @!p0 [hbm:s0], s1  }
0x7c: {  	s0 =	simm.s32 @!p0 $0xD  }
0x7d: {  	_ =	swait.ge @!p0 [sflag:s0], s1  }
0x7e: {  	s1 =	ssub.s32 @!p0 $0x0, s1;
	[sflag:s0] =	ssyncset.done @!p0 $0x0  }
0x7f: {  	[sflag:s0] =	ssyncadd.s32 @!p0 s1  }
0x80: {  	[bflag:$0x3] =	sbarrier.arrive $0xFFFF  }
0x81: {  	_ =	shalt  }

</sc_bundles>
